<compile_context>
chip_gen: v7x
topology: tpu7x:2x2x1
jax: 0.10.2.dev20260603
libtpu: 0.0.44.dev20260713+nightly
codegen_flags: <defaults>
</compile_context>

<pallas_src>
import jax
import jax.numpy as jnp
from jax import lax
from jax.experimental import pallas as pl
from jax.experimental.pallas import tpu as pltpu
from jax.experimental.pallas import tpu_sc as plsc

B = 16384
D = 64
L = 16
NC, NS = 2, 16
NW = NC * NS
BPW = B // NW
SL = 8


def _body(iv_hbm, uv_hbm, it_hbm, ut_hbm, out_hbm,
          iidx_v, uidx_v, it_tiles, ut_tiles, out_v, sem):
    wid = lax.axis_index("s") * NC + lax.axis_index("c")
    base = wid * BPW
    pltpu.sync_copy(iv_hbm.at[pl.ds(base, BPW)], iidx_v)
    pltpu.sync_copy(uv_hbm.at[pl.ds(base, BPW)], uidx_v)

    lane = lax.iota(jnp.int32, L)

    @pl.loop(0, BPW // L)
    def _(g):
        off = pl.multiple_of(g * L, L)
        iv16 = iidx_v[pl.ds(off, L)]
        uv16 = uidx_v[pl.ds(off, L)]
        ibase = (jax.lax.shift_right_logical(iv16, 3)) * SL
        ubase = (jax.lax.shift_right_logical(uv16, 3)) * SL

        copies = []
        for r in range(L):
            ib = pl.multiple_of(ibase[r], SL)
            ub = pl.multiple_of(ubase[r], SL)
            copies.append(pltpu.async_copy(
                it_hbm.at[pl.ds(ib, SL)], it_tiles.at[r], sem))
            copies.append(pltpu.async_copy(
                ut_hbm.at[pl.ds(ub, SL)], ut_tiles.at[r], sem))
        for cp in copies:
            cp.wait()

        isub = jax.lax.bitwise_and(iv16, SL - 1)
        usub = jax.lax.bitwise_and(uv16, SL - 1)
        acc = jnp.zeros((L,), jnp.float32)
        for c in range(D):
            cv = jnp.full((L,), c, jnp.int32)
            a = plsc.load_gather(it_tiles, [lane, isub, cv])
            b = plsc.load_gather(ut_tiles, [lane, usub, cv])
            acc = acc + a * b
        out_v[pl.ds(off, L)] = acc

    pltpu.sync_copy(out_v, out_hbm.at[pl.ds(base, BPW)])


def kernel(item_vec, user_vec, item_table, user_table):
    mesh = plsc.VectorSubcoreMesh(core_axis_name="c", subcore_axis_name="s")
    f = pl.kernel(
        _body,
        out_type=jax.ShapeDtypeStruct((B,), jnp.float32),
        mesh=mesh,
        compiler_params=pltpu.CompilerParams(needs_layout_passes=False),
        scratch_types=[
            pltpu.VMEM((BPW,), jnp.int32),
            pltpu.VMEM((BPW,), jnp.int32),
            pltpu.VMEM((L, SL, D), jnp.float32),
            pltpu.VMEM((L, SL, D), jnp.float32),
            pltpu.VMEM((BPW,), jnp.float32),
            pltpu.SemaphoreType.DMA,
        ],
    )
    return f(item_vec, user_vec, item_table, user_table)

# --- scband reference (transcript-rebuilt; emitter-appended) ---
"""Pipeline reference for scband-mf-3444563771526 (READ-ONLY COPY).

The authoritative reference and input builder live on the scoring server;
editing this copy changes nothing except your own understanding.
"""

import jax, jax.numpy as jnp
import numpy as np

B = 16384
D = 64
N_ITEMS = 1000000
N_USERS = 1000000


def setup_inputs(seed: int = 0) -> dict:
    key = jax.random.key(seed)
    k1, k2, k3, k4 = jax.random.split(key, 4)
    item_vec = jax.random.randint(k1, (B,), 0, N_ITEMS, dtype=jnp.int32)
    user_vec = jax.random.randint(k2, (B,), 0, N_USERS, dtype=jnp.int32)
    item_table = jax.random.normal(k3, (N_ITEMS, D), dtype=jnp.float32)
    user_table = jax.random.normal(k4, (N_USERS, D), dtype=jnp.float32)
    return {"item_vec": item_vec, "user_vec": user_vec, "item_table": item_table, "user_table": user_table}


def reference(item_vec, user_vec, item_table, user_table):
    # item_vec = self.l_b1(item_vec)
    iv = jnp.take(item_table, item_vec, axis=0)
    # user_vec = self.l_a1(user_vec)
    uv = jnp.take(user_table, user_vec, axis=0)
    # (user_vec * item_vec).sum(axis=1)
    return (uv * iv).sum(axis=1)

if __name__ == "__main__":
    import jax
    _d = setup_inputs()
    print(jax.jit(kernel)(*tuple(_d.values())))

</pallas_src>

<mosaic_0001>
#map = affine_map<(d0, d1) -> (0)>
#map1 = affine_map<(d0, d1) -> (0, 0)>
module attributes {stable_mosaic.version = 14 : i64} {
  func.func @_body(%arg0: i32, %arg1: i32, %arg2: memref<16384xi32, #tpu.memory_space<hbm>>, %arg3: memref<16384xi32, #tpu.memory_space<hbm>>, %arg4: memref<1000000x64xf32, #tpu.memory_space<hbm>>, %arg5: memref<1000000x64xf32, #tpu.memory_space<hbm>>, %arg6: memref<16384xf32, #tpu.memory_space<hbm>>, %arg7: memref<512xi32, #tpu.memory_space<vmem>>, %arg8: memref<512xi32, #tpu.memory_space<vmem>>, %arg9: memref<16x8x64xf32, #tpu.memory_space<vmem>>, %arg10: memref<16x8x64xf32, #tpu.memory_space<vmem>>, %arg11: memref<512xf32, #tpu.memory_space<vmem>>, %arg12: memref<!tpu.dma_semaphore, #tpu.memory_space<semaphore_mem>>) attributes {dimension_semantics = [#tpu.dimension_semantics<core_parallel>, #tpu.dimension_semantics<subcore_parallel>], iteration_bounds = array<i64: 2, 16>, scalar_prefetch = 0 : i64, scratch_operands = 6 : i64, tpu.core_type = #tpu.core_type<sc_vector_subcore>, window_params = [{transform_indices = #map}, {transform_indices = #map}, {transform_indices = #map1}, {transform_indices = #map1}, {transform_indices = #map}]} {
    %mul3A = arith.constant 2 : i32
    %mul3A_0 = arith.muli %arg1, %mul3A : i32
    %add3A = arith.addi %mul3A_0, %arg0 : i32
    %mul3A_1 = arith.constant 512 : i32
    %mul3A_2 = arith.muli %add3A, %mul3A_1 : i32
    "tpu.region"() ({
      %run_scoped3A = tpu.sem_alloc : memref<!tpu.dma_semaphore, #tpu.memory_space<semaphore_mem>>
      %dma_start3A = tpu.memref_slice %arg2[%mul3A_2] : memref<16384xi32, #tpu.memory_space<hbm>> -> memref<512xi32, #tpu.memory_space<hbm>>
      %dma_start3A_7 = tpu.memref_slice %arg2[%mul3A_2] : memref<16384xi32, #tpu.memory_space<hbm>> -> memref<512xi32, #tpu.memory_space<hbm>>
      tpu.enqueue_dma source(%dma_start3A_7 : memref<512xi32, #tpu.memory_space<hbm>>) target(%arg7 : memref<512xi32, #tpu.memory_space<vmem>>) target_semaphore(%run_scoped3A : memref<!tpu.dma_semaphore, #tpu.memory_space<semaphore_mem>>)
      %dma_wait3A = tpu.memref_slice %arg2[%mul3A_2] : memref<16384xi32, #tpu.memory_space<hbm>> -> memref<512xi32, #tpu.memory_space<hbm>>
      %dma_wait3A_8 = tpu.memref_slice %arg2[%mul3A_2] : memref<16384xi32, #tpu.memory_space<hbm>> -> memref<512xi32, #tpu.memory_space<hbm>>
      tpu.wait_dma2 semaphore(%run_scoped3A : memref<!tpu.dma_semaphore, #tpu.memory_space<semaphore_mem>>) src(%dma_wait3A_8 : memref<512xi32, #tpu.memory_space<hbm>>) dst(%arg7 : memref<512xi32, #tpu.memory_space<vmem>>)
      tpu.yield
    }) : () -> ()
    "tpu.region"() ({
      %run_scoped3A = tpu.sem_alloc : memref<!tpu.dma_semaphore, #tpu.memory_space<semaphore_mem>>
      %dma_start3A = tpu.memref_slice %arg3[%mul3A_2] : memref<16384xi32, #tpu.memory_space<hbm>> -> memref<512xi32, #tpu.memory_space<hbm>>
      %dma_start3A_7 = tpu.memref_slice %arg3[%mul3A_2] : memref<16384xi32, #tpu.memory_space<hbm>> -> memref<512xi32, #tpu.memory_space<hbm>>
      tpu.enqueue_dma source(%dma_start3A_7 : memref<512xi32, #tpu.memory_space<hbm>>) target(%arg8 : memref<512xi32, #tpu.memory_space<vmem>>) target_semaphore(%run_scoped3A : memref<!tpu.dma_semaphore, #tpu.memory_space<semaphore_mem>>)
      %dma_wait3A = tpu.memref_slice %arg3[%mul3A_2] : memref<16384xi32, #tpu.memory_space<hbm>> -> memref<512xi32, #tpu.memory_space<hbm>>
      %dma_wait3A_8 = tpu.memref_slice %arg3[%mul3A_2] : memref<16384xi32, #tpu.memory_space<hbm>> -> memref<512xi32, #tpu.memory_space<hbm>>
      tpu.wait_dma2 semaphore(%run_scoped3A : memref<!tpu.dma_semaphore, #tpu.memory_space<semaphore_mem>>) src(%dma_wait3A_8 : memref<512xi32, #tpu.memory_space<hbm>>) dst(%arg8 : memref<512xi32, #tpu.memory_space<vmem>>)
      tpu.yield
    }) : () -> ()
    %iota3A = tpu.iota {dimensions = array<i32: 0>} : vector<16xi32>
    %scan3A = arith.constant 0 : i32
    %scan3A_3 = arith.constant 32 : i32
    %scan3A_4 = arith.addi %scan3A, %scan3A_3 : i32
    %scan3A_5 = arith.constant 1 : i32
    scf.for %scan3A_7 = %scan3A to %scan3A_4 step %scan3A_5  : i32 {
      %mul3A_8 = arith.constant 1 : i32
      %mul3A_9 = arith.muli %scan3A_7, %mul3A_8 : i32
      %add3A_10 = arith.constant 0 : i32
      %add3A_11 = arith.addi %add3A_10, %mul3A_9 : i32
      %mul3A_12 = arith.constant 16 : i32
      %mul3A_13 = arith.muli %add3A_11, %mul3A_12 : i32
      %multiple_of3A = tpu.assume_multiple %mul3A_13, 16 : i32
      %get3A = arith.index_cast %multiple_of3A : i32 to index
      %get3A_14 = tpu.vector_load %arg7[%get3A] {strides = array<i32>} : memref<512xi32, #tpu.memory_space<vmem>>, vector<16xi32>,
      %get3A_15 = arith.index_cast %multiple_of3A : i32 to index
      %get3A_16 = tpu.vector_load %arg8[%get3A_15] {strides = array<i32>} : memref<512xi32, #tpu.memory_space<vmem>>, vector<16xi32>,
      %shift_right_logical3A = arith.constant 3 : i32
      %shift_right_logical3A_17 = vector.broadcast %shift_right_logical3A : i32 to vector<16xi32>
      %shift_right_logical3A_18 = arith.shrui %get3A_14, %shift_right_logical3A_17 : vector<16xi32>
      %mul3A_19 = arith.constant 8 : i32
      %mul3A_20 = vector.broadcast %mul3A_19 : i32 to vector<16xi32>
      %mul3A_21 = arith.muli %shift_right_logical3A_18, %mul3A_20 : vector<16xi32>
      %shift_right_logical3A_22 = arith.constant 3 : i32
      %shift_right_logical3A_23 = vector.broadcast %shift_right_logical3A_22 : i32 to vector<16xi32>
      %shift_right_logical3A_24 = arith.shrui %get3A_16, %shift_right_logical3A_23 : vector<16xi32>
      %mul3A_25 = arith.constant 8 : i32
      %mul3A_26 = vector.broadcast %mul3A_25 : i32 to vector<16xi32>
      %mul3A_27 = arith.muli %shift_right_logical3A_24, %mul3A_26 : vector<16xi32>
      %slice3A = vector.extract_strided_slice %mul3A_21 {offsets = [0], sizes = [1], strides = [1]} : vector<16xi32> to vector<1xi32>
      %squeeze3A = vector.extract %slice3A[0] : i32 from vector<1xi32>
      %multiple_of3A_28 = tpu.assume_multiple %squeeze3A, 8 : i32
      %slice3A_29 = vector.extract_strided_slice %mul3A_27 {offsets = [0], sizes = [1], strides = [1]} : vector<16xi32> to vector<1xi32>
      %squeeze3A_30 = vector.extract %slice3A_29[0] : i32 from vector<1xi32>
      %multiple_of3A_31 = tpu.assume_multiple %squeeze3A_30, 8 : i32
      %dma_start3A = arith.constant 0 : i32
      %dma_start3A_32 = arith.constant 0 : i32
      %dma_start3A_33 = arith.constant 0 : i32
      %dma_start3A_34 = tpu.memref_slice %arg9[%dma_start3A, %dma_start3A_32, %dma_start3A_33] : memref<16x8x64xf32, #tpu.memory_space<vmem>> -> memref<1x8x64xf32, #tpu.memory_space<vmem>>
      %dma_start3A_35 = tpu.memref_squeeze %dma_start3A_34 : memref<1x8x64xf32, #tpu.memory_space<vmem>> -> memref<8x64xf32, #tpu.memory_space<vmem>>
      %dma_start3A_36 = arith.constant 0 : i32
      %dma_start3A_37 = tpu.memref_slice %arg4[%multiple_of3A_28, %dma_start3A_36] : memref<1000000x64xf32, #tpu.memory_space<hbm>> -> memref<8x64xf32, #tpu.memory_space<hbm>>
      %dma_start3A_38 = arith.constant 0 : i32
      %dma_start3A_39 = arith.constant 0 : i32
      %dma_start3A_40 = tpu.memref_slice %arg9[%dma_start3A, %dma_start3A_38, %dma_start3A_39] : memref<16x8x64xf32, #tpu.memory_space<vmem>> -> memref<1x8x64xf32, #tpu.memory_space<vmem>>
      %dma_start3A_41 = tpu.memref_squeeze %dma_start3A_40 : memref<1x8x64xf32, #tpu.memory_space<vmem>> -> memref<8x64xf32, #tpu.memory_space<vmem>>
      %dma_start3A_42 = arith.constant 0 : i32
      %dma_start3A_43 = tpu.memref_slice %arg4[%multiple_of3A_28, %dma_start3A_42] : memref<1000000x64xf32, #tpu.memory_space<hbm>> -> memref<8x64xf32, #tpu.memory_space<hbm>>
      tpu.enqueue_dma source(%dma_start3A_43 : memref<8x64xf32, #tpu.memory_space<hbm>>) target(%dma_start3A_41 : memref<8x64xf32, #tpu.memory_space<vmem>>) target_semaphore(%arg12 : memref<!tpu.dma_semaphore, #tpu.memory_space<semaphore_mem>>)
      %dma_start3A_44 = arith.constant 0 : i32
      %dma_start3A_45 = arith.constant 0 : i32
      %dma_start3A_46 = arith.constant 0 : i32
      %dma_start3A_47 = tpu.memref_slice %arg10[%dma_start3A_44, %dma_start3A_45, %dma_start3A_46] : memref<16x8x64xf32, #tpu.memory_space<vmem>> -> memref<1x8x64xf32, #tpu.memory_space<vmem>>
      %dma_start3A_48 = tpu.memref_squeeze %dma_start3A_47 : memref<1x8x64xf32, #tpu.memory_space<vmem>> -> memref<8x64xf32, #tpu.memory_space<vmem>>
      %dma_start3A_49 = arith.constant 0 : i32
      %dma_start3A_50 = tpu.memref_slice %arg5[%multiple_of3A_31, %dma_start3A_49] : memref<1000000x64xf32, #tpu.memory_space<hbm>> -> memref<8x64xf32, #tpu.memory_space<hbm>>
      %dma_start3A_51 = arith.constant 0 : i32
      %dma_start3A_52 = arith.constant 0 : i32
      %dma_start3A_53 = tpu.memref_slice %arg10[%dma_start3A_44, %dma_start3A_51, %dma_start3A_52] : memref<16x8x64xf32, #tpu.memory_space<vmem>> -> memref<1x8x64xf32, #tpu.memory_space<vmem>>
      %dma_start3A_54 = tpu.memref_squeeze %dma_start3A_53 : memref<1x8x64xf32, #tpu.memory_space<vmem>> -> memref<8x64xf32, #tpu.memory_space<vmem>>
      %dma_start3A_55 = arith.constant 0 : i32
      %dma_start3A_56 = tpu.memref_slice %arg5[%multiple_of3A_31, %dma_start3A_55] : memref<1000000x64xf32, #tpu.memory_space<hbm>> -> memref<8x64xf32, #tpu.memory_space<hbm>>
      tpu.enqueue_dma source(%dma_start3A_56 : memref<8x64xf32, #tpu.memory_space<hbm>>) target(%dma_start3A_54 : memref<8x64xf32, #tpu.memory_space<vmem>>) target_semaphore(%arg12 : memref<!tpu.dma_semaphore, #tpu.memory_space<semaphore_mem>>)
      %slice3A_57 = vector.extract_strided_slice %mul3A_21 {offsets = [1], sizes = [1], strides = [1]} : vector<16xi32> to vector<1xi32>
      %squeeze3A_58 = vector.extract %slice3A_57[0] : i32 from vector<1xi32>
      %multiple_of3A_59 = tpu.assume_multiple %squeeze3A_58, 8 : i32
      %slice3A_60 = vector.extract_strided_slice %mul3A_27 {offsets = [1], sizes = [1], strides = [1]} : vector<16xi32> to vector<1xi32>
      %squeeze3A_61 = vector.extract %slice3A_60[0] : i32 from vector<1xi32>
      %multiple_of3A_62 = tpu.assume_multiple %squeeze3A_61, 8 : i32
      %dma_start3A_63 = arith.constant 1 : i32
      %dma_start3A_64 = arith.constant 0 : i32
      %dma_start3A_65 = arith.constant 0 : i32
      %dma_start3A_66 = tpu.memref_slice %arg9[%dma_start3A_63, %dma_start3A_64, %dma_start3A_65] : memref<16x8x64xf32, #tpu.memory_space<vmem>> -> memref<1x8x64xf32, #tpu.memory_space<vmem>>
      %dma_start3A_67 = tpu.memref_squeeze %dma_start3A_66 : memref<1x8x64xf32, #tpu.memory_space<vmem>> -> memref<8x64xf32, #tpu.memory_space<vmem>>
      %dma_start3A_68 = arith.constant 0 : i32
      %dma_start3A_69 = tpu.memref_slice %arg4[%multiple_of3A_59, %dma_start3A_68] : memref<1000000x64xf32, #tpu.memory_space<hbm>> -> memref<8x64xf32, #tpu.memory_space<hbm>>
      %dma_start3A_70 = arith.constant 0 : i32
      %dma_start3A_71 = arith.constant 0 : i32
      %dma_start3A_72 = tpu.memref_slice %arg9[%dma_start3A_63, %dma_start3A_70, %dma_start3A_71] : memref<16x8x64xf32, #tpu.memory_space<vmem>> -> memref<1x8x64xf32, #tpu.memory_space<vmem>>
      %dma_start3A_73 = tpu.memref_squeeze %dma_start3A_72 : memref<1x8x64xf32, #tpu.memory_space<vmem>> -> memref<8x64xf32, #tpu.memory_space<vmem>>
      %dma_start3A_74 = arith.constant 0 : i32
      %dma_start3A_75 = tpu.memref_slice %arg4[%multiple_of3A_59, %dma_start3A_74] : memref<1000000x64xf32, #tpu.memory_space<hbm>> -> memref<8x64xf32, #tpu.memory_space<hbm>>
      tpu.enqueue_dma source(%dma_start3A_75 : memref<8x64xf32, #tpu.memory_space<hbm>>) target(%dma_start3A_73 : memref<8x64xf32, #tpu.memory_space<vmem>>) target_semaphore(%arg12 : memref<!tpu.dma_semaphore, #tpu.memory_space<semaphore_mem>>)
      %dma_start3A_76 = arith.constant 1 : i32
      %dma_start3A_77 = arith.constant 0 : i32
      %dma_start3A_78 = arith.constant 0 : i32
      %dma_start3A_79 = tpu.memref_slice %arg10[%dma_start3A_76, %dma_start3A_77, %dma_start3A_78] : memref<16x8x64xf32, #tpu.memory_space<vmem>> -> memref<1x8x64xf32, #tpu.memory_space<vmem>>
      %dma_start3A_80 = tpu.memref_squeeze %dma_start3A_79 : memref<1x8x64xf32, #tpu.memory_space<vmem>> -> memref<8x64xf32, #tpu.memory_space<vmem>>
      %dma_start3A_81 = arith.constant 0 : i32
      %dma_start3A_82 = tpu.memref_slice %arg5[%multiple_of3A_62, %dma_start3A_81] : memref<1000000x64xf32, #tpu.memory_space<hbm>> -> memref<8x64xf32, #tpu.memory_space<hbm>>
      %dma_start3A_83 = arith.constant 0 : i32
      %dma_start3A_84 = arith.constant 0 : i32
      %dma_start3A_85 = tpu.memref_slice %arg10[%dma_start3A_76, %dma_start3A_83, %dma_start3A_84] : memref<16x8x64xf32, #tpu.memory_space<vmem>> -> memref<1x8x64xf32, #tpu.memory_space<vmem>>
      %dma_start3A_86 = tpu.memref_squeeze %dma_start3A_85 : memref<1x8x64xf32, #tpu.memory_space<vmem>> -> memref<8x64xf32, #tpu.memory_space<vmem>>
      %dma_start3A_87 = arith.constant 0 : i32
      %dma_start3A_88 = tpu.memref_slice %arg5[%multiple_of3A_62, %dma_start3A_87] : memref<1000000x64xf32, #tpu.memory_space<hbm>> -> memref<8x64xf32, #tpu.memory_space<hbm>>
      tpu.enqueue_dma source(%dma_start3A_88 : memref<8x64xf32, #tpu.memory_space<hbm>>) target(%dma_start3A_86 : memref<8x64xf32, #tpu.memory_space<vmem>>) target_semaphore(%arg12 : memref<!tpu.dma_semaphore, #tpu.memory_space<semaphore_mem>>)
      %slice3A_89 = vector.extract_strided_slice %mul3A_21 {offsets = [2], sizes = [1], strides = [1]} : vector<16xi32> to vector<1xi32>
      %squeeze3A_90 = vector.extract %slice3A_89[0] : i32 from vector<1xi32>
      %multiple_of3A_91 = tpu.assume_multiple %squeeze3A_90, 8 : i32
      %slice3A_92 = vector.extract_strided_slice %mul3A_27 {offsets = [2], sizes = [1], strides = [1]} : vector<16xi32> to vector<1xi32>
      %squeeze3A_93 = vector.extract %slice3A_92[0] : i32 from vector<1xi32>
      %multiple_of3A_94 = tpu.assume_multiple %squeeze3A_93, 8 : i32
      %dma_start3A_95 = arith.constant 2 : i32
      %dma_start3A_96 = arith.constant 0 : i32
      %dma_start3A_97 = arith.constant 0 : i32
      %dma_start3A_98 = tpu.memref_slice %arg9[%dma_start3A_95, %dma_start3A_96, %dma_start3A_97] : memref<16x8x64xf32, #tpu.memory_space<vmem>> -> memref<1x8x64xf32, #tpu.memory_space<vmem>>
      %dma_start3A_99 = tpu.memref_squeeze %dma_start3A_98 : memref<1x8x64xf32, #tpu.memory_space<vmem>> -> memref<8x64xf32, #tpu.memory_space<vmem>>
      %dma_start3A_100 = arith.constant 0 : i32
      %dma_start3A_101 = tpu.memref_slice %arg4[%multiple_of3A_91, %dma_start3A_100] : memref<1000000x64xf32, #tpu.memory_space<hbm>> -> memref<8x64xf32, #tpu.memory_space<hbm>>
      %dma_start3A_102 = arith.constant 0 : i32
      %dma_start3A_103 = arith.constant 0 : i32
      %dma_start3A_104 = tpu.memref_slice %arg9[%dma_start3A_95, %dma_start3A_102, %dma_start3A_103] : memref<16x8x64xf32, #tpu.memory_space<vmem>> -> memref<1x8x64xf32, #tpu.memory_space<vmem>>
      %dma_start3A_105 = tpu.memref_squeeze %dma_start3A_104 : memref<1x8x64xf32, #tpu.memory_space<vmem>> -> memref<8x64xf32, #tpu.memory_space<vmem>>
      %dma_start3A_106 = arith.constant 0 : i32
      %dma_start3A_107 = tpu.memref_slice %arg4[%multiple_of3A_91, %dma_start3A_106] : memref<1000000x64xf32, #tpu.memory_space<hbm>> -> memref<8x64xf32, #tpu.memory_space<hbm>>
      tpu.enqueue_dma source(%dma_start3A_107 : memref<8x64xf32, #tpu.memory_space<hbm>>) target(%dma_start3A_105 : memref<8x64xf32, #tpu.memory_space<vmem>>) target_semaphore(%arg12 : memref<!tpu.dma_semaphore, #tpu.memory_space<semaphore_mem>>)
      %dma_start3A_108 = arith.constant 2 : i32
      %dma_start3A_109 = arith.constant 0 : i32
      %dma_start3A_110 = arith.constant 0 : i32
      %dma_start3A_111 = tpu.memref_slice %arg10[%dma_start3A_108, %dma_start3A_109, %dma_start3A_110] : memref<16x8x64xf32, #tpu.memory_space<vmem>> -> memref<1x8x64xf32, #tpu.memory_space<vmem>>
      %dma_start3A_112 = tpu.memref_squeeze %dma_start3A_111 : memref<1x8x64xf32, #tpu.memory_space<vmem>> -> memref<8x64xf32, #tpu.memory_space<vmem>>
      %dma_start3A_113 = arith.constant 0 : i32
      %dma_start3A_114 = tpu.memref_slice %arg5[%multiple_of3A_94, %dma_start3A_113] : memref<1000000x64xf32, #tpu.memory_space<hbm>> -> memref<8x64xf32, #tpu.memory_space<hbm>>
      %dma_start3A_115 = arith.constant 0 : i32
      %dma_start3A_116 = arith.constant 0 : i32
      %dma_start3A_117 = tpu.memref_slice %arg10[%dma_start3A_108, %dma_start3A_115, %dma_start3A_116] : memref<16x8x64xf32, #tpu.memory_space<vmem>> -> memref<1x8x64xf32, #tpu.memory_space<vmem>>
      %dma_start3A_118 = tpu.memref_squeeze %dma_start3A_117 : memref<1x8x64xf32, #tpu.memory_space<vmem>> -> memref<8x64xf32, #tpu.memory_space<vmem>>
      %dma_start3A_119 = arith.constant 0 : i32
      %dma_start3A_120 = tpu.memref_slice %arg5[%multiple_of3A_94, %dma_start3A_119] : memref<1000000x64xf32, #tpu.memory_space<hbm>> -> memref<8x64xf32, #tpu.memory_space<hbm>>
      tpu.enqueue_dma source(%dma_start3A_120 : memref<8x64xf32, #tpu.memory_space<hbm>>) target(%dma_start3A_118 : memref<8x64xf32, #tpu.memory_space<vmem>>) target_semaphore(%arg12 : memref<!tpu.dma_semaphore, #tpu.memory_space<semaphore_mem>>)
      %slice3A_121 = vector.extract_strided_slice %mul3A_21 {offsets = [3], sizes = [1], strides = [1]} : vector<16xi32> to vector<1xi32>
      %squeeze3A_122 = vector.extract %slice3A_121[0] : i32 from vector<1xi32>
      %multiple_of3A_123 = tpu.assume_multiple %squeeze3A_122, 8 : i32
      %slice3A_124 = vector.extract_strided_slice %mul3A_27 {offsets = [3], sizes = [1], strides = [1]} : vector<16xi32> to vector<1xi32>
      %squeeze3A_125 = vector.extract %slice3A_124[0] : i32 from vector<1xi32>
      %multiple_of3A_126 = tpu.assume_multiple %squeeze3A_125, 8 : i32
      %dma_start3A_127 = arith.constant 3 : i32
      %dma_start3A_128 = arith.constant 0 : i32
      %dma_start3A_129 = arith.constant 0 : i32
      %dma_start3A_130 = tpu.memref_slice %arg9[%dma_start3A_127, %dma_start3A_128, %dma_start3A_129] : memref<16x8x64xf32, #tpu.memory_space<vmem>> -> memref<1x8x64xf32, #tpu.memory_space<vmem>>
      %dma_start3A_131 = tpu.memref_squeeze %dma_start3A_130 : memref<1x8x64xf32, #tpu.memory_space<vmem>> -> memref<8x64xf32, #tpu.memory_space<vmem>>
      %dma_start3A_132 = arith.constant 0 : i32
      %dma_start3A_133 = tpu.memref_slice %arg4[%multiple_of3A_123, %dma_start3A_132] : memref<1000000x64xf32, #tpu.memory_space<hbm>> -> memref<8x64xf32, #tpu.memory_space<hbm>>
      %dma_start3A_134 = arith.constant 0 : i32
      %dma_start3A_135 = arith.constant 0 : i32
      %dma_start3A_136 = tpu.memref_slice %arg9[%dma_start3A_127, %dma_start3A_134, %dma_start3A_135] : memref<16x8x64xf32, #tpu.memory_space<vmem>> -> memref<1x8x64xf32, #tpu.memory_space<vmem>>
      %dma_start3A_137 = tpu.memref_squeeze %dma_start3A_136 : memref<1x8x64xf32, #tpu.memory_space<vmem>> -> memref<8x64xf32, #tpu.memory_space<vmem>>
      %dma_start3A_138 = arith.constant 0 : i32
      %dma_start3A_139 = tpu.memref_slice %arg4[%multiple_of3A_123, %dma_start3A_138] : memref<1000000x64xf32, #tpu.memory_space<hbm>> -> memref<8x64xf32, #tpu.memory_space<hbm>>
      tpu.enqueue_dma source(%dma_start3A_139 : memref<8x64xf32, #tpu.memory_space<hbm>>) target(%dma_start3A_137 : memref<8x64xf32, #tpu.memory_space<vmem>>) target_semaphore(%arg12 : memref<!tpu.dma_semaphore, #tpu.memory_space<semaphore_mem>>)
      %dma_start3A_140 = arith.constant 3 : i32
      %dma_start3A_141 = arith.constant 0 : i32
      %dma_start3A_142 = arith.constant 0 : i32
      %dma_start3A_143 = tpu.memref_slice %arg10[%dma_start3A_140, %dma_start3A_141, %dma_start3A_142] : memref<16x8x64xf32, #tpu.memory_space<vmem>> -> memref<1x8x64xf32, #tpu.memory_space<vmem>>
      %dma_start3A_144 = tpu.memref_squeeze %dma_start3A_143 : memref<1x8x64xf32, #tpu.memory_space<vmem>> -> memref<8x64xf32, #tpu.memory_space<vmem>>
      %dma_start3A_145 = arith.constant 0 : i32
      %dma_start3A_146 = tpu.memref_slice %arg5[%multiple_of3A_126, %dma_start3A_145] : memref<1000000x64xf32, #tpu.memory_space<hbm>> -> memref<8x64xf32, #tpu.memory_space<hbm>>
      %dma_start3A_147 = arith.constant 0 : i32
      %dma_start3A_148 = arith.constant 0 : i32
      %dma_start3A_149 = tpu.memref_slice %arg10[%dma_start3A_140, %dma_start3A_147, %dma_start3A_148] : memref<16x8x64xf32, #tpu.memory_space<vmem>> -> memref<1x8x64xf32, #tpu.memory_space<vmem>>
      %dma_start3A_150 = tpu.memref_squeeze %dma_start3A_149 : memref<1x8x64xf32, #tpu.memory_space<vmem>> -> memref<8x64xf32, #tpu.memory_space<vmem>>
      %dma_start3A_151 = arith.constant 0 : i32
      %dma_start3A_152 = tpu.memref_slice %arg5[%multiple_of3A_126, %dma_start3A_151] : memref<1000000x64xf32, #tpu.memory_space<hbm>> -> memref<8x64xf32, #tpu.memory_space<hbm>>
      tpu.enqueue_dma source(%dma_start3A_152 : memref<8x64xf32, #tpu.memory_space<hbm>>) target(%dma_start3A_150 : memref<8x64xf32, #tpu.memory_space<vmem>>) target_semaphore(%arg12 : memref<!tpu.dma_semaphore, #tpu.memory_space<semaphore_mem>>)
      %slice3A_153 = vector.extract_strided_slice %mul3A_21 {offsets = [4], sizes = [1], strides = [1]} : vector<16xi32> to vector<1xi32>
      %squeeze3A_154 = vector.extract %slice3A_153[0] : i32 from vector<1xi32>
      %multiple_of3A_155 = tpu.assume_multiple %squeeze3A_154, 8 : i32
      %slice3A_156 = vector.extract_strided_slice %mul3A_27 {offsets = [4], sizes = [1], strides = [1]} : vector<16xi32> to vector<1xi32>
      %squeeze3A_157 = vector.extract %slice3A_156[0] : i32 from vector<1xi32>
      %multiple_of3A_158 = tpu.assume_multiple %squeeze3A_157, 8 : i32
      %dma_start3A_159 = arith.constant 4 : i32
      %dma_start3A_160 = arith.constant 0 : i32
      %dma_start3A_161 = arith.constant 0 : i32
      %dma_start3A_162 = tpu.memref_slice %arg9[%dma_start3A_159, %dma_start3A_160, %dma_start3A_161] : memref<16x8x64xf32, #tpu.memory_space<vmem>> -> memref<1x8x64xf32, #tpu.memory_space<vmem>>
      %dma_start3A_163 = tpu.memref_squeeze %dma_start3A_162 : memref<1x8x64xf32, #tpu.memory_space<vmem>> -> memref<8x64xf32, #tpu.memory_space<vmem>>
      %dma_start3A_164 = arith.constant 0 : i32
      %dma_start3A_165 = tpu.memref_slice %arg4[%multiple_of3A_155, %dma_start3A_164] : memref<1000000x64xf32, #tpu.memory_space<hbm>> -> memref<8x64xf32, #tpu.memory_space<hbm>>
      %dma_start3A_166 = arith.constant 0 : i32
      %dma_start3A_167 = arith.constant 0 : i32
      %dma_start3A_168 = tpu.memref_slice %arg9[%dma_start3A_159, %dma_start3A_166, %dma_start3A_167] : memref<16x8x64xf32, #tpu.memory_space<vmem>> -> memref<1x8x64xf32, #tpu.memory_space<vmem>>
      %dma_start3A_169 = tpu.memref_squeeze %dma_start3A_168 : memref<1x8x64xf32, #tpu.memory_space<vmem>> -> memref<8x64xf32, #tpu.memory_space<vmem>>
      %dma_start3A_170 = arith.constant 0 : i32
      %dma_start3A_171 = tpu.memref_slice %arg4[%multiple_of3A_155, %dma_start3A_170] : memref<1000000x64xf32, #tpu.memory_space<hbm>> -> memref<8x64xf32, #tpu.memory_space<hbm>>
      tpu.enqueue_dma source(%dma_start3A_171 : memref<8x64xf32, #tpu.memory_space<hbm>>) target(%dma_start3A_169 : memref<8x64xf32, #tpu.memory_space<vmem>>) target_semaphore(%arg12 : memref<!tpu.dma_semaphore, #tpu.memory_space<semaphore_mem>>)
      %dma_start3A_172 = arith.constant 4 : i32
      %dma_start3A_173 = arith.constant 0 : i32
      %dma_start3A_174 = arith.constant 0 : i32
      %dma_start3A_175 = tpu.memref_slice %arg10[%dma_start3A_172, %dma_start3A_173, %dma_start3A_174] : memref<16x8x64xf32, #tpu.memory_space<vmem>> -> memref<1x8x64xf32, #tpu.memory_space<vmem>>
      %dma_start3A_176 = tpu.memref_squeeze %dma_start3A_175 : memref<1x8x64xf32, #tpu.memory_space<vmem>> -> memref<8x64xf32, #tpu.memory_space<vmem>>
      %dma_start3A_177 = arith.constant 0 : i32
      %dma_start3A_178 = tpu.memref_slice %arg5[%multiple_of3A_158, %dma_start3A_177] : memref<1000000x64xf32, #tpu.memory_space<hbm>> -> memref<8x64xf32, #tpu.memory_space<hbm>>
      %dma_start3A_179 = arith.constant 0 : i32
      %dma_start3A_180 = arith.constant 0 : i32
      %dma_start3A_181 = tpu.memref_slice %arg10[%dma_start3A_172, %dma_start3A_179, %dma_start3A_180] : memref<16x8x64xf32, #tpu.memory_space<vmem>> -> memref<1x8x64xf32, #tpu.memory_space<vmem>>
      %dma_start3A_182 = tpu.memref_squeeze %dma_start3A_181 : memref<1x8x64xf32, #tpu.memory_space<vmem>> -> memref<8x64xf32, #tpu.memory_space<vmem>>
      %dma_start3A_183 = arith.constant 0 : i32
      %dma_start3A_184 = tpu.memref_slice %arg5[%multiple_of3A_158, %dma_start3A_183] : memref<1000000x64xf32, #tpu.memory_space<hbm>> -> memref<8x64xf32, #tpu.memory_space<hbm>>
      tpu.enqueue_dma source(%dma_start3A_184 : memref<8x64xf32, #tpu.memory_space<hbm>>) target(%dma_start3A_182 : memref<8x64xf32, #tpu.memory_space<vmem>>) target_semaphore(%arg12 : memref<!tpu.dma_semaphore, #tpu.memory_space<semaphore_mem>>)
      %slice3A_185 = vector.extract_strided_slice %mul3A_21 {offsets = [5], sizes = [1], strides = [1]} : vector<16xi32> to vector<1xi32>
      %squeeze3A_186 = vector.extract %slice3A_185[0] : i32 from vector<1xi32>
      %multiple_of3A_187 = tpu.assume_multiple %squeeze3A_186, 8 : i32
      %slice3A_188 = vector.extract_strided_slice %mul3A_27 {offsets = [5], sizes = [1], strides = [1]} : vector<16xi32> to vector<1xi32>
      %squeeze3A_189 = vector.extract %slice3A_188[0] : i32 from vector<1xi32>
      %multiple_of3A_190 = tpu.assume_multiple %squeeze3A_189, 8 : i32
      %dma_start3A_191 = arith.constant 5 : i32
      %dma_start3A_192 = arith.constant 0 : i32
      %dma_start3A_193 = arith.constant 0 : i32
      %dma_start3A_194 = tpu.memref_slice %arg9[%dma_start3A_191, %dma_start3A_192, %dma_start3A_193] : memref<16x8x64xf32, #tpu.memory_space<vmem>> -> memref<1x8x64xf32, #tpu.memory_space<vmem>>
      %dma_start3A_195 = tpu.memref_squeeze %dma_start3A_194 : memref<1x8x64xf32, #tpu.memory_space<vmem>> -> memref<8x64xf32, #tpu.memory_space<vmem>>
      %dma_start3A_196 = arith.constant 0 : i32
      %dma_start3A_197 = tpu.memref_slice %arg4[%multiple_of3A_187, %dma_start3A_196] : memref<1000000x64xf32, #tpu.memory_space<hbm>> -> memref<8x64xf32, #tpu.memory_space<hbm>>
      %dma_start3A_198 = arith.constant 0 : i32
      %dma_start3A_199 = arith.constant 0 : i32
      %dma_start3A_200 = tpu.memref_slice %arg9[%dma_start3A_191, %dma_start3A_198, %dma_start3A_199] : memref<16x8x64xf32, #tpu.memory_space<vmem>> -> memref<1x8x64xf32, #tpu.memory_space<vmem>>
      %dma_start3A_201 = tpu.memref_squeeze %dma_start3A_200 : memref<1x8x64xf32, #tpu.memory_space<vmem>> -> memref<8x64xf32, #tpu.memory_space<vmem>>
      %dma_start3A_202 = arith.constant 0 : i32
      %dma_start3A_203 = tpu.memref_slice %arg4[%multiple_of3A_187, %dma_start3A_202] : memref<1000000x64xf32, #tpu.memory_space<hbm>> -> memref<8x64xf32, #tpu.memory_space<hbm>>
      tpu.enqueue_dma source(%dma_start3A_203 : memref<8x64xf32, #tpu.memory_space<hbm>>) target(%dma_start3A_201 : memref<8x64xf32, #tpu.memory_space<vmem>>) target_semaphore(%arg12 : memref<!tpu.dma_semaphore, #tpu.memory_space<semaphore_mem>>)
      %dma_start3A_204 = arith.constant 5 : i32
      %dma_start3A_205 = arith.constant 0 : i32
      %dma_start3A_206 = arith.constant 0 : i32
      %dma_start3A_207 = tpu.memref_slice %arg10[%dma_start3A_204, %dma_start3A_205, %dma_start3A_206] : memref<16x8x64xf32, #tpu.memory_space<vmem>> -> memref<1x8x64xf32, #tpu.memory_space<vmem>>
      %dma_start3A_208 = tpu.memref_squeeze %dma_start3A_207 : memref<1x8x64xf32, #tpu.memory_space<vmem>> -> memref<8x64xf32, #tpu.memory_space<vmem>>
      %dma_start3A_209 = arith.constant 0 : i32
      %dma_start3A_210 = tpu.memref_slice %arg5[%multiple_of3A_190, %dma_start3A_209] : memref<1000000x64xf32, #tpu.memory_space<hbm>> -> memref<8x64xf32, #tpu.memory_space<hbm>>
      %dma_start3A_211 = arith.constant 0 : i32
      %dma_start3A_212 = arith.constant 0 : i32
      %dma_start3A_213 = tpu.memref_slice %arg10[%dma_start3A_204, %dma_start3A_211, %dma_start3A_212] : memref<16x8x64xf32, #tpu.memory_space<vmem>> -> memref<1x8x64xf32, #tpu.memory_space<vmem>>
      %dma_start3A_214 = tpu.memref_squeeze %dma_start3A_213 : memref<1x8x64xf32, #tpu.memory_space<vmem>> -> memref<8x64xf32, #tpu.memory_space<vmem>>
      %dma_start3A_215 = arith.constant 0 : i32
      %dma_start3A_216 = tpu.memref_slice %arg5[%multiple_of3A_190, %dma_start3A_215] : memref<1000000x64xf32, #tpu.memory_space<hbm>> -> memref<8x64xf32, #tpu.memory_space<hbm>>
      tpu.enqueue_dma source(%dma_start3A_216 : memref<8x64xf32, #tpu.memory_space<hbm>>) target(%dma_start3A_214 : memref<8x64xf32, #tpu.memory_space<vmem>>) target_semaphore(%arg12 : memref<!tpu.dma_semaphore, #tpu.memory_space<semaphore_mem>>)
      %slice3A_217 = vector.extract_strided_slice %mul3A_21 {offsets = [6], sizes = [1], strides = [1]} : vector<16xi32> to vector<1xi32>
      %squeeze3A_218 = vector.extract %slice3A_217[0] : i32 from vector<1xi32>
      %multiple_of3A_219 = tpu.assume_multiple %squeeze3A_218, 8 : i32
      %slice3A_220 = vector.extract_strided_slice %mul3A_27 {offsets = [6], sizes = [1], strides = [1]} : vector<16xi32> to vector<1xi32>
      %squeeze3A_221 = vector.extract %slice3A_220[0] : i32 from vector<1xi32>
      %multiple_of3A_222 = tpu.assume_multiple %squeeze3A_221, 8 : i32
      %dma_start3A_223 = arith.constant 6 : i32
      %dma_start3A_224 = arith.constant 0 : i32
      %dma_start3A_225 = arith.constant 0 : i32
      %dma_start3A_226 = tpu.memref_slice %arg9[%dma_start3A_223, %dma_start3A_224, %dma_start3A_225] : memref<16x8x64xf32, #tpu.memory_space<vmem>> -> memref<1x8x64xf32, #tpu.memory_space<vmem>>
      %dma_start3A_227 = tpu.memref_squeeze %dma_start3A_226 : memref<1x8x64xf32, #tpu.memory_space<vmem>> -> memref<8x64xf32, #tpu.memory_space<vmem>>
      %dma_start3A_228 = arith.constant 0 : i32
      %dma_start3A_229 = tpu.memref_slice %arg4[%multiple_of3A_219, %dma_start3A_228] : memref<1000000x64xf32, #tpu.memory_space<hbm>> -> memref<8x64xf32, #tpu.memory_space<hbm>>
      %dma_start3A_230 = arith.constant 0 : i32
      %dma_start3A_231 = arith.constant 0 : i32
      %dma_start3A_232 = tpu.memref_slice %arg9[%dma_start3A_223, %dma_start3A_230, %dma_start3A_231] : memref<16x8x64xf32, #tpu.memory_space<vmem>> -> memref<1x8x64xf32, #tpu.memory_space<vmem>>
      %dma_start3A_233 = tpu.memref_squeeze %dma_start3A_232 : memref<1x8x64xf32, #tpu.memory_space<vmem>> -> memref<8x64xf32, #tpu.memory_space<vmem>>
      %dma_start3A_234 = arith.constant 0 : i32
      %dma_start3A_235 = tpu.memref_slice %arg4[%multiple_of3A_219, %dma_start3A_234] : memref<1000000x64xf32, #tpu.memory_space<hbm>> -> memref<8x64xf32, #tpu.memory_space<hbm>>
      tpu.enqueue_dma source(%dma_start3A_235 : memref<8x64xf32, #tpu.memory_space<hbm>>) target(%dma_start3A_233 : memref<8x64xf32, #tpu.memory_space<vmem>>) target_semaphore(%arg12 : memref<!tpu.dma_semaphore, #tpu.memory_space<semaphore_mem>>)
      %dma_start3A_236 = arith.constant 6 : i32
      %dma_start3A_237 = arith.constant 0 : i32
      %dma_start3A_238 = arith.constant 0 : i32
      %dma_start3A_239 = tpu.memref_slice %arg10[%dma_start3A_236, %dma_start3A_237, %dma_start3A_238] : memref<16x8x64xf32, #tpu.memory_space<vmem>> -> memref<1x8x64xf32, #tpu.memory_space<vmem>>
      %dma_start3A_240 = tpu.memref_squeeze %dma_start3A_239 : memref<1x8x64xf32, #tpu.memory_space<vmem>> -> memref<8x64xf32, #tpu.memory_space<vmem>>
      %dma_start3A_241 = arith.constant 0 : i32
      %dma_start3A_242 = tpu.memref_slice %arg5[%multiple_of3A_222, %dma_start3A_241] : memref<1000000x64xf32, #tpu.memory_space<hbm>> -> memref<8x64xf32, #tpu.memory_space<hbm>>
      %dma_start3A_243 = arith.constant 0 : i32
      %dma_start3A_244 = arith.constant 0 : i32
      %dma_start3A_245 = tpu.memref_slice %arg10[%dma_start3A_236, %dma_start3A_243, %dma_start3A_244] : memref<16x8x64xf32, #tpu.memory_space<vmem>> -> memref<1x8x64xf32, #tpu.memory_space<vmem>>
      %dma_start3A_246 = tpu.memref_squeeze %dma_start3A_245 : memref<1x8x64xf32, #tpu.memory_space<vmem>> -> memref<8x64xf32, #tpu.memory_space<vmem>>
      %dma_start3A_247 = arith.constant 0 : i32
      %dma_start3A_248 = tpu.memref_slice %arg5[%multiple_of3A_222, %dma_start3A_247] : memref<1000000x64xf32, #tpu.memory_space<hbm>> -> memref<8x64xf32, #tpu.memory_space<hbm>>
      tpu.enqueue_dma source(%dma_start3A_248 : memref<8x64xf32, #tpu.memory_space<hbm>>) target(%dma_start3A_246 : memref<8x64xf32, #tpu.memory_space<vmem>>) target_semaphore(%arg12 : memref<!tpu.dma_semaphore, #tpu.memory_space<semaphore_mem>>)
      %slice3A_249 = vector.extract_strided_slice %mul3A_21 {offsets = [7], sizes = [1], strides = [1]} : vector<16xi32> to vector<1xi32>
      %squeeze3A_250 = vector.extract %slice3A_249[0] : i32 from vector<1xi32>
      %multiple_of3A_251 = tpu.assume_multiple %squeeze3A_250, 8 : i32
      %slice3A_252 = vector.extract_strided_slice %mul3A_27 {offsets = [7], sizes = [1], strides = [1]} : vector<16xi32> to vector<1xi32>
      %squeeze3A_253 = vector.extract %slice3A_252[0] : i32 from vector<1xi32>
      %multiple_of3A_254 = tpu.assume_multiple %squeeze3A_253, 8 : i32
      %dma_start3A_255 = arith.constant 7 : i32
      %dma_start3A_256 = arith.constant 0 : i32
      %dma_start3A_257 = arith.constant 0 : i32
      %dma_start3A_258 = tpu.memref_slice %arg9[%dma_start3A_255, %dma_start3A_256, %dma_start3A_257] : memref<16x8x64xf32, #tpu.memory_space<vmem>> -> memref<1x8x64xf32, #tpu.memory_space<vmem>>
      %dma_start3A_259 = tpu.memref_squeeze %dma_start3A_258 : memref<1x8x64xf32, #tpu.memory_space<vmem>> -> memref<8x64xf32, #tpu.memory_space<vmem>>
      %dma_start3A_260 = arith.constant 0 : i32
      %dma_start3A_261 = tpu.memref_slice %arg4[%multiple_of3A_251, %dma_start3A_260] : memref<1000000x64xf32, #tpu.memory_space<hbm>> -> memref<8x64xf32, #tpu.memory_space<hbm>>
      %dma_start3A_262 = arith.constant 0 : i32
      %dma_start3A_263 = arith.constant 0 : i32
      %dma_start3A_264 = tpu.memref_slice %arg9[%dma_start3A_255, %dma_start3A_262, %dma_start3A_263] : memref<16x8x64xf32, #tpu.memory_space<vmem>> -> memref<1x8x64xf32, #tpu.memory_space<vmem>>
      %dma_start3A_265 = tpu.memref_squeeze %dma_start3A_264 : memref<1x8x64xf32, #tpu.memory_space<vmem>> -> memref<8x64xf32, #tpu.memory_space<vmem>>
      %dma_start3A_266 = arith.constant 0 : i32
      %dma_start3A_267 = tpu.memref_slice %arg4[%multiple_of3A_251, %dma_start3A_266] : memref<1000000x64xf32, #tpu.memory_space<hbm>> -> memref<8x64xf32, #tpu.memory_space<hbm>>
      tpu.enqueue_dma source(%dma_start3A_267 : memref<8x64xf32, #tpu.memory_space<hbm>>) target(%dma_start3A_265 : memref<8x64xf32, #tpu.memory_space<vmem>>) target_semaphore(%arg12 : memref<!tpu.dma_semaphore, #tpu.memory_space<semaphore_mem>>)
      %dma_start3A_268 = arith.constant 7 : i32
      %dma_start3A_269 = arith.constant 0 : i32
      %dma_start3A_270 = arith.constant 0 : i32
      %dma_start3A_271 = tpu.memref_slice %arg10[%dma_start3A_268, %dma_start3A_269, %dma_start3A_270] : memref<16x8x64xf32, #tpu.memory_space<vmem>> -> memref<1x8x64xf32, #tpu.memory_space<vmem>>
      %dma_start3A_272 = tpu.memref_squeeze %dma_start3A_271 : memref<1x8x64xf32, #tpu.memory_space<vmem>> -> memref<8x64xf32, #tpu.memory_space<vmem>>
      %dma_start3A_273 = arith.constant 0 : i32
      %dma_start3A_274 = tpu.memref_slice %arg5[%multiple_of3A_254, %dma_start3A_273] : memref<1000000x64xf32, #tpu.memory_space<hbm>> -> memref<8x64xf32, #tpu.memory_space<hbm>>
      %dma_start3A_275 = arith.constant 0 : i32
      %dma_start3A_276 = arith.constant 0 : i32
      %dma_start3A_277 = tpu.memref_slice %arg10[%dma_start3A_268, %dma_start3A_275, %dma_start3A_276] : memref<16x8x64xf32, #tpu.memory_space<vmem>> -> memref<1x8x64xf32, #tpu.memory_space<vmem>>
      %dma_start3A_278 = tpu.memref_squeeze %dma_start3A_277 : memref<1x8x64xf32, #tpu.memory_space<vmem>> -> memref<8x64xf32, #tpu.memory_space<vmem>>
      %dma_start3A_279 = arith.constant 0 : i32
      %dma_start3A_280 = tpu.memref_slice %arg5[%multiple_of3A_254, %dma_start3A_279] : memref<1000000x64xf32, #tpu.memory_space<hbm>> -> memref<8x64xf32, #tpu.memory_space<hbm>>
      tpu.enqueue_dma source(%dma_start3A_280 : memref<8x64xf32, #tpu.memory_space<hbm>>) target(%dma_start3A_278 : memref<8x64xf32, #tpu.memory_space<vmem>>) target_semaphore(%arg12 : memref<!tpu.dma_semaphore, #tpu.memory_space<semaphore_mem>>)
      %slice3A_281 = vector.extract_strided_slice %mul3A_21 {offsets = [8], sizes = [1], strides = [1]} : vector<16xi32> to vector<1xi32>
      %squeeze3A_282 = vector.extract %slice3A_281[0] : i32 from vector<1xi32>
      %multiple_of3A_283 = tpu.assume_multiple %squeeze3A_282, 8 : i32
      %slice3A_284 = vector.extract_strided_slice %mul3A_27 {offsets = [8], sizes = [1], strides = [1]} : vector<16xi32> to vector<1xi32>
      %squeeze3A_285 = vector.extract %slice3A_284[0] : i32 from vector<1xi32>
      %multiple_of3A_286 = tpu.assume_multiple %squeeze3A_285, 8 : i32
      %dma_start3A_287 = arith.constant 8 : i32
      %dma_start3A_288 = arith.constant 0 : i32
      %dma_start3A_289 = arith.constant 0 : i32
      %dma_start3A_290 = tpu.memref_slice %arg9[%dma_start3A_287, %dma_start3A_288, %dma_start3A_289] : memref<16x8x64xf32, #tpu.memory_space<vmem>> -> memref<1x8x64xf32, #tpu.memory_space<vmem>>
      %dma_start3A_291 = tpu.memref_squeeze %dma_start3A_290 : memref<1x8x64xf32, #tpu.memory_space<vmem>> -> memref<8x64xf32, #tpu.memory_space<vmem>>
      %dma_start3A_292 = arith.constant 0 : i32
      %dma_start3A_293 = tpu.memref_slice %arg4[%multiple_of3A_283, %dma_start3A_292] : memref<1000000x64xf32, #tpu.memory_space<hbm>> -> memref<8x64xf32, #tpu.memory_space<hbm>>
      %dma_start3A_294 = arith.constant 0 : i32
      %dma_start3A_295 = arith.constant 0 : i32
      %dma_start3A_296 = tpu.memref_slice %arg9[%dma_start3A_287, %dma_start3A_294, %dma_start3A_295] : memref<16x8x64xf32, #tpu.memory_space<vmem>> -> memref<1x8x64xf32, #tpu.memory_space<vmem>>
      %dma_start3A_297 = tpu.memref_squeeze %dma_start3A_296 : memref<1x8x64xf32, #tpu.memory_space<vmem>> -> memref<8x64xf32, #tpu.memory_space<vmem>>
      %dma_start3A_298 = arith.constant 0 : i32
      %dma_start3A_299 = tpu.memref_slice %arg4[%multiple_of3A_283, %dma_start3A_298] : memref<1000000x64xf32, #tpu.memory_space<hbm>> -> memref<8x64xf32, #tpu.memory_space<hbm>>
      tpu.enqueue_dma source(%dma_start3A_299 : memref<8x64xf32, #tpu.memory_space<hbm>>) target(%dma_start3A_297 : memref<8x64xf32, #tpu.memory_space<vmem>>) target_semaphore(%arg12 : memref<!tpu.dma_semaphore, #tpu.memory_space<semaphore_mem>>)
      %dma_start3A_300 = arith.constant 8 : i32
      %dma_start3A_301 = arith.constant 0 : i32
      %dma_start3A_302 = arith.constant 0 : i32
      %dma_start3A_303 = tpu.memref_slice %arg10[%dma_start3A_300, %dma_start3A_301, %dma_start3A_302] : memref<16x8x64xf32, #tpu.memory_space<vmem>> -> memref<1x8x64xf32, #tpu.memory_space<vmem>>
      %dma_start3A_304 = tpu.memref_squeeze %dma_start3A_303 : memref<1x8x64xf32, #tpu.memory_space<vmem>> -> memref<8x64xf32, #tpu.memory_space<vmem>>
      %dma_start3A_305 = arith.constant 0 : i32
      %dma_start3A_306 = tpu.memref_slice %arg5[%multiple_of3A_286, %dma_start3A_305] : memref<1000000x64xf32, #tpu.memory_space<hbm>> -> memref<8x64xf32, #tpu.memory_space<hbm>>
      %dma_start3A_307 = arith.constant 0 : i32
      %dma_start3A_308 = arith.constant 0 : i32
      %dma_start3A_309 = tpu.memref_slice %arg10[%dma_start3A_300, %dma_start3A_307, %dma_start3A_308] : memref<16x8x64xf32, #tpu.memory_space<vmem>> -> memref<1x8x64xf32, #tpu.memory_space<vmem>>
      %dma_start3A_310 = tpu.memref_squeeze %dma_start3A_309 : memref<1x8x64xf32, #tpu.memory_space<vmem>> -> memref<8x64xf32, #tpu.memory_space<vmem>>
      %dma_start3A_311 = arith.constant 0 : i32
      %dma_start3A_312 = tpu.memref_slice %arg5[%multiple_of3A_286, %dma_start3A_311] : memref<1000000x64xf32, #tpu.memory_space<hbm>> -> memref<8x64xf32, #tpu.memory_space<hbm>>
      tpu.enqueue_dma source(%dma_start3A_312 : memref<8x64xf32, #tpu.memory_space<hbm>>) target(%dma_start3A_310 : memref<8x64xf32, #tpu.memory_space<vmem>>) target_semaphore(%arg12 : memref<!tpu.dma_semaphore, #tpu.memory_space<semaphore_mem>>)
      %slice3A_313 = vector.extract_strided_slice %mul3A_21 {offsets = [9], sizes = [1], strides = [1]} : vector<16xi32> to vector<1xi32>
      %squeeze3A_314 = vector.extract %slice3A_313[0] : i32 from vector<1xi32>
      %multiple_of3A_315 = tpu.assume_multiple %squeeze3A_314, 8 : i32
      %slice3A_316 = vector.extract_strided_slice %mul3A_27 {offsets = [9], sizes = [1], strides = [1]} : vector<16xi32> to vector<1xi32>
      %squeeze3A_317 = vector.extract %slice3A_316[0] : i32 from vector<1xi32>
      %multiple_of3A_318 = tpu.assume_multiple %squeeze3A_317, 8 : i32
      %dma_start3A_319 = arith.constant 9 : i32
      %dma_start3A_320 = arith.constant 0 : i32
      %dma_start3A_321 = arith.constant 0 : i32
      %dma_start3A_322 = tpu.memref_slice %arg9[%dma_start3A_319, %dma_start3A_320, %dma_start3A_321] : memref<16x8x64xf32, #tpu.memory_space<vmem>> -> memref<1x8x64xf32, #tpu.memory_space<vmem>>
      %dma_start3A_323 = tpu.memref_squeeze %dma_start3A_322 : memref<1x8x64xf32, #tpu.memory_space<vmem>> -> memref<8x64xf32, #tpu.memory_space<vmem>>
      %dma_start3A_324 = arith.constant 0 : i32
      %dma_start3A_325 = tpu.memref_slice %arg4[%multiple_of3A_315, %dma_start3A_324] : memref<1000000x64xf32, #tpu.memory_space<hbm>> -> memref<8x64xf32, #tpu.memory_space<hbm>>
      %dma_start3A_326 = arith.constant 0 : i32
      %dma_start3A_327 = arith.constant 0 : i32
      %dma_start3A_328 = tpu.memref_slice %arg9[%dma_start3A_319, %dma_start3A_326, %dma_start3A_327] : memref<16x8x64xf32, #tpu.memory_space<vmem>> -> memref<1x8x64xf32, #tpu.memory_space<vmem>>
      %dma_start3A_329 = tpu.memref_squeeze %dma_start3A_328 : memref<1x8x64xf32, #tpu.memory_space<vmem>> -> memref<8x64xf32, #tpu.memory_space<vmem>>
      %dma_start3A_330 = arith.constant 0 : i32
      %dma_start3A_331 = tpu.memref_slice %arg4[%multiple_of3A_315, %dma_start3A_330] : memref<1000000x64xf32, #tpu.memory_space<hbm>> -> memref<8x64xf32, #tpu.memory_space<hbm>>
      tpu.enqueue_dma source(%dma_start3A_331 : memref<8x64xf32, #tpu.memory_space<hbm>>) target(%dma_start3A_329 : memref<8x64xf32, #tpu.memory_space<vmem>>) target_semaphore(%arg12 : memref<!tpu.dma_semaphore, #tpu.memory_space<semaphore_mem>>)
      %dma_start3A_332 = arith.constant 9 : i32
      %dma_start3A_333 = arith.constant 0 : i32
      %dma_start3A_334 = arith.constant 0 : i32
      %dma_start3A_335 = tpu.memref_slice %arg10[%dma_start3A_332, %dma_start3A_333, %dma_start3A_334] : memref<16x8x64xf32, #tpu.memory_space<vmem>> -> memref<1x8x64xf32, #tpu.memory_space<vmem>>
      %dma_start3A_336 = tpu.memref_squeeze %dma_start3A_335 : memref<1x8x64xf32, #tpu.memory_space<vmem>> -> memref<8x64xf32, #tpu.memory_space<vmem>>
      %dma_start3A_337 = arith.constant 0 : i32
      %dma_start3A_338 = tpu.memref_slice %arg5[%multiple_of3A_318, %dma_start3A_337] : memref<1000000x64xf32, #tpu.memory_space<hbm>> -> memref<8x64xf32, #tpu.memory_space<hbm>>
      %dma_start3A_339 = arith.constant 0 : i32
      %dma_start3A_340 = arith.constant 0 : i32
      %dma_start3A_341 = tpu.memref_slice %arg10[%dma_start3A_332, %dma_start3A_339, %dma_start3A_340] : memref<16x8x64xf32, #tpu.memory_space<vmem>> -> memref<1x8x64xf32, #tpu.memory_space<vmem>>
      %dma_start3A_342 = tpu.memref_squeeze %dma_start3A_341 : memref<1x8x64xf32, #tpu.memory_space<vmem>> -> memref<8x64xf32, #tpu.memory_space<vmem>>
      %dma_start3A_343 = arith.constant 0 : i32
      %dma_start3A_344 = tpu.memref_slice %arg5[%multiple_of3A_318, %dma_start3A_343] : memref<1000000x64xf32, #tpu.memory_space<hbm>> -> memref<8x64xf32, #tpu.memory_space<hbm>>
      tpu.enqueue_dma source(%dma_start3A_344 : memref<8x64xf32, #tpu.memory_space<hbm>>) target(%dma_start3A_342 : memref<8x64xf32, #tpu.memory_space<vmem>>) target_semaphore(%arg12 : memref<!tpu.dma_semaphore, #tpu.memory_space<semaphore_mem>>)
      %slice3A_345 = vector.extract_strided_slice %mul3A_21 {offsets = [10], sizes = [1], strides = [1]} : vector<16xi32> to vector<1xi32>
      %squeeze3A_346 = vector.extract %slice3A_345[0] : i32 from vector<1xi32>
      %multiple_of3A_347 = tpu.assume_multiple %squeeze3A_346, 8 : i32
      %slice3A_348 = vector.extract_strided_slice %mul3A_27 {offsets = [10], sizes = [1], strides = [1]} : vector<16xi32> to vector<1xi32>
      %squeeze3A_349 = vector.extract %slice3A_348[0] : i32 from vector<1xi32>
      %multiple_of3A_350 = tpu.assume_multiple %squeeze3A_349, 8 : i32
      %dma_start3A_351 = arith.constant 10 : i32
      %dma_start3A_352 = arith.constant 0 : i32
      %dma_start3A_353 = arith.constant 0 : i32
      %dma_start3A_354 = tpu.memref_slice %arg9[%dma_start3A_351, %dma_start3A_352, %dma_start3A_353] : memref<16x8x64xf32, #tpu.memory_space<vmem>> -> memref<1x8x64xf32, #tpu.memory_space<vmem>>
      %dma_start3A_355 = tpu.memref_squeeze %dma_start3A_354 : memref<1x8x64xf32, #tpu.memory_space<vmem>> -> memref<8x64xf32, #tpu.memory_space<vmem>>
      %dma_start3A_356 = arith.constant 0 : i32
      %dma_start3A_357 = tpu.memref_slice %arg4[%multiple_of3A_347, %dma_start3A_356] : memref<1000000x64xf32, #tpu.memory_space<hbm>> -> memref<8x64xf32, #tpu.memory_space<hbm>>
      %dma_start3A_358 = arith.constant 0 : i32
      %dma_start3A_359 = arith.constant 0 : i32
      %dma_start3A_360 = tpu.memref_slice %arg9[%dma_start3A_351, %dma_start3A_358, %dma_start3A_359] : memref<16x8x64xf32, #tpu.memory_space<vmem>> -> memref<1x8x64xf32, #tpu.memory_space<vmem>>
      %dma_start3A_361 = tpu.memref_squeeze %dma_start3A_360 : memref<1x8x64xf32, #tpu.memory_space<vmem>> -> memref<8x64xf32, #tpu.memory_space<vmem>>
      %dma_start3A_362 = arith.constant 0 : i32
      %dma_start3A_363 = tpu.memref_slice %arg4[%multiple_of3A_347, %dma_start3A_362] : memref<1000000x64xf32, #tpu.memory_space<hbm>> -> memref<8x64xf32, #tpu.memory_space<hbm>>
      tpu.enqueue_dma source(%dma_start3A_363 : memref<8x64xf32, #tpu.memory_space<hbm>>) target(%dma_start3A_361 : memref<8x64xf32, #tpu.memory_space<vmem>>) target_semaphore(%arg12 : memref<!tpu.dma_semaphore, #tpu.memory_space<semaphore_mem>>)
      %dma_start3A_364 = arith.constant 10 : i32
      %dma_start3A_365 = arith.constant 0 : i32
      %dma_start3A_366 = arith.constant 0 : i32
      %dma_start3A_367 = tpu.memref_slice %arg10[%dma_start3A_364, %dma_start3A_365, %dma_start3A_366] : memref<16x8x64xf32, #tpu.memory_space<vmem>> -> memref<1x8x64xf32, #tpu.memory_space<vmem>>
      %dma_start3A_368 = tpu.memref_squeeze %dma_start3A_367 : memref<1x8x64xf32, #tpu.memory_space<vmem>> -> memref<8x64xf32, #tpu.memory_space<vmem>>
      %dma_start3A_369 = arith.constant 0 : i32
      %dma_start3A_370 = tpu.memref_slice %arg5[%multiple_of3A_350, %dma_start3A_369] : memref<1000000x64xf32, #tpu.memory_space<hbm>> -> memref<8x64xf32, #tpu.memory_space<hbm>>
      %dma_start3A_371 = arith.constant 0 : i32
      %dma_start3A_372 = arith.constant 0 : i32
      %dma_start3A_373 = tpu.memref_slice %arg10[%dma_start3A_364, %dma_start3A_371, %dma_start3A_372] : memref<16x8x64xf32, #tpu.memory_space<vmem>> -> memref<1x8x64xf32, #tpu.memory_space<vmem>>
      %dma_start3A_374 = tpu.memref_squeeze %dma_start3A_373 : memref<1x8x64xf32, #tpu.memory_space<vmem>> -> memref<8x64xf32, #tpu.memory_space<vmem>>
      %dma_start3A_375 = arith.constant 0 : i32
      %dma_start3A_376 = tpu.memref_slice %arg5[%multiple_of3A_350, %dma_start3A_375] : memref<1000000x64xf32, #tpu.memory_space<hbm>> -> memref<8x64xf32, #tpu.memory_space<hbm>>
      tpu.enqueue_dma source(%dma_start3A_376 : memref<8x64xf32, #tpu.memory_space<hbm>>) target(%dma_start3A_374 : memref<8x64xf32, #tpu.memory_space<vmem>>) target_semaphore(%arg12 : memref<!tpu.dma_semaphore, #tpu.memory_space<semaphore_mem>>)
      %slice3A_377 = vector.extract_strided_slice %mul3A_21 {offsets = [11], sizes = [1], strides = [1]} : vector<16xi32> to vector<1xi32>
      %squeeze3A_378 = vector.extract %slice3A_377[0] : i32 from vector<1xi32>
      %multiple_of3A_379 = tpu.assume_multiple %squeeze3A_378, 8 : i32
      %slice3A_380 = vector.extract_strided_slice %mul3A_27 {offsets = [11], sizes = [1], strides = [1]} : vector<16xi32> to vector<1xi32>
      %squeeze3A_381 = vector.extract %slice3A_380[0] : i32 from vector<1xi32>
      %multiple_of3A_382 = tpu.assume_multiple %squeeze3A_381, 8 : i32
      %dma_start3A_383 = arith.constant 11 : i32
      %dma_start3A_384 = arith.constant 0 : i32
      %dma_start3A_385 = arith.constant 0 : i32
      %dma_start3A_386 = tpu.memref_slice %arg9[%dma_start3A_383, %dma_start3A_384, %dma_start3A_385] : memref<16x8x64xf32, #tpu.memory_space<vmem>> -> memref<1x8x64xf32, #tpu.memory_space<vmem>>
      %dma_start3A_387 = tpu.memref_squeeze %dma_start3A_386 : memref<1x8x64xf32, #tpu.memory_space<vmem>> -> memref<8x64xf32, #tpu.memory_space<vmem>>
      %dma_start3A_388 = arith.constant 0 : i32
      %dma_start3A_389 = tpu.memref_slice %arg4[%multiple_of3A_379, %dma_start3A_388] : memref<1000000x64xf32, #tpu.memory_space<hbm>> -> memref<8x64xf32, #tpu.memory_space<hbm>>
      %dma_start3A_390 = arith.constant 0 : i32
      %dma_start3A_391 = arith.constant 0 : i32
      %dma_start3A_392 = tpu.memref_slice %arg9[%dma_start3A_383, %dma_start3A_390, %dma_start3A_391] : memref<16x8x64xf32, #tpu.memory_space<vmem>> -> memref<1x8x64xf32, #tpu.memory_space<vmem>>
      %dma_start3A_393 = tpu.memref_squeeze %dma_start3A_392 : memref<1x8x64xf32, #tpu.memory_space<vmem>> -> memref<8x64xf32, #tpu.memory_space<vmem>>
      %dma_start3A_394 = arith.constant 0 : i32
      %dma_start3A_395 = tpu.memref_slice %arg4[%multiple_of3A_379, %dma_start3A_394] : memref<1000000x64xf32, #tpu.memory_space<hbm>> -> memref<8x64xf32, #tpu.memory_space<hbm>>
      tpu.enqueue_dma source(%dma_start3A_395 : memref<8x64xf32, #tpu.memory_space<hbm>>) target(%dma_start3A_393 : memref<8x64xf32, #tpu.memory_space<vmem>>) target_semaphore(%arg12 : memref<!tpu.dma_semaphore, #tpu.memory_space<semaphore_mem>>)
      %dma_start3A_396 = arith.constant 11 : i32
      %dma_start3A_397 = arith.constant 0 : i32
      %dma_start3A_398 = arith.constant 0 : i32
      %dma_start3A_399 = tpu.memref_slice %arg10[%dma_start3A_396, %dma_start3A_397, %dma_start3A_398] : memref<16x8x64xf32, #tpu.memory_space<vmem>> -> memref<1x8x64xf32, #tpu.memory_space<vmem>>
      %dma_start3A_400 = tpu.memref_squeeze %dma_start3A_399 : memref<1x8x64xf32, #tpu.memory_space<vmem>> -> memref<8x64xf32, #tpu.memory_space<vmem>>
      %dma_start3A_401 = arith.constant 0 : i32
      %dma_start3A_402 = tpu.memref_slice %arg5[%multiple_of3A_382, %dma_start3A_401] : memref<1000000x64xf32, #tpu.memory_space<hbm>> -> memref<8x64xf32, #tpu.memory_space<hbm>>
      %dma_start3A_403 = arith.constant 0 : i32
      %dma_start3A_404 = arith.constant 0 : i32
      %dma_start3A_405 = tpu.memref_slice %arg10[%dma_start3A_396, %dma_start3A_403, %dma_start3A_404] : memref<16x8x64xf32, #tpu.memory_space<vmem>> -> memref<1x8x64xf32, #tpu.memory_space<vmem>>
      %dma_start3A_406 = tpu.memref_squeeze %dma_start3A_405 : memref<1x8x64xf32, #tpu.memory_space<vmem>> -> memref<8x64xf32, #tpu.memory_space<vmem>>
      %dma_start3A_407 = arith.constant 0 : i32
      %dma_start3A_408 = tpu.memref_slice %arg5[%multiple_of3A_382, %dma_start3A_407] : memref<1000000x64xf32, #tpu.memory_space<hbm>> -> memref<8x64xf32, #tpu.memory_space<hbm>>
      tpu.enqueue_dma source(%dma_start3A_408 : memref<8x64xf32, #tpu.memory_space<hbm>>) target(%dma_start3A_406 : memref<8x64xf32, #tpu.memory_space<vmem>>) target_semaphore(%arg12 : memref<!tpu.dma_semaphore, #tpu.memory_space<semaphore_mem>>)
      %slice3A_409 = vector.extract_strided_slice %mul3A_21 {offsets = [12], sizes = [1], strides = [1]} : vector<16xi32> to vector<1xi32>
      %squeeze3A_410 = vector.extract %slice3A_409[0] : i32 from vector<1xi32>
      %multiple_of3A_411 = tpu.assume_multiple %squeeze3A_410, 8 : i32
      %slice3A_412 = vector.extract_strided_slice %mul3A_27 {offsets = [12], sizes = [1], strides = [1]} : vector<16xi32> to vector<1xi32>
      %squeeze3A_413 = vector.extract %slice3A_412[0] : i32 from vector<1xi32>
      %multiple_of3A_414 = tpu.assume_multiple %squeeze3A_413, 8 : i32
      %dma_start3A_415 = arith.constant 12 : i32
      %dma_start3A_416 = arith.constant 0 : i32
      %dma_start3A_417 = arith.constant 0 : i32
      %dma_start3A_418 = tpu.memref_slice %arg9[%dma_start3A_415, %dma_start3A_416, %dma_start3A_417] : memref<16x8x64xf32, #tpu.memory_space<vmem>> -> memref<1x8x64xf32, #tpu.memory_space<vmem>>
      %dma_start3A_419 = tpu.memref_squeeze %dma_start3A_418 : memref<1x8x64xf32, #tpu.memory_space<vmem>> -> memref<8x64xf32, #tpu.memory_space<vmem>>
      %dma_start3A_420 = arith.constant 0 : i32
      %dma_start3A_421 = tpu.memref_slice %arg4[%multiple_of3A_411, %dma_start3A_420] : memref<1000000x64xf32, #tpu.memory_space<hbm>> -> memref<8x64xf32, #tpu.memory_space<hbm>>
      %dma_start3A_422 = arith.constant 0 : i32
      %dma_start3A_423 = arith.constant 0 : i32
      %dma_start3A_424 = tpu.memref_slice %arg9[%dma_start3A_415, %dma_start3A_422, %dma_start3A_423] : memref<16x8x64xf32, #tpu.memory_space<vmem>> -> memref<1x8x64xf32, #tpu.memory_space<vmem>>
      %dma_start3A_425 = tpu.memref_squeeze %dma_start3A_424 : memref<1x8x64xf32, #tpu.memory_space<vmem>> -> memref<8x64xf32, #tpu.memory_space<vmem>>
      %dma_start3A_426 = arith.constant 0 : i32
      %dma_start3A_427 = tpu.memref_slice %arg4[%multiple_of3A_411, %dma_start3A_426] : memref<1000000x64xf32, #tpu.memory_space<hbm>> -> memref<8x64xf32, #tpu.memory_space<hbm>>
      tpu.enqueue_dma source(%dma_start3A_427 : memref<8x64xf32, #tpu.memory_space<hbm>>) target(%dma_start3A_425 : memref<8x64xf32, #tpu.memory_space<vmem>>) target_semaphore(%arg12 : memref<!tpu.dma_semaphore, #tpu.memory_space<semaphore_mem>>)
      %dma_start3A_428 = arith.constant 12 : i32
      %dma_start3A_429 = arith.constant 0 : i32
      %dma_start3A_430 = arith.constant 0 : i32
      %dma_start3A_431 = tpu.memref_slice %arg10[%dma_start3A_428, %dma_start3A_429, %dma_start3A_430] : memref<16x8x64xf32, #tpu.memory_space<vmem>> -> memref<1x8x64xf32, #tpu.memory_space<vmem>>
      %dma_start3A_432 = tpu.memref_squeeze %dma_start3A_431 : memref<1x8x64xf32, #tpu.memory_space<vmem>> -> memref<8x64xf32, #tpu.memory_space<vmem>>
      %dma_start3A_433 = arith.constant 0 : i32
      %dma_start3A_434 = tpu.memref_slice %arg5[%multiple_of3A_414, %dma_start3A_433] : memref<1000000x64xf32, #tpu.memory_space<hbm>> -> memref<8x64xf32, #tpu.memory_space<hbm>>
      %dma_start3A_435 = arith.constant 0 : i32
      %dma_start3A_436 = arith.constant 0 : i32
      %dma_start3A_437 = tpu.memref_slice %arg10[%dma_start3A_428, %dma_start3A_435, %dma_start3A_436] : memref<16x8x64xf32, #tpu.memory_space<vmem>> -> memref<1x8x64xf32, #tpu.memory_space<vmem>>
      %dma_start3A_438 = tpu.memref_squeeze %dma_start3A_437 : memref<1x8x64xf32, #tpu.memory_space<vmem>> -> memref<8x64xf32, #tpu.memory_space<vmem>>
      %dma_start3A_439 = arith.constant 0 : i32
      %dma_start3A_440 = tpu.memref_slice %arg5[%multiple_of3A_414, %dma_start3A_439] : memref<1000000x64xf32, #tpu.memory_space<hbm>> -> memref<8x64xf32, #tpu.memory_space<hbm>>
      tpu.enqueue_dma source(%dma_start3A_440 : memref<8x64xf32, #tpu.memory_space<hbm>>) target(%dma_start3A_438 : memref<8x64xf32, #tpu.memory_space<vmem>>) target_semaphore(%arg12 : memref<!tpu.dma_semaphore, #tpu.memory_space<semaphore_mem>>)
      %slice3A_441 = vector.extract_strided_slice %mul3A_21 {offsets = [13], sizes = [1], strides = [1]} : vector<16xi32> to vector<1xi32>
      %squeeze3A_442 = vector.extract %slice3A_441[0] : i32 from vector<1xi32>
      %multiple_of3A_443 = tpu.assume_multiple %squeeze3A_442, 8 : i32
      %slice3A_444 = vector.extract_strided_slice %mul3A_27 {offsets = [13], sizes = [1], strides = [1]} : vector<16xi32> to vector<1xi32>
      %squeeze3A_445 = vector.extract %slice3A_444[0] : i32 from vector<1xi32>
      %multiple_of3A_446 = tpu.assume_multiple %squeeze3A_445, 8 : i32
      %dma_start3A_447 = arith.constant 13 : i32
      %dma_start3A_448 = arith.constant 0 : i32
      %dma_start3A_449 = arith.constant 0 : i32
      %dma_start3A_450 = tpu.memref_slice %arg9[%dma_start3A_447, %dma_start3A_448, %dma_start3A_449] : memref<16x8x64xf32, #tpu.memory_space<vmem>> -> memref<1x8x64xf32, #tpu.memory_space<vmem>>
      %dma_start3A_451 = tpu.memref_squeeze %dma_start3A_450 : memref<1x8x64xf32, #tpu.memory_space<vmem>> -> memref<8x64xf32, #tpu.memory_space<vmem>>
      %dma_start3A_452 = arith.constant 0 : i32
      %dma_start3A_453 = tpu.memref_slice %arg4[%multiple_of3A_443, %dma_start3A_452] : memref<1000000x64xf32, #tpu.memory_space<hbm>> -> memref<8x64xf32, #tpu.memory_space<hbm>>
      %dma_start3A_454 = arith.constant 0 : i32
      %dma_start3A_455 = arith.constant 0 : i32
      %dma_start3A_456 = tpu.memref_slice %arg9[%dma_start3A_447, %dma_start3A_454, %dma_start3A_455] : memref<16x8x64xf32, #tpu.memory_space<vmem>> -> memref<1x8x64xf32, #tpu.memory_space<vmem>>
      %dma_start3A_457 = tpu.memref_squeeze %dma_start3A_456 : memref<1x8x64xf32, #tpu.memory_space<vmem>> -> memref<8x64xf32, #tpu.memory_space<vmem>>
      %dma_start3A_458 = arith.constant 0 : i32
      %dma_start3A_459 = tpu.memref_slice %arg4[%multiple_of3A_443, %dma_start3A_458] : memref<1000000x64xf32, #tpu.memory_space<hbm>> -> memref<8x64xf32, #tpu.memory_space<hbm>>
      tpu.enqueue_dma source(%dma_start3A_459 : memref<8x64xf32, #tpu.memory_space<hbm>>) target(%dma_start3A_457 : memref<8x64xf32, #tpu.memory_space<vmem>>) target_semaphore(%arg12 : memref<!tpu.dma_semaphore, #tpu.memory_space<semaphore_mem>>)
      %dma_start3A_460 = arith.constant 13 : i32
      %dma_start3A_461 = arith.constant 0 : i32
      %dma_start3A_462 = arith.constant 0 : i32
      %dma_start3A_463 = tpu.memref_slice %arg10[%dma_start3A_460, %dma_start3A_461, %dma_start3A_462] : memref<16x8x64xf32, #tpu.memory_space<vmem>> -> memref<1x8x64xf32, #tpu.memory_space<vmem>>
      %dma_start3A_464 = tpu.memref_squeeze %dma_start3A_463 : memref<1x8x64xf32, #tpu.memory_space<vmem>> -> memref<8x64xf32, #tpu.memory_space<vmem>>
      %dma_start3A_465 = arith.constant 0 : i32
      %dma_start3A_466 = tpu.memref_slice %arg5[%multiple_of3A_446, %dma_start3A_465] : memref<1000000x64xf32, #tpu.memory_space<hbm>> -> memref<8x64xf32, #tpu.memory_space<hbm>>
      %dma_start3A_467 = arith.constant 0 : i32
      %dma_start3A_468 = arith.constant 0 : i32
      %dma_start3A_469 = tpu.memref_slice %arg10[%dma_start3A_460, %dma_start3A_467, %dma_start3A_468] : memref<16x8x64xf32, #tpu.memory_space<vmem>> -> memref<1x8x64xf32, #tpu.memory_space<vmem>>
      %dma_start3A_470 = tpu.memref_squeeze %dma_start3A_469 : memref<1x8x64xf32, #tpu.memory_space<vmem>> -> memref<8x64xf32, #tpu.memory_space<vmem>>
      %dma_start3A_471 = arith.constant 0 : i32
      %dma_start3A_472 = tpu.memref_slice %arg5[%multiple_of3A_446, %dma_start3A_471] : memref<1000000x64xf32, #tpu.memory_space<hbm>> -> memref<8x64xf32, #tpu.memory_space<hbm>>
      tpu.enqueue_dma source(%dma_start3A_472 : memref<8x64xf32, #tpu.memory_space<hbm>>) target(%dma_start3A_470 : memref<8x64xf32, #tpu.memory_space<vmem>>) target_semaphore(%arg12 : memref<!tpu.dma_semaphore, #tpu.memory_space<semaphore_mem>>)
      %slice3A_473 = vector.extract_strided_slice %mul3A_21 {offsets = [14], sizes = [1], strides = [1]} : vector<16xi32> to vector<1xi32>
      %squeeze3A_474 = vector.extract %slice3A_473[0] : i32 from vector<1xi32>
      %multiple_of3A_475 = tpu.assume_multiple %squeeze3A_474, 8 : i32
      %slice3A_476 = vector.extract_strided_slice %mul3A_27 {offsets = [14], sizes = [1], strides = [1]} : vector<16xi32> to vector<1xi32>
      %squeeze3A_477 = vector.extract %slice3A_476[0] : i32 from vector<1xi32>
      %multiple_of3A_478 = tpu.assume_multiple %squeeze3A_477, 8 : i32
      %dma_start3A_479 = arith.constant 14 : i32
      %dma_start3A_480 = arith.constant 0 : i32
      %dma_start3A_481 = arith.constant 0 : i32
      %dma_start3A_482 = tpu.memref_slice %arg9[%dma_start3A_479, %dma_start3A_480, %dma_start3A_481] : memref<16x8x64xf32, #tpu.memory_space<vmem>> -> memref<1x8x64xf32, #tpu.memory_space<vmem>>
      %dma_start3A_483 = tpu.memref_squeeze %dma_start3A_482 : memref<1x8x64xf32, #tpu.memory_space<vmem>> -> memref<8x64xf32, #tpu.memory_space<vmem>>
      %dma_start3A_484 = arith.constant 0 : i32
      %dma_start3A_485 = tpu.memref_slice %arg4[%multiple_of3A_475, %dma_start3A_484] : memref<1000000x64xf32, #tpu.memory_space<hbm>> -> memref<8x64xf32, #tpu.memory_space<hbm>>
      %dma_start3A_486 = arith.constant 0 : i32
      %dma_start3A_487 = arith.constant 0 : i32
      %dma_start3A_488 = tpu.memref_slice %arg9[%dma_start3A_479, %dma_start3A_486, %dma_start3A_487] : memref<16x8x64xf32, #tpu.memory_space<vmem>> -> memref<1x8x64xf32, #tpu.memory_space<vmem>>
      %dma_start3A_489 = tpu.memref_squeeze %dma_start3A_488 : memref<1x8x64xf32, #tpu.memory_space<vmem>> -> memref<8x64xf32, #tpu.memory_space<vmem>>
      %dma_start3A_490 = arith.constant 0 : i32
      %dma_start3A_491 = tpu.memref_slice %arg4[%multiple_of3A_475, %dma_start3A_490] : memref<1000000x64xf32, #tpu.memory_space<hbm>> -> memref<8x64xf32, #tpu.memory_space<hbm>>
      tpu.enqueue_dma source(%dma_start3A_491 : memref<8x64xf32, #tpu.memory_space<hbm>>) target(%dma_start3A_489 : memref<8x64xf32, #tpu.memory_space<vmem>>) target_semaphore(%arg12 : memref<!tpu.dma_semaphore, #tpu.memory_space<semaphore_mem>>)
      %dma_start3A_492 = arith.constant 14 : i32
      %dma_start3A_493 = arith.constant 0 : i32
      %dma_start3A_494 = arith.constant 0 : i32
      %dma_start3A_495 = tpu.memref_slice %arg10[%dma_start3A_492, %dma_start3A_493, %dma_start3A_494] : memref<16x8x64xf32, #tpu.memory_space<vmem>> -> memref<1x8x64xf32, #tpu.memory_space<vmem>>
      %dma_start3A_496 = tpu.memref_squeeze %dma_start3A_495 : memref<1x8x64xf32, #tpu.memory_space<vmem>> -> memref<8x64xf32, #tpu.memory_space<vmem>>
      %dma_start3A_497 = arith.constant 0 : i32
      %dma_start3A_498 = tpu.memref_slice %arg5[%multiple_of3A_478, %dma_start3A_497] : memref<1000000x64xf32, #tpu.memory_space<hbm>> -> memref<8x64xf32, #tpu.memory_space<hbm>>
      %dma_start3A_499 = arith.constant 0 : i32
      %dma_start3A_500 = arith.constant 0 : i32
      %dma_start3A_501 = tpu.memref_slice %arg10[%dma_start3A_492, %dma_start3A_499, %dma_start3A_500] : memref<16x8x64xf32, #tpu.memory_space<vmem>> -> memref<1x8x64xf32, #tpu.memory_space<vmem>>
      %dma_start3A_502 = tpu.memref_squeeze %dma_start3A_501 : memref<1x8x64xf32, #tpu.memory_space<vmem>> -> memref<8x64xf32, #tpu.memory_space<vmem>>
      %dma_start3A_503 = arith.constant 0 : i32
      %dma_start3A_504 = tpu.memref_slice %arg5[%multiple_of3A_478, %dma_start3A_503] : memref<1000000x64xf32, #tpu.memory_space<hbm>> -> memref<8x64xf32, #tpu.memory_space<hbm>>
      tpu.enqueue_dma source(%dma_start3A_504 : memref<8x64xf32, #tpu.memory_space<hbm>>) target(%dma_start3A_502 : memref<8x64xf32, #tpu.memory_space<vmem>>) target_semaphore(%arg12 : memref<!tpu.dma_semaphore, #tpu.memory_space<semaphore_mem>>)
      %slice3A_505 = vector.extract_strided_slice %mul3A_21 {offsets = [15], sizes = [1], strides = [1]} : vector<16xi32> to vector<1xi32>
      %squeeze3A_506 = vector.extract %slice3A_505[0] : i32 from vector<1xi32>
      %multiple_of3A_507 = tpu.assume_multiple %squeeze3A_506, 8 : i32
      %slice3A_508 = vector.extract_strided_slice %mul3A_27 {offsets = [15], sizes = [1], strides = [1]} : vector<16xi32> to vector<1xi32>
      %squeeze3A_509 = vector.extract %slice3A_508[0] : i32 from vector<1xi32>
      %multiple_of3A_510 = tpu.assume_multiple %squeeze3A_509, 8 : i32
      %dma_start3A_511 = arith.constant 15 : i32
      %dma_start3A_512 = arith.constant 0 : i32
      %dma_start3A_513 = arith.constant 0 : i32
      %dma_start3A_514 = tpu.memref_slice %arg9[%dma_start3A_511, %dma_start3A_512, %dma_start3A_513] : memref<16x8x64xf32, #tpu.memory_space<vmem>> -> memref<1x8x64xf32, #tpu.memory_space<vmem>>
      %dma_start3A_515 = tpu.memref_squeeze %dma_start3A_514 : memref<1x8x64xf32, #tpu.memory_space<vmem>> -> memref<8x64xf32, #tpu.memory_space<vmem>>
      %dma_start3A_516 = arith.constant 0 : i32
      %dma_start3A_517 = tpu.memref_slice %arg4[%multiple_of3A_507, %dma_start3A_516] : memref<1000000x64xf32, #tpu.memory_space<hbm>> -> memref<8x64xf32, #tpu.memory_space<hbm>>
      %dma_start3A_518 = arith.constant 0 : i32
      %dma_start3A_519 = arith.constant 0 : i32
      %dma_start3A_520 = tpu.memref_slice %arg9[%dma_start3A_511, %dma_start3A_518, %dma_start3A_519] : memref<16x8x64xf32, #tpu.memory_space<vmem>> -> memref<1x8x64xf32, #tpu.memory_space<vmem>>
      %dma_start3A_521 = tpu.memref_squeeze %dma_start3A_520 : memref<1x8x64xf32, #tpu.memory_space<vmem>> -> memref<8x64xf32, #tpu.memory_space<vmem>>
      %dma_start3A_522 = arith.constant 0 : i32
      %dma_start3A_523 = tpu.memref_slice %arg4[%multiple_of3A_507, %dma_start3A_522] : memref<1000000x64xf32, #tpu.memory_space<hbm>> -> memref<8x64xf32, #tpu.memory_space<hbm>>
      tpu.enqueue_dma source(%dma_start3A_523 : memref<8x64xf32, #tpu.memory_space<hbm>>) target(%dma_start3A_521 : memref<8x64xf32, #tpu.memory_space<vmem>>) target_semaphore(%arg12 : memref<!tpu.dma_semaphore, #tpu.memory_space<semaphore_mem>>)
      %dma_start3A_524 = arith.constant 15 : i32
      %dma_start3A_525 = arith.constant 0 : i32
      %dma_start3A_526 = arith.constant 0 : i32
      %dma_start3A_527 = tpu.memref_slice %arg10[%dma_start3A_524, %dma_start3A_525, %dma_start3A_526] : memref<16x8x64xf32, #tpu.memory_space<vmem>> -> memref<1x8x64xf32, #tpu.memory_space<vmem>>
      %dma_start3A_528 = tpu.memref_squeeze %dma_start3A_527 : memref<1x8x64xf32, #tpu.memory_space<vmem>> -> memref<8x64xf32, #tpu.memory_space<vmem>>
      %dma_start3A_529 = arith.constant 0 : i32
      %dma_start3A_530 = tpu.memref_slice %arg5[%multiple_of3A_510, %dma_start3A_529] : memref<1000000x64xf32, #tpu.memory_space<hbm>> -> memref<8x64xf32, #tpu.memory_space<hbm>>
      %dma_start3A_531 = arith.constant 0 : i32
      %dma_start3A_532 = arith.constant 0 : i32
      %dma_start3A_533 = tpu.memref_slice %arg10[%dma_start3A_524, %dma_start3A_531, %dma_start3A_532] : memref<16x8x64xf32, #tpu.memory_space<vmem>> -> memref<1x8x64xf32, #tpu.memory_space<vmem>>
      %dma_start3A_534 = tpu.memref_squeeze %dma_start3A_533 : memref<1x8x64xf32, #tpu.memory_space<vmem>> -> memref<8x64xf32, #tpu.memory_space<vmem>>
      %dma_start3A_535 = arith.constant 0 : i32
      %dma_start3A_536 = tpu.memref_slice %arg5[%multiple_of3A_510, %dma_start3A_535] : memref<1000000x64xf32, #tpu.memory_space<hbm>> -> memref<8x64xf32, #tpu.memory_space<hbm>>
      tpu.enqueue_dma source(%dma_start3A_536 : memref<8x64xf32, #tpu.memory_space<hbm>>) target(%dma_start3A_534 : memref<8x64xf32, #tpu.memory_space<vmem>>) target_semaphore(%arg12 : memref<!tpu.dma_semaphore, #tpu.memory_space<semaphore_mem>>)
      %dma_wait3A = arith.constant 0 : i32
      %dma_wait3A_537 = arith.constant 0 : i32
      %dma_wait3A_538 = arith.constant 0 : i32
      %dma_wait3A_539 = tpu.memref_slice %arg9[%dma_wait3A, %dma_wait3A_537, %dma_wait3A_538] : memref<16x8x64xf32, #tpu.memory_space<vmem>> -> memref<1x8x64xf32, #tpu.memory_space<vmem>>
      %dma_wait3A_540 = tpu.memref_squeeze %dma_wait3A_539 : memref<1x8x64xf32, #tpu.memory_space<vmem>> -> memref<8x64xf32, #tpu.memory_space<vmem>>
      %dma_wait3A_541 = arith.constant 0 : i32
      %dma_wait3A_542 = tpu.memref_slice %arg4[%multiple_of3A_28, %dma_wait3A_541] : memref<1000000x64xf32, #tpu.memory_space<hbm>> -> memref<8x64xf32, #tpu.memory_space<hbm>>
      %dma_wait3A_543 = arith.constant 0 : i32
      %dma_wait3A_544 = arith.constant 0 : i32
      %dma_wait3A_545 = tpu.memref_slice %arg9[%dma_wait3A, %dma_wait3A_543, %dma_wait3A_544] : memref<16x8x64xf32, #tpu.memory_space<vmem>> -> memref<1x8x64xf32, #tpu.memory_space<vmem>>
      %dma_wait3A_546 = tpu.memref_squeeze %dma_wait3A_545 : memref<1x8x64xf32, #tpu.memory_space<vmem>> -> memref<8x64xf32, #tpu.memory_space<vmem>>
      %dma_wait3A_547 = arith.constant 0 : i32
      %dma_wait3A_548 = tpu.memref_slice %arg4[%multiple_of3A_28, %dma_wait3A_547] : memref<1000000x64xf32, #tpu.memory_space<hbm>> -> memref<8x64xf32, #tpu.memory_space<hbm>>
      tpu.wait_dma2 semaphore(%arg12 : memref<!tpu.dma_semaphore, #tpu.memory_space<semaphore_mem>>) src(%dma_wait3A_548 : memref<8x64xf32, #tpu.memory_space<hbm>>) dst(%dma_wait3A_546 : memref<8x64xf32, #tpu.memory_space<vmem>>)
      %dma_wait3A_549 = arith.constant 0 : i32
      %dma_wait3A_550 = arith.constant 0 : i32
      %dma_wait3A_551 = arith.constant 0 : i32
      %dma_wait3A_552 = tpu.memref_slice %arg10[%dma_wait3A_549, %dma_wait3A_550, %dma_wait3A_551] : memref<16x8x64xf32, #tpu.memory_space<vmem>> -> memref<1x8x64xf32, #tpu.memory_space<vmem>>
      %dma_wait3A_553 = tpu.memref_squeeze %dma_wait3A_552 : memref<1x8x64xf32, #tpu.memory_space<vmem>> -> memref<8x64xf32, #tpu.memory_space<vmem>>
      %dma_wait3A_554 = arith.constant 0 : i32
      %dma_wait3A_555 = tpu.memref_slice %arg5[%multiple_of3A_31, %dma_wait3A_554] : memref<1000000x64xf32, #tpu.memory_space<hbm>> -> memref<8x64xf32, #tpu.memory_space<hbm>>
      %dma_wait3A_556 = arith.constant 0 : i32
      %dma_wait3A_557 = arith.constant 0 : i32
      %dma_wait3A_558 = tpu.memref_slice %arg10[%dma_wait3A_549, %dma_wait3A_556, %dma_wait3A_557] : memref<16x8x64xf32, #tpu.memory_space<vmem>> -> memref<1x8x64xf32, #tpu.memory_space<vmem>>
      %dma_wait3A_559 = tpu.memref_squeeze %dma_wait3A_558 : memref<1x8x64xf32, #tpu.memory_space<vmem>> -> memref<8x64xf32, #tpu.memory_space<vmem>>
      %dma_wait3A_560 = arith.constant 0 : i32
      %dma_wait3A_561 = tpu.memref_slice %arg5[%multiple_of3A_31, %dma_wait3A_560] : memref<1000000x64xf32, #tpu.memory_space<hbm>> -> memref<8x64xf32, #tpu.memory_space<hbm>>
      tpu.wait_dma2 semaphore(%arg12 : memref<!tpu.dma_semaphore, #tpu.memory_space<semaphore_mem>>) src(%dma_wait3A_561 : memref<8x64xf32, #tpu.memory_space<hbm>>) dst(%dma_wait3A_559 : memref<8x64xf32, #tpu.memory_space<vmem>>)
      %dma_wait3A_562 = arith.constant 1 : i32
      %dma_wait3A_563 = arith.constant 0 : i32
      %dma_wait3A_564 = arith.constant 0 : i32
      %dma_wait3A_565 = tpu.memref_slice %arg9[%dma_wait3A_562, %dma_wait3A_563, %dma_wait3A_564] : memref<16x8x64xf32, #tpu.memory_space<vmem>> -> memref<1x8x64xf32, #tpu.memory_space<vmem>>
      %dma_wait3A_566 = tpu.memref_squeeze %dma_wait3A_565 : memref<1x8x64xf32, #tpu.memory_space<vmem>> -> memref<8x64xf32, #tpu.memory_space<vmem>>
      %dma_wait3A_567 = arith.constant 0 : i32
      %dma_wait3A_568 = tpu.memref_slice %arg4[%multiple_of3A_59, %dma_wait3A_567] : memref<1000000x64xf32, #tpu.memory_space<hbm>> -> memref<8x64xf32, #tpu.memory_space<hbm>>
      %dma_wait3A_569 = arith.constant 0 : i32
      %dma_wait3A_570 = arith.constant 0 : i32
      %dma_wait3A_571 = tpu.memref_slice %arg9[%dma_wait3A_562, %dma_wait3A_569, %dma_wait3A_570] : memref<16x8x64xf32, #tpu.memory_space<vmem>> -> memref<1x8x64xf32, #tpu.memory_space<vmem>>
      %dma_wait3A_572 = tpu.memref_squeeze %dma_wait3A_571 : memref<1x8x64xf32, #tpu.memory_space<vmem>> -> memref<8x64xf32, #tpu.memory_space<vmem>>
      %dma_wait3A_573 = arith.constant 0 : i32
      %dma_wait3A_574 = tpu.memref_slice %arg4[%multiple_of3A_59, %dma_wait3A_573] : memref<1000000x64xf32, #tpu.memory_space<hbm>> -> memref<8x64xf32, #tpu.memory_space<hbm>>
      tpu.wait_dma2 semaphore(%arg12 : memref<!tpu.dma_semaphore, #tpu.memory_space<semaphore_mem>>) src(%dma_wait3A_574 : memref<8x64xf32, #tpu.memory_space<hbm>>) dst(%dma_wait3A_572 : memref<8x64xf32, #tpu.memory_space<vmem>>)
      %dma_wait3A_575 = arith.constant 1 : i32
      %dma_wait3A_576 = arith.constant 0 : i32
      %dma_wait3A_577 = arith.constant 0 : i32
      %dma_wait3A_578 = tpu.memref_slice %arg10[%dma_wait3A_575, %dma_wait3A_576, %dma_wait3A_577] : memref<16x8x64xf32, #tpu.memory_space<vmem>> -> memref<1x8x64xf32, #tpu.memory_space<vmem>>
      %dma_wait3A_579 = tpu.memref_squeeze %dma_wait3A_578 : memref<1x8x64xf32, #tpu.memory_space<vmem>> -> memref<8x64xf32, #tpu.memory_space<vmem>>
      %dma_wait3A_580 = arith.constant 0 : i32
      %dma_wait3A_581 = tpu.memref_slice %arg5[%multiple_of3A_62, %dma_wait3A_580] : memref<1000000x64xf32, #tpu.memory_space<hbm>> -> memref<8x64xf32, #tpu.memory_space<hbm>>
      %dma_wait3A_582 = arith.constant 0 : i32
      %dma_wait3A_583 = arith.constant 0 : i32
      %dma_wait3A_584 = tpu.memref_slice %arg10[%dma_wait3A_575, %dma_wait3A_582, %dma_wait3A_583] : memref<16x8x64xf32, #tpu.memory_space<vmem>> -> memref<1x8x64xf32, #tpu.memory_space<vmem>>
      %dma_wait3A_585 = tpu.memref_squeeze %dma_wait3A_584 : memref<1x8x64xf32, #tpu.memory_space<vmem>> -> memref<8x64xf32, #tpu.memory_space<vmem>>
      %dma_wait3A_586 = arith.constant 0 : i32
      %dma_wait3A_587 = tpu.memref_slice %arg5[%multiple_of3A_62, %dma_wait3A_586] : memref<1000000x64xf32, #tpu.memory_space<hbm>> -> memref<8x64xf32, #tpu.memory_space<hbm>>
      tpu.wait_dma2 semaphore(%arg12 : memref<!tpu.dma_semaphore, #tpu.memory_space<semaphore_mem>>) src(%dma_wait3A_587 : memref<8x64xf32, #tpu.memory_space<hbm>>) dst(%dma_wait3A_585 : memref<8x64xf32, #tpu.memory_space<vmem>>)
      %dma_wait3A_588 = arith.constant 2 : i32
      %dma_wait3A_589 = arith.constant 0 : i32
      %dma_wait3A_590 = arith.constant 0 : i32
      %dma_wait3A_591 = tpu.memref_slice %arg9[%dma_wait3A_588, %dma_wait3A_589, %dma_wait3A_590] : memref<16x8x64xf32, #tpu.memory_space<vmem>> -> memref<1x8x64xf32, #tpu.memory_space<vmem>>
      %dma_wait3A_592 = tpu.memref_squeeze %dma_wait3A_591 : memref<1x8x64xf32, #tpu.memory_space<vmem>> -> memref<8x64xf32, #tpu.memory_space<vmem>>
      %dma_wait3A_593 = arith.constant 0 : i32
      %dma_wait3A_594 = tpu.memref_slice %arg4[%multiple_of3A_91, %dma_wait3A_593] : memref<1000000x64xf32, #tpu.memory_space<hbm>> -> memref<8x64xf32, #tpu.memory_space<hbm>>
      %dma_wait3A_595 = arith.constant 0 : i32
      %dma_wait3A_596 = arith.constant 0 : i32
      %dma_wait3A_597 = tpu.memref_slice %arg9[%dma_wait3A_588, %dma_wait3A_595, %dma_wait3A_596] : memref<16x8x64xf32, #tpu.memory_space<vmem>> -> memref<1x8x64xf32, #tpu.memory_space<vmem>>
      %dma_wait3A_598 = tpu.memref_squeeze %dma_wait3A_597 : memref<1x8x64xf32, #tpu.memory_space<vmem>> -> memref<8x64xf32, #tpu.memory_space<vmem>>
      %dma_wait3A_599 = arith.constant 0 : i32
      %dma_wait3A_600 = tpu.memref_slice %arg4[%multiple_of3A_91, %dma_wait3A_599] : memref<1000000x64xf32, #tpu.memory_space<hbm>> -> memref<8x64xf32, #tpu.memory_space<hbm>>
      tpu.wait_dma2 semaphore(%arg12 : memref<!tpu.dma_semaphore, #tpu.memory_space<semaphore_mem>>) src(%dma_wait3A_600 : memref<8x64xf32, #tpu.memory_space<hbm>>) dst(%dma_wait3A_598 : memref<8x64xf32, #tpu.memory_space<vmem>>)
      %dma_wait3A_601 = arith.constant 2 : i32
      %dma_wait3A_602 = arith.constant 0 : i32
      %dma_wait3A_603 = arith.constant 0 : i32
      %dma_wait3A_604 = tpu.memref_slice %arg10[%dma_wait3A_601, %dma_wait3A_602, %dma_wait3A_603] : memref<16x8x64xf32, #tpu.memory_space<vmem>> -> memref<1x8x64xf32, #tpu.memory_space<vmem>>
      %dma_wait3A_605 = tpu.memref_squeeze %dma_wait3A_604 : memref<1x8x64xf32, #tpu.memory_space<vmem>> -> memref<8x64xf32, #tpu.memory_space<vmem>>
      %dma_wait3A_606 = arith.constant 0 : i32
      %dma_wait3A_607 = tpu.memref_slice %arg5[%multiple_of3A_94, %dma_wait3A_606] : memref<1000000x64xf32, #tpu.memory_space<hbm>> -> memref<8x64xf32, #tpu.memory_space<hbm>>
      %dma_wait3A_608 = arith.constant 0 : i32
      %dma_wait3A_609 = arith.constant 0 : i32
      %dma_wait3A_610 = tpu.memref_slice %arg10[%dma_wait3A_601, %dma_wait3A_608, %dma_wait3A_609] : memref<16x8x64xf32, #tpu.memory_space<vmem>> -> memref<1x8x64xf32, #tpu.memory_space<vmem>>
      %dma_wait3A_611 = tpu.memref_squeeze %dma_wait3A_610 : memref<1x8x64xf32, #tpu.memory_space<vmem>> -> memref<8x64xf32, #tpu.memory_space<vmem>>
      %dma_wait3A_612 = arith.constant 0 : i32
      %dma_wait3A_613 = tpu.memref_slice %arg5[%multiple_of3A_94, %dma_wait3A_612] : memref<1000000x64xf32, #tpu.memory_space<hbm>> -> memref<8x64xf32, #tpu.memory_space<hbm>>
      tpu.wait_dma2 semaphore(%arg12 : memref<!tpu.dma_semaphore, #tpu.memory_space<semaphore_mem>>) src(%dma_wait3A_613 : memref<8x64xf32, #tpu.memory_space<hbm>>) dst(%dma_wait3A_611 : memref<8x64xf32, #tpu.memory_space<vmem>>)
      %dma_wait3A_614 = arith.constant 3 : i32
      %dma_wait3A_615 = arith.constant 0 : i32
      %dma_wait3A_616 = arith.constant 0 : i32
      %dma_wait3A_617 = tpu.memref_slice %arg9[%dma_wait3A_614, %dma_wait3A_615, %dma_wait3A_616] : memref<16x8x64xf32, #tpu.memory_space<vmem>> -> memref<1x8x64xf32, #tpu.memory_space<vmem>>
      %dma_wait3A_618 = tpu.memref_squeeze %dma_wait3A_617 : memref<1x8x64xf32, #tpu.memory_space<vmem>> -> memref<8x64xf32, #tpu.memory_space<vmem>>
      %dma_wait3A_619 = arith.constant 0 : i32
      %dma_wait3A_620 = tpu.memref_slice %arg4[%multiple_of3A_123, %dma_wait3A_619] : memref<1000000x64xf32, #tpu.memory_space<hbm>> -> memref<8x64xf32, #tpu.memory_space<hbm>>
      %dma_wait3A_621 = arith.constant 0 : i32
      %dma_wait3A_622 = arith.constant 0 : i32
      %dma_wait3A_623 = tpu.memref_slice %arg9[%dma_wait3A_614, %dma_wait3A_621, %dma_wait3A_622] : memref<16x8x64xf32, #tpu.memory_space<vmem>> -> memref<1x8x64xf32, #tpu.memory_space<vmem>>
      %dma_wait3A_624 = tpu.memref_squeeze %dma_wait3A_623 : memref<1x8x64xf32, #tpu.memory_space<vmem>> -> memref<8x64xf32, #tpu.memory_space<vmem>>
      %dma_wait3A_625 = arith.constant 0 : i32
      %dma_wait3A_626 = tpu.memref_slice %arg4[%multiple_of3A_123, %dma_wait3A_625] : memref<1000000x64xf32, #tpu.memory_space<hbm>> -> memref<8x64xf32, #tpu.memory_space<hbm>>
      tpu.wait_dma2 semaphore(%arg12 : memref<!tpu.dma_semaphore, #tpu.memory_space<semaphore_mem>>) src(%dma_wait3A_626 : memref<8x64xf32, #tpu.memory_space<hbm>>) dst(%dma_wait3A_624 : memref<8x64xf32, #tpu.memory_space<vmem>>)
      %dma_wait3A_627 = arith.constant 3 : i32
      %dma_wait3A_628 = arith.constant 0 : i32
      %dma_wait3A_629 = arith.constant 0 : i32
      %dma_wait3A_630 = tpu.memref_slice %arg10[%dma_wait3A_627, %dma_wait3A_628, %dma_wait3A_629] : memref<16x8x64xf32, #tpu.memory_space<vmem>> -> memref<1x8x64xf32, #tpu.memory_space<vmem>>
      %dma_wait3A_631 = tpu.memref_squeeze %dma_wait3A_630 : memref<1x8x64xf32, #tpu.memory_space<vmem>> -> memref<8x64xf32, #tpu.memory_space<vmem>>
      %dma_wait3A_632 = arith.constant 0 : i32
      %dma_wait3A_633 = tpu.memref_slice %arg5[%multiple_of3A_126, %dma_wait3A_632] : memref<1000000x64xf32, #tpu.memory_space<hbm>> -> memref<8x64xf32, #tpu.memory_space<hbm>>
      %dma_wait3A_634 = arith.constant 0 : i32
      %dma_wait3A_635 = arith.constant 0 : i32
      %dma_wait3A_636 = tpu.memref_slice %arg10[%dma_wait3A_627, %dma_wait3A_634, %dma_wait3A_635] : memref<16x8x64xf32, #tpu.memory_space<vmem>> -> memref<1x8x64xf32, #tpu.memory_space<vmem>>
      %dma_wait3A_637 = tpu.memref_squeeze %dma_wait3A_636 : memref<1x8x64xf32, #tpu.memory_space<vmem>> -> memref<8x64xf32, #tpu.memory_space<vmem>>
      %dma_wait3A_638 = arith.constant 0 : i32
      %dma_wait3A_639 = tpu.memref_slice %arg5[%multiple_of3A_126, %dma_wait3A_638] : memref<1000000x64xf32, #tpu.memory_space<hbm>> -> memref<8x64xf32, #tpu.memory_space<hbm>>
      tpu.wait_dma2 semaphore(%arg12 : memref<!tpu.dma_semaphore, #tpu.memory_space<semaphore_mem>>) src(%dma_wait3A_639 : memref<8x64xf32, #tpu.memory_space<hbm>>) dst(%dma_wait3A_637 : memref<8x64xf32, #tpu.memory_space<vmem>>)
      %dma_wait3A_640 = arith.constant 4 : i32
      %dma_wait3A_641 = arith.constant 0 : i32
      %dma_wait3A_642 = arith.constant 0 : i32
      %dma_wait3A_643 = tpu.memref_slice %arg9[%dma_wait3A_640, %dma_wait3A_641, %dma_wait3A_642] : memref<16x8x64xf32, #tpu.memory_space<vmem>> -> memref<1x8x64xf32, #tpu.memory_space<vmem>>
      %dma_wait3A_644 = tpu.memref_squeeze %dma_wait3A_643 : memref<1x8x64xf32, #tpu.memory_space<vmem>> -> memref<8x64xf32, #tpu.memory_space<vmem>>
      %dma_wait3A_645 = arith.constant 0 : i32
      %dma_wait3A_646 = tpu.memref_slice %arg4[%multiple_of3A_155, %dma_wait3A_645] : memref<1000000x64xf32, #tpu.memory_space<hbm>> -> memref<8x64xf32, #tpu.memory_space<hbm>>
      %dma_wait3A_647 = arith.constant 0 : i32
      %dma_wait3A_648 = arith.constant 0 : i32
      %dma_wait3A_649 = tpu.memref_slice %arg9[%dma_wait3A_640, %dma_wait3A_647, %dma_wait3A_648] : memref<16x8x64xf32, #tpu.memory_space<vmem>> -> memref<1x8x64xf32, #tpu.memory_space<vmem>>
      %dma_wait3A_650 = tpu.memref_squeeze %dma_wait3A_649 : memref<1x8x64xf32, #tpu.memory_space<vmem>> -> memref<8x64xf32, #tpu.memory_space<vmem>>
      %dma_wait3A_651 = arith.constant 0 : i32
      %dma_wait3A_652 = tpu.memref_slice %arg4[%multiple_of3A_155, %dma_wait3A_651] : memref<1000000x64xf32, #tpu.memory_space<hbm>> -> memref<8x64xf32, #tpu.memory_space<hbm>>
      tpu.wait_dma2 semaphore(%arg12 : memref<!tpu.dma_semaphore, #tpu.memory_space<semaphore_mem>>) src(%dma_wait3A_652 : memref<8x64xf32, #tpu.memory_space<hbm>>) dst(%dma_wait3A_650 : memref<8x64xf32, #tpu.memory_space<vmem>>)
      %dma_wait3A_653 = arith.constant 4 : i32
      %dma_wait3A_654 = arith.constant 0 : i32
      %dma_wait3A_655 = arith.constant 0 : i32
      %dma_wait3A_656 = tpu.memref_slice %arg10[%dma_wait3A_653, %dma_wait3A_654, %dma_wait3A_655] : memref<16x8x64xf32, #tpu.memory_space<vmem>> -> memref<1x8x64xf32, #tpu.memory_space<vmem>>
      %dma_wait3A_657 = tpu.memref_squeeze %dma_wait3A_656 : memref<1x8x64xf32, #tpu.memory_space<vmem>> -> memref<8x64xf32, #tpu.memory_space<vmem>>
      %dma_wait3A_658 = arith.constant 0 : i32
      %dma_wait3A_659 = tpu.memref_slice %arg5[%multiple_of3A_158, %dma_wait3A_658] : memref<1000000x64xf32, #tpu.memory_space<hbm>> -> memref<8x64xf32, #tpu.memory_space<hbm>>
      %dma_wait3A_660 = arith.constant 0 : i32
      %dma_wait3A_661 = arith.constant 0 : i32
      %dma_wait3A_662 = tpu.memref_slice %arg10[%dma_wait3A_653, %dma_wait3A_660, %dma_wait3A_661] : memref<16x8x64xf32, #tpu.memory_space<vmem>> -> memref<1x8x64xf32, #tpu.memory_space<vmem>>
      %dma_wait3A_663 = tpu.memref_squeeze %dma_wait3A_662 : memref<1x8x64xf32, #tpu.memory_space<vmem>> -> memref<8x64xf32, #tpu.memory_space<vmem>>
      %dma_wait3A_664 = arith.constant 0 : i32
      %dma_wait3A_665 = tpu.memref_slice %arg5[%multiple_of3A_158, %dma_wait3A_664] : memref<1000000x64xf32, #tpu.memory_space<hbm>> -> memref<8x64xf32, #tpu.memory_space<hbm>>
      tpu.wait_dma2 semaphore(%arg12 : memref<!tpu.dma_semaphore, #tpu.memory_space<semaphore_mem>>) src(%dma_wait3A_665 : memref<8x64xf32, #tpu.memory_space<hbm>>) dst(%dma_wait3A_663 : memref<8x64xf32, #tpu.memory_space<vmem>>)
      %dma_wait3A_666 = arith.constant 5 : i32
      %dma_wait3A_667 = arith.constant 0 : i32
      %dma_wait3A_668 = arith.constant 0 : i32
      %dma_wait3A_669 = tpu.memref_slice %arg9[%dma_wait3A_666, %dma_wait3A_667, %dma_wait3A_668] : memref<16x8x64xf32, #tpu.memory_space<vmem>> -> memref<1x8x64xf32, #tpu.memory_space<vmem>>
      %dma_wait3A_670 = tpu.memref_squeeze %dma_wait3A_669 : memref<1x8x64xf32, #tpu.memory_space<vmem>> -> memref<8x64xf32, #tpu.memory_space<vmem>>
      %dma_wait3A_671 = arith.constant 0 : i32
      %dma_wait3A_672 = tpu.memref_slice %arg4[%multiple_of3A_187, %dma_wait3A_671] : memref<1000000x64xf32, #tpu.memory_space<hbm>> -> memref<8x64xf32, #tpu.memory_space<hbm>>
      %dma_wait3A_673 = arith.constant 0 : i32
      %dma_wait3A_674 = arith.constant 0 : i32
      %dma_wait3A_675 = tpu.memref_slice %arg9[%dma_wait3A_666, %dma_wait3A_673, %dma_wait3A_674] : memref<16x8x64xf32, #tpu.memory_space<vmem>> -> memref<1x8x64xf32, #tpu.memory_space<vmem>>
      %dma_wait3A_676 = tpu.memref_squeeze %dma_wait3A_675 : memref<1x8x64xf32, #tpu.memory_space<vmem>> -> memref<8x64xf32, #tpu.memory_space<vmem>>
      %dma_wait3A_677 = arith.constant 0 : i32
      %dma_wait3A_678 = tpu.memref_slice %arg4[%multiple_of3A_187, %dma_wait3A_677] : memref<1000000x64xf32, #tpu.memory_space<hbm>> -> memref<8x64xf32, #tpu.memory_space<hbm>>
      tpu.wait_dma2 semaphore(%arg12 : memref<!tpu.dma_semaphore, #tpu.memory_space<semaphore_mem>>) src(%dma_wait3A_678 : memref<8x64xf32, #tpu.memory_space<hbm>>) dst(%dma_wait3A_676 : memref<8x64xf32, #tpu.memory_space<vmem>>)
      %dma_wait3A_679 = arith.constant 5 : i32
      %dma_wait3A_680 = arith.constant 0 : i32
      %dma_wait3A_681 = arith.constant 0 : i32
      %dma_wait3A_682 = tpu.memref_slice %arg10[%dma_wait3A_679, %dma_wait3A_680, %dma_wait3A_681] : memref<16x8x64xf32, #tpu.memory_space<vmem>> -> memref<1x8x64xf32, #tpu.memory_space<vmem>>
      %dma_wait3A_683 = tpu.memref_squeeze %dma_wait3A_682 : memref<1x8x64xf32, #tpu.memory_space<vmem>> -> memref<8x64xf32, #tpu.memory_space<vmem>>
      %dma_wait3A_684 = arith.constant 0 : i32
      %dma_wait3A_685 = tpu.memref_slice %arg5[%multiple_of3A_190, %dma_wait3A_684] : memref<1000000x64xf32, #tpu.memory_space<hbm>> -> memref<8x64xf32, #tpu.memory_space<hbm>>
      %dma_wait3A_686 = arith.constant 0 : i32
      %dma_wait3A_687 = arith.constant 0 : i32
      %dma_wait3A_688 = tpu.memref_slice %arg10[%dma_wait3A_679, %dma_wait3A_686, %dma_wait3A_687] : memref<16x8x64xf32, #tpu.memory_space<vmem>> -> memref<1x8x64xf32, #tpu.memory_space<vmem>>
      %dma_wait3A_689 = tpu.memref_squeeze %dma_wait3A_688 : memref<1x8x64xf32, #tpu.memory_space<vmem>> -> memref<8x64xf32, #tpu.memory_space<vmem>>
      %dma_wait3A_690 = arith.constant 0 : i32
      %dma_wait3A_691 = tpu.memref_slice %arg5[%multiple_of3A_190, %dma_wait3A_690] : memref<1000000x64xf32, #tpu.memory_space<hbm>> -> memref<8x64xf32, #tpu.memory_space<hbm>>
      tpu.wait_dma2 semaphore(%arg12 : memref<!tpu.dma_semaphore, #tpu.memory_space<semaphore_mem>>) src(%dma_wait3A_691 : memref<8x64xf32, #tpu.memory_space<hbm>>) dst(%dma_wait3A_689 : memref<8x64xf32, #tpu.memory_space<vmem>>)
      %dma_wait3A_692 = arith.constant 6 : i32
      %dma_wait3A_693 = arith.constant 0 : i32
      %dma_wait3A_694 = arith.constant 0 : i32
      %dma_wait3A_695 = tpu.memref_slice %arg9[%dma_wait3A_692, %dma_wait3A_693, %dma_wait3A_694] : memref<16x8x64xf32, #tpu.memory_space<vmem>> -> memref<1x8x64xf32, #tpu.memory_space<vmem>>
      %dma_wait3A_696 = tpu.memref_squeeze %dma_wait3A_695 : memref<1x8x64xf32, #tpu.memory_space<vmem>> -> memref<8x64xf32, #tpu.memory_space<vmem>>
      %dma_wait3A_697 = arith.constant 0 : i32
      %dma_wait3A_698 = tpu.memref_slice %arg4[%multiple_of3A_219, %dma_wait3A_697] : memref<1000000x64xf32, #tpu.memory_space<hbm>> -> memref<8x64xf32, #tpu.memory_space<hbm>>
      %dma_wait3A_699 = arith.constant 0 : i32
      %dma_wait3A_700 = arith.constant 0 : i32
      %dma_wait3A_701 = tpu.memref_slice %arg9[%dma_wait3A_692, %dma_wait3A_699, %dma_wait3A_700] : memref<16x8x64xf32, #tpu.memory_space<vmem>> -> memref<1x8x64xf32, #tpu.memory_space<vmem>>
      %dma_wait3A_702 = tpu.memref_squeeze %dma_wait3A_701 : memref<1x8x64xf32, #tpu.memory_space<vmem>> -> memref<8x64xf32, #tpu.memory_space<vmem>>
      %dma_wait3A_703 = arith.constant 0 : i32
      %dma_wait3A_704 = tpu.memref_slice %arg4[%multiple_of3A_219, %dma_wait3A_703] : memref<1000000x64xf32, #tpu.memory_space<hbm>> -> memref<8x64xf32, #tpu.memory_space<hbm>>
      tpu.wait_dma2 semaphore(%arg12 : memref<!tpu.dma_semaphore, #tpu.memory_space<semaphore_mem>>) src(%dma_wait3A_704 : memref<8x64xf32, #tpu.memory_space<hbm>>) dst(%dma_wait3A_702 : memref<8x64xf32, #tpu.memory_space<vmem>>)
      %dma_wait3A_705 = arith.constant 6 : i32
      %dma_wait3A_706 = arith.constant 0 : i32
      %dma_wait3A_707 = arith.constant 0 : i32
      %dma_wait3A_708 = tpu.memref_slice %arg10[%dma_wait3A_705, %dma_wait3A_706, %dma_wait3A_707] : memref<16x8x64xf32, #tpu.memory_space<vmem>> -> memref<1x8x64xf32, #tpu.memory_space<vmem>>
      %dma_wait3A_709 = tpu.memref_squeeze %dma_wait3A_708 : memref<1x8x64xf32, #tpu.memory_space<vmem>> -> memref<8x64xf32, #tpu.memory_space<vmem>>
      %dma_wait3A_710 = arith.constant 0 : i32
      %dma_wait3A_711 = tpu.memref_slice %arg5[%multiple_of3A_222, %dma_wait3A_710] : memref<1000000x64xf32, #tpu.memory_space<hbm>> -> memref<8x64xf32, #tpu.memory_space<hbm>>
      %dma_wait3A_712 = arith.constant 0 : i32
      %dma_wait3A_713 = arith.constant 0 : i32
      %dma_wait3A_714 = tpu.memref_slice %arg10[%dma_wait3A_705, %dma_wait3A_712, %dma_wait3A_713] : memref<16x8x64xf32, #tpu.memory_space<vmem>> -> memref<1x8x64xf32, #tpu.memory_space<vmem>>
      %dma_wait3A_715 = tpu.memref_squeeze %dma_wait3A_714 : memref<1x8x64xf32, #tpu.memory_space<vmem>> -> memref<8x64xf32, #tpu.memory_space<vmem>>
      %dma_wait3A_716 = arith.constant 0 : i32
      %dma_wait3A_717 = tpu.memref_slice %arg5[%multiple_of3A_222, %dma_wait3A_716] : memref<1000000x64xf32, #tpu.memory_space<hbm>> -> memref<8x64xf32, #tpu.memory_space<hbm>>
      tpu.wait_dma2 semaphore(%arg12 : memref<!tpu.dma_semaphore, #tpu.memory_space<semaphore_mem>>) src(%dma_wait3A_717 : memref<8x64xf32, #tpu.memory_space<hbm>>) dst(%dma_wait3A_715 : memref<8x64xf32, #tpu.memory_space<vmem>>)
      %dma_wait3A_718 = arith.constant 7 : i32
      %dma_wait3A_719 = arith.constant 0 : i32
      %dma_wait3A_720 = arith.constant 0 : i32
      %dma_wait3A_721 = tpu.memref_slice %arg9[%dma_wait3A_718, %dma_wait3A_719, %dma_wait3A_720] : memref<16x8x64xf32, #tpu.memory_space<vmem>> -> memref<1x8x64xf32, #tpu.memory_space<vmem>>
      %dma_wait3A_722 = tpu.memref_squeeze %dma_wait3A_721 : memref<1x8x64xf32, #tpu.memory_space<vmem>> -> memref<8x64xf32, #tpu.memory_space<vmem>>
      %dma_wait3A_723 = arith.constant 0 : i32
      %dma_wait3A_724 = tpu.memref_slice %arg4[%multiple_of3A_251, %dma_wait3A_723] : memref<1000000x64xf32, #tpu.memory_space<hbm>> -> memref<8x64xf32, #tpu.memory_space<hbm>>
      %dma_wait3A_725 = arith.constant 0 : i32
      %dma_wait3A_726 = arith.constant 0 : i32
      %dma_wait3A_727 = tpu.memref_slice %arg9[%dma_wait3A_718, %dma_wait3A_725, %dma_wait3A_726] : memref<16x8x64xf32, #tpu.memory_space<vmem>> -> memref<1x8x64xf32, #tpu.memory_space<vmem>>
      %dma_wait3A_728 = tpu.memref_squeeze %dma_wait3A_727 : memref<1x8x64xf32, #tpu.memory_space<vmem>> -> memref<8x64xf32, #tpu.memory_space<vmem>>
      %dma_wait3A_729 = arith.constant 0 : i32
      %dma_wait3A_730 = tpu.memref_slice %arg4[%multiple_of3A_251, %dma_wait3A_729] : memref<1000000x64xf32, #tpu.memory_space<hbm>> -> memref<8x64xf32, #tpu.memory_space<hbm>>
      tpu.wait_dma2 semaphore(%arg12 : memref<!tpu.dma_semaphore, #tpu.memory_space<semaphore_mem>>) src(%dma_wait3A_730 : memref<8x64xf32, #tpu.memory_space<hbm>>) dst(%dma_wait3A_728 : memref<8x64xf32, #tpu.memory_space<vmem>>)
      %dma_wait3A_731 = arith.constant 7 : i32
      %dma_wait3A_732 = arith.constant 0 : i32
      %dma_wait3A_733 = arith.constant 0 : i32
      %dma_wait3A_734 = tpu.memref_slice %arg10[%dma_wait3A_731, %dma_wait3A_732, %dma_wait3A_733] : memref<16x8x64xf32, #tpu.memory_space<vmem>> -> memref<1x8x64xf32, #tpu.memory_space<vmem>>
      %dma_wait3A_735 = tpu.memref_squeeze %dma_wait3A_734 : memref<1x8x64xf32, #tpu.memory_space<vmem>> -> memref<8x64xf32, #tpu.memory_space<vmem>>
      %dma_wait3A_736 = arith.constant 0 : i32
      %dma_wait3A_737 = tpu.memref_slice %arg5[%multiple_of3A_254, %dma_wait3A_736] : memref<1000000x64xf32, #tpu.memory_space<hbm>> -> memref<8x64xf32, #tpu.memory_space<hbm>>
      %dma_wait3A_738 = arith.constant 0 : i32
      %dma_wait3A_739 = arith.constant 0 : i32
      %dma_wait3A_740 = tpu.memref_slice %arg10[%dma_wait3A_731, %dma_wait3A_738, %dma_wait3A_739] : memref<16x8x64xf32, #tpu.memory_space<vmem>> -> memref<1x8x64xf32, #tpu.memory_space<vmem>>
      %dma_wait3A_741 = tpu.memref_squeeze %dma_wait3A_740 : memref<1x8x64xf32, #tpu.memory_space<vmem>> -> memref<8x64xf32, #tpu.memory_space<vmem>>
      %dma_wait3A_742 = arith.constant 0 : i32
      %dma_wait3A_743 = tpu.memref_slice %arg5[%multiple_of3A_254, %dma_wait3A_742] : memref<1000000x64xf32, #tpu.memory_space<hbm>> -> memref<8x64xf32, #tpu.memory_space<hbm>>
      tpu.wait_dma2 semaphore(%arg12 : memref<!tpu.dma_semaphore, #tpu.memory_space<semaphore_mem>>) src(%dma_wait3A_743 : memref<8x64xf32, #tpu.memory_space<hbm>>) dst(%dma_wait3A_741 : memref<8x64xf32, #tpu.memory_space<vmem>>)
      %dma_wait3A_744 = arith.constant 8 : i32
      %dma_wait3A_745 = arith.constant 0 : i32
      %dma_wait3A_746 = arith.constant 0 : i32
      %dma_wait3A_747 = tpu.memref_slice %arg9[%dma_wait3A_744, %dma_wait3A_745, %dma_wait3A_746] : memref<16x8x64xf32, #tpu.memory_space<vmem>> -> memref<1x8x64xf32, #tpu.memory_space<vmem>>
      %dma_wait3A_748 = tpu.memref_squeeze %dma_wait3A_747 : memref<1x8x64xf32, #tpu.memory_space<vmem>> -> memref<8x64xf32, #tpu.memory_space<vmem>>
      %dma_wait3A_749 = arith.constant 0 : i32
      %dma_wait3A_750 = tpu.memref_slice %arg4[%multiple_of3A_283, %dma_wait3A_749] : memref<1000000x64xf32, #tpu.memory_space<hbm>> -> memref<8x64xf32, #tpu.memory_space<hbm>>
      %dma_wait3A_751 = arith.constant 0 : i32
      %dma_wait3A_752 = arith.constant 0 : i32
      %dma_wait3A_753 = tpu.memref_slice %arg9[%dma_wait3A_744, %dma_wait3A_751, %dma_wait3A_752] : memref<16x8x64xf32, #tpu.memory_space<vmem>> -> memref<1x8x64xf32, #tpu.memory_space<vmem>>
      %dma_wait3A_754 = tpu.memref_squeeze %dma_wait3A_753 : memref<1x8x64xf32, #tpu.memory_space<vmem>> -> memref<8x64xf32, #tpu.memory_space<vmem>>
      %dma_wait3A_755 = arith.constant 0 : i32
      %dma_wait3A_756 = tpu.memref_slice %arg4[%multiple_of3A_283, %dma_wait3A_755] : memref<1000000x64xf32, #tpu.memory_space<hbm>> -> memref<8x64xf32, #tpu.memory_space<hbm>>
      tpu.wait_dma2 semaphore(%arg12 : memref<!tpu.dma_semaphore, #tpu.memory_space<semaphore_mem>>) src(%dma_wait3A_756 : memref<8x64xf32, #tpu.memory_space<hbm>>) dst(%dma_wait3A_754 : memref<8x64xf32, #tpu.memory_space<vmem>>)
      %dma_wait3A_757 = arith.constant 8 : i32
      %dma_wait3A_758 = arith.constant 0 : i32
      %dma_wait3A_759 = arith.constant 0 : i32
      %dma_wait3A_760 = tpu.memref_slice %arg10[%dma_wait3A_757, %dma_wait3A_758, %dma_wait3A_759] : memref<16x8x64xf32, #tpu.memory_space<vmem>> -> memref<1x8x64xf32, #tpu.memory_space<vmem>>
      %dma_wait3A_761 = tpu.memref_squeeze %dma_wait3A_760 : memref<1x8x64xf32, #tpu.memory_space<vmem>> -> memref<8x64xf32, #tpu.memory_space<vmem>>
      %dma_wait3A_762 = arith.constant 0 : i32
      %dma_wait3A_763 = tpu.memref_slice %arg5[%multiple_of3A_286, %dma_wait3A_762] : memref<1000000x64xf32, #tpu.memory_space<hbm>> -> memref<8x64xf32, #tpu.memory_space<hbm>>
      %dma_wait3A_764 = arith.constant 0 : i32
      %dma_wait3A_765 = arith.constant 0 : i32
      %dma_wait3A_766 = tpu.memref_slice %arg10[%dma_wait3A_757, %dma_wait3A_764, %dma_wait3A_765] : memref<16x8x64xf32, #tpu.memory_space<vmem>> -> memref<1x8x64xf32, #tpu.memory_space<vmem>>
      %dma_wait3A_767 = tpu.memref_squeeze %dma_wait3A_766 : memref<1x8x64xf32, #tpu.memory_space<vmem>> -> memref<8x64xf32, #tpu.memory_space<vmem>>
      %dma_wait3A_768 = arith.constant 0 : i32
      %dma_wait3A_769 = tpu.memref_slice %arg5[%multiple_of3A_286, %dma_wait3A_768] : memref<1000000x64xf32, #tpu.memory_space<hbm>> -> memref<8x64xf32, #tpu.memory_space<hbm>>
      tpu.wait_dma2 semaphore(%arg12 : memref<!tpu.dma_semaphore, #tpu.memory_space<semaphore_mem>>) src(%dma_wait3A_769 : memref<8x64xf32, #tpu.memory_space<hbm>>) dst(%dma_wait3A_767 : memref<8x64xf32, #tpu.memory_space<vmem>>)
      %dma_wait3A_770 = arith.constant 9 : i32
      %dma_wait3A_771 = arith.constant 0 : i32
      %dma_wait3A_772 = arith.constant 0 : i32
      %dma_wait3A_773 = tpu.memref_slice %arg9[%dma_wait3A_770, %dma_wait3A_771, %dma_wait3A_772] : memref<16x8x64xf32, #tpu.memory_space<vmem>> -> memref<1x8x64xf32, #tpu.memory_space<vmem>>
      %dma_wait3A_774 = tpu.memref_squeeze %dma_wait3A_773 : memref<1x8x64xf32, #tpu.memory_space<vmem>> -> memref<8x64xf32, #tpu.memory_space<vmem>>
      %dma_wait3A_775 = arith.constant 0 : i32
      %dma_wait3A_776 = tpu.memref_slice %arg4[%multiple_of3A_315, %dma_wait3A_775] : memref<1000000x64xf32, #tpu.memory_space<hbm>> -> memref<8x64xf32, #tpu.memory_space<hbm>>
      %dma_wait3A_777 = arith.constant 0 : i32
      %dma_wait3A_778 = arith.constant 0 : i32
      %dma_wait3A_779 = tpu.memref_slice %arg9[%dma_wait3A_770, %dma_wait3A_777, %dma_wait3A_778] : memref<16x8x64xf32, #tpu.memory_space<vmem>> -> memref<1x8x64xf32, #tpu.memory_space<vmem>>
      %dma_wait3A_780 = tpu.memref_squeeze %dma_wait3A_779 : memref<1x8x64xf32, #tpu.memory_space<vmem>> -> memref<8x64xf32, #tpu.memory_space<vmem>>
      %dma_wait3A_781 = arith.constant 0 : i32
      %dma_wait3A_782 = tpu.memref_slice %arg4[%multiple_of3A_315, %dma_wait3A_781] : memref<1000000x64xf32, #tpu.memory_space<hbm>> -> memref<8x64xf32, #tpu.memory_space<hbm>>
      tpu.wait_dma2 semaphore(%arg12 : memref<!tpu.dma_semaphore, #tpu.memory_space<semaphore_mem>>) src(%dma_wait3A_782 : memref<8x64xf32, #tpu.memory_space<hbm>>) dst(%dma_wait3A_780 : memref<8x64xf32, #tpu.memory_space<vmem>>)
      %dma_wait3A_783 = arith.constant 9 : i32
      %dma_wait3A_784 = arith.constant 0 : i32
      %dma_wait3A_785 = arith.constant 0 : i32
      %dma_wait3A_786 = tpu.memref_slice %arg10[%dma_wait3A_783, %dma_wait3A_784, %dma_wait3A_785] : memref<16x8x64xf32, #tpu.memory_space<vmem>> -> memref<1x8x64xf32, #tpu.memory_space<vmem>>
      %dma_wait3A_787 = tpu.memref_squeeze %dma_wait3A_786 : memref<1x8x64xf32, #tpu.memory_space<vmem>> -> memref<8x64xf32, #tpu.memory_space<vmem>>
      %dma_wait3A_788 = arith.constant 0 : i32
      %dma_wait3A_789 = tpu.memref_slice %arg5[%multiple_of3A_318, %dma_wait3A_788] : memref<1000000x64xf32, #tpu.memory_space<hbm>> -> memref<8x64xf32, #tpu.memory_space<hbm>>
      %dma_wait3A_790 = arith.constant 0 : i32
      %dma_wait3A_791 = arith.constant 0 : i32
      %dma_wait3A_792 = tpu.memref_slice %arg10[%dma_wait3A_783, %dma_wait3A_790, %dma_wait3A_791] : memref<16x8x64xf32, #tpu.memory_space<vmem>> -> memref<1x8x64xf32, #tpu.memory_space<vmem>>
      %dma_wait3A_793 = tpu.memref_squeeze %dma_wait3A_792 : memref<1x8x64xf32, #tpu.memory_space<vmem>> -> memref<8x64xf32, #tpu.memory_space<vmem>>
      %dma_wait3A_794 = arith.constant 0 : i32
      %dma_wait3A_795 = tpu.memref_slice %arg5[%multiple_of3A_318, %dma_wait3A_794] : memref<1000000x64xf32, #tpu.memory_space<hbm>> -> memref<8x64xf32, #tpu.memory_space<hbm>>
      tpu.wait_dma2 semaphore(%arg12 : memref<!tpu.dma_semaphore, #tpu.memory_space<semaphore_mem>>) src(%dma_wait3A_795 : memref<8x64xf32, #tpu.memory_space<hbm>>) dst(%dma_wait3A_793 : memref<8x64xf32, #tpu.memory_space<vmem>>)
      %dma_wait3A_796 = arith.constant 10 : i32
      %dma_wait3A_797 = arith.constant 0 : i32
      %dma_wait3A_798 = arith.constant 0 : i32
      %dma_wait3A_799 = tpu.memref_slice %arg9[%dma_wait3A_796, %dma_wait3A_797, %dma_wait3A_798] : memref<16x8x64xf32, #tpu.memory_space<vmem>> -> memref<1x8x64xf32, #tpu.memory_space<vmem>>
      %dma_wait3A_800 = tpu.memref_squeeze %dma_wait3A_799 : memref<1x8x64xf32, #tpu.memory_space<vmem>> -> memref<8x64xf32, #tpu.memory_space<vmem>>
      %dma_wait3A_801 = arith.constant 0 : i32
      %dma_wait3A_802 = tpu.memref_slice %arg4[%multiple_of3A_347, %dma_wait3A_801] : memref<1000000x64xf32, #tpu.memory_space<hbm>> -> memref<8x64xf32, #tpu.memory_space<hbm>>
      %dma_wait3A_803 = arith.constant 0 : i32
      %dma_wait3A_804 = arith.constant 0 : i32
      %dma_wait3A_805 = tpu.memref_slice %arg9[%dma_wait3A_796, %dma_wait3A_803, %dma_wait3A_804] : memref<16x8x64xf32, #tpu.memory_space<vmem>> -> memref<1x8x64xf32, #tpu.memory_space<vmem>>
      %dma_wait3A_806 = tpu.memref_squeeze %dma_wait3A_805 : memref<1x8x64xf32, #tpu.memory_space<vmem>> -> memref<8x64xf32, #tpu.memory_space<vmem>>
      %dma_wait3A_807 = arith.constant 0 : i32
      %dma_wait3A_808 = tpu.memref_slice %arg4[%multiple_of3A_347, %dma_wait3A_807] : memref<1000000x64xf32, #tpu.memory_space<hbm>> -> memref<8x64xf32, #tpu.memory_space<hbm>>
      tpu.wait_dma2 semaphore(%arg12 : memref<!tpu.dma_semaphore, #tpu.memory_space<semaphore_mem>>) src(%dma_wait3A_808 : memref<8x64xf32, #tpu.memory_space<hbm>>) dst(%dma_wait3A_806 : memref<8x64xf32, #tpu.memory_space<vmem>>)
      %dma_wait3A_809 = arith.constant 10 : i32
      %dma_wait3A_810 = arith.constant 0 : i32
      %dma_wait3A_811 = arith.constant 0 : i32
      %dma_wait3A_812 = tpu.memref_slice %arg10[%dma_wait3A_809, %dma_wait3A_810, %dma_wait3A_811] : memref<16x8x64xf32, #tpu.memory_space<vmem>> -> memref<1x8x64xf32, #tpu.memory_space<vmem>>
      %dma_wait3A_813 = tpu.memref_squeeze %dma_wait3A_812 : memref<1x8x64xf32, #tpu.memory_space<vmem>> -> memref<8x64xf32, #tpu.memory_space<vmem>>
      %dma_wait3A_814 = arith.constant 0 : i32
      %dma_wait3A_815 = tpu.memref_slice %arg5[%multiple_of3A_350, %dma_wait3A_814] : memref<1000000x64xf32, #tpu.memory_space<hbm>> -> memref<8x64xf32, #tpu.memory_space<hbm>>
      %dma_wait3A_816 = arith.constant 0 : i32
      %dma_wait3A_817 = arith.constant 0 : i32
      %dma_wait3A_818 = tpu.memref_slice %arg10[%dma_wait3A_809, %dma_wait3A_816, %dma_wait3A_817] : memref<16x8x64xf32, #tpu.memory_space<vmem>> -> memref<1x8x64xf32, #tpu.memory_space<vmem>>
      %dma_wait3A_819 = tpu.memref_squeeze %dma_wait3A_818 : memref<1x8x64xf32, #tpu.memory_space<vmem>> -> memref<8x64xf32, #tpu.memory_space<vmem>>
      %dma_wait3A_820 = arith.constant 0 : i32
      %dma_wait3A_821 = tpu.memref_slice %arg5[%multiple_of3A_350, %dma_wait3A_820] : memref<1000000x64xf32, #tpu.memory_space<hbm>> -> memref<8x64xf32, #tpu.memory_space<hbm>>
      tpu.wait_dma2 semaphore(%arg12 : memref<!tpu.dma_semaphore, #tpu.memory_space<semaphore_mem>>) src(%dma_wait3A_821 : memref<8x64xf32, #tpu.memory_space<hbm>>) dst(%dma_wait3A_819 : memref<8x64xf32, #tpu.memory_space<vmem>>)
      %dma_wait3A_822 = arith.constant 11 : i32
      %dma_wait3A_823 = arith.constant 0 : i32
      %dma_wait3A_824 = arith.constant 0 : i32
      %dma_wait3A_825 = tpu.memref_slice %arg9[%dma_wait3A_822, %dma_wait3A_823, %dma_wait3A_824] : memref<16x8x64xf32, #tpu.memory_space<vmem>> -> memref<1x8x64xf32, #tpu.memory_space<vmem>>
      %dma_wait3A_826 = tpu.memref_squeeze %dma_wait3A_825 : memref<1x8x64xf32, #tpu.memory_space<vmem>> -> memref<8x64xf32, #tpu.memory_space<vmem>>
      %dma_wait3A_827 = arith.constant 0 : i32
      %dma_wait3A_828 = tpu.memref_slice %arg4[%multiple_of3A_379, %dma_wait3A_827] : memref<1000000x64xf32, #tpu.memory_space<hbm>> -> memref<8x64xf32, #tpu.memory_space<hbm>>
      %dma_wait3A_829 = arith.constant 0 : i32
      %dma_wait3A_830 = arith.constant 0 : i32
      %dma_wait3A_831 = tpu.memref_slice %arg9[%dma_wait3A_822, %dma_wait3A_829, %dma_wait3A_830] : memref<16x8x64xf32, #tpu.memory_space<vmem>> -> memref<1x8x64xf32, #tpu.memory_space<vmem>>
      %dma_wait3A_832 = tpu.memref_squeeze %dma_wait3A_831 : memref<1x8x64xf32, #tpu.memory_space<vmem>> -> memref<8x64xf32, #tpu.memory_space<vmem>>
      %dma_wait3A_833 = arith.constant 0 : i32
      %dma_wait3A_834 = tpu.memref_slice %arg4[%multiple_of3A_379, %dma_wait3A_833] : memref<1000000x64xf32, #tpu.memory_space<hbm>> -> memref<8x64xf32, #tpu.memory_space<hbm>>
      tpu.wait_dma2 semaphore(%arg12 : memref<!tpu.dma_semaphore, #tpu.memory_space<semaphore_mem>>) src(%dma_wait3A_834 : memref<8x64xf32, #tpu.memory_space<hbm>>) dst(%dma_wait3A_832 : memref<8x64xf32, #tpu.memory_space<vmem>>)
      %dma_wait3A_835 = arith.constant 11 : i32
      %dma_wait3A_836 = arith.constant 0 : i32
      %dma_wait3A_837 = arith.constant 0 : i32
      %dma_wait3A_838 = tpu.memref_slice %arg10[%dma_wait3A_835, %dma_wait3A_836, %dma_wait3A_837] : memref<16x8x64xf32, #tpu.memory_space<vmem>> -> memref<1x8x64xf32, #tpu.memory_space<vmem>>
      %dma_wait3A_839 = tpu.memref_squeeze %dma_wait3A_838 : memref<1x8x64xf32, #tpu.memory_space<vmem>> -> memref<8x64xf32, #tpu.memory_space<vmem>>
      %dma_wait3A_840 = arith.constant 0 : i32
      %dma_wait3A_841 = tpu.memref_slice %arg5[%multiple_of3A_382, %dma_wait3A_840] : memref<1000000x64xf32, #tpu.memory_space<hbm>> -> memref<8x64xf32, #tpu.memory_space<hbm>>
      %dma_wait3A_842 = arith.constant 0 : i32
      %dma_wait3A_843 = arith.constant 0 : i32
      %dma_wait3A_844 = tpu.memref_slice %arg10[%dma_wait3A_835, %dma_wait3A_842, %dma_wait3A_843] : memref<16x8x64xf32, #tpu.memory_space<vmem>> -> memref<1x8x64xf32, #tpu.memory_space<vmem>>
      %dma_wait3A_845 = tpu.memref_squeeze %dma_wait3A_844 : memref<1x8x64xf32, #tpu.memory_space<vmem>> -> memref<8x64xf32, #tpu.memory_space<vmem>>
      %dma_wait3A_846 = arith.constant 0 : i32
      %dma_wait3A_847 = tpu.memref_slice %arg5[%multiple_of3A_382, %dma_wait3A_846] : memref<1000000x64xf32, #tpu.memory_space<hbm>> -> memref<8x64xf32, #tpu.memory_space<hbm>>
      tpu.wait_dma2 semaphore(%arg12 : memref<!tpu.dma_semaphore, #tpu.memory_space<semaphore_mem>>) src(%dma_wait3A_847 : memref<8x64xf32, #tpu.memory_space<hbm>>) dst(%dma_wait3A_845 : memref<8x64xf32, #tpu.memory_space<vmem>>)
      %dma_wait3A_848 = arith.constant 12 : i32
      %dma_wait3A_849 = arith.constant 0 : i32
      %dma_wait3A_850 = arith.constant 0 : i32
      %dma_wait3A_851 = tpu.memref_slice %arg9[%dma_wait3A_848, %dma_wait3A_849, %dma_wait3A_850] : memref<16x8x64xf32, #tpu.memory_space<vmem>> -> memref<1x8x64xf32, #tpu.memory_space<vmem>>
      %dma_wait3A_852 = tpu.memref_squeeze %dma_wait3A_851 : memref<1x8x64xf32, #tpu.memory_space<vmem>> -> memref<8x64xf32, #tpu.memory_space<vmem>>
      %dma_wait3A_853 = arith.constant 0 : i32
      %dma_wait3A_854 = tpu.memref_slice %arg4[%multiple_of3A_411, %dma_wait3A_853] : memref<1000000x64xf32, #tpu.memory_space<hbm>> -> memref<8x64xf32, #tpu.memory_space<hbm>>
      %dma_wait3A_855 = arith.constant 0 : i32
      %dma_wait3A_856 = arith.constant 0 : i32
      %dma_wait3A_857 = tpu.memref_slice %arg9[%dma_wait3A_848, %dma_wait3A_855, %dma_wait3A_856] : memref<16x8x64xf32, #tpu.memory_space<vmem>> -> memref<1x8x64xf32, #tpu.memory_space<vmem>>
      %dma_wait3A_858 = tpu.memref_squeeze %dma_wait3A_857 : memref<1x8x64xf32, #tpu.memory_space<vmem>> -> memref<8x64xf32, #tpu.memory_space<vmem>>
      %dma_wait3A_859 = arith.constant 0 : i32
      %dma_wait3A_860 = tpu.memref_slice %arg4[%multiple_of3A_411, %dma_wait3A_859] : memref<1000000x64xf32, #tpu.memory_space<hbm>> -> memref<8x64xf32, #tpu.memory_space<hbm>>
      tpu.wait_dma2 semaphore(%arg12 : memref<!tpu.dma_semaphore, #tpu.memory_space<semaphore_mem>>) src(%dma_wait3A_860 : memref<8x64xf32, #tpu.memory_space<hbm>>) dst(%dma_wait3A_858 : memref<8x64xf32, #tpu.memory_space<vmem>>)
      %dma_wait3A_861 = arith.constant 12 : i32
      %dma_wait3A_862 = arith.constant 0 : i32
      %dma_wait3A_863 = arith.constant 0 : i32
      %dma_wait3A_864 = tpu.memref_slice %arg10[%dma_wait3A_861, %dma_wait3A_862, %dma_wait3A_863] : memref<16x8x64xf32, #tpu.memory_space<vmem>> -> memref<1x8x64xf32, #tpu.memory_space<vmem>>
      %dma_wait3A_865 = tpu.memref_squeeze %dma_wait3A_864 : memref<1x8x64xf32, #tpu.memory_space<vmem>> -> memref<8x64xf32, #tpu.memory_space<vmem>>
      %dma_wait3A_866 = arith.constant 0 : i32
      %dma_wait3A_867 = tpu.memref_slice %arg5[%multiple_of3A_414, %dma_wait3A_866] : memref<1000000x64xf32, #tpu.memory_space<hbm>> -> memref<8x64xf32, #tpu.memory_space<hbm>>
      %dma_wait3A_868 = arith.constant 0 : i32
      %dma_wait3A_869 = arith.constant 0 : i32
      %dma_wait3A_870 = tpu.memref_slice %arg10[%dma_wait3A_861, %dma_wait3A_868, %dma_wait3A_869] : memref<16x8x64xf32, #tpu.memory_space<vmem>> -> memref<1x8x64xf32, #tpu.memory_space<vmem>>
      %dma_wait3A_871 = tpu.memref_squeeze %dma_wait3A_870 : memref<1x8x64xf32, #tpu.memory_space<vmem>> -> memref<8x64xf32, #tpu.memory_space<vmem>>
      %dma_wait3A_872 = arith.constant 0 : i32
      %dma_wait3A_873 = tpu.memref_slice %arg5[%multiple_of3A_414, %dma_wait3A_872] : memref<1000000x64xf32, #tpu.memory_space<hbm>> -> memref<8x64xf32, #tpu.memory_space<hbm>>
      tpu.wait_dma2 semaphore(%arg12 : memref<!tpu.dma_semaphore, #tpu.memory_space<semaphore_mem>>) src(%dma_wait3A_873 : memref<8x64xf32, #tpu.memory_space<hbm>>) dst(%dma_wait3A_871 : memref<8x64xf32, #tpu.memory_space<vmem>>)
      %dma_wait3A_874 = arith.constant 13 : i32
      %dma_wait3A_875 = arith.constant 0 : i32
      %dma_wait3A_876 = arith.constant 0 : i32
      %dma_wait3A_877 = tpu.memref_slice %arg9[%dma_wait3A_874, %dma_wait3A_875, %dma_wait3A_876] : memref<16x8x64xf32, #tpu.memory_space<vmem>> -> memref<1x8x64xf32, #tpu.memory_space<vmem>>
      %dma_wait3A_878 = tpu.memref_squeeze %dma_wait3A_877 : memref<1x8x64xf32, #tpu.memory_space<vmem>> -> memref<8x64xf32, #tpu.memory_space<vmem>>
      %dma_wait3A_879 = arith.constant 0 : i32
      %dma_wait3A_880 = tpu.memref_slice %arg4[%multiple_of3A_443, %dma_wait3A_879] : memref<1000000x64xf32, #tpu.memory_space<hbm>> -> memref<8x64xf32, #tpu.memory_space<hbm>>
      %dma_wait3A_881 = arith.constant 0 : i32
      %dma_wait3A_882 = arith.constant 0 : i32
      %dma_wait3A_883 = tpu.memref_slice %arg9[%dma_wait3A_874, %dma_wait3A_881, %dma_wait3A_882] : memref<16x8x64xf32, #tpu.memory_space<vmem>> -> memref<1x8x64xf32, #tpu.memory_space<vmem>>
      %dma_wait3A_884 = tpu.memref_squeeze %dma_wait3A_883 : memref<1x8x64xf32, #tpu.memory_space<vmem>> -> memref<8x64xf32, #tpu.memory_space<vmem>>
      %dma_wait3A_885 = arith.constant 0 : i32
      %dma_wait3A_886 = tpu.memref_slice %arg4[%multiple_of3A_443, %dma_wait3A_885] : memref<1000000x64xf32, #tpu.memory_space<hbm>> -> memref<8x64xf32, #tpu.memory_space<hbm>>
      tpu.wait_dma2 semaphore(%arg12 : memref<!tpu.dma_semaphore, #tpu.memory_space<semaphore_mem>>) src(%dma_wait3A_886 : memref<8x64xf32, #tpu.memory_space<hbm>>) dst(%dma_wait3A_884 : memref<8x64xf32, #tpu.memory_space<vmem>>)
      %dma_wait3A_887 = arith.constant 13 : i32
      %dma_wait3A_888 = arith.constant 0 : i32
      %dma_wait3A_889 = arith.constant 0 : i32
      %dma_wait3A_890 = tpu.memref_slice %arg10[%dma_wait3A_887, %dma_wait3A_888, %dma_wait3A_889] : memref<16x8x64xf32, #tpu.memory_space<vmem>> -> memref<1x8x64xf32, #tpu.memory_space<vmem>>
      %dma_wait3A_891 = tpu.memref_squeeze %dma_wait3A_890 : memref<1x8x64xf32, #tpu.memory_space<vmem>> -> memref<8x64xf32, #tpu.memory_space<vmem>>
      %dma_wait3A_892 = arith.constant 0 : i32
      %dma_wait3A_893 = tpu.memref_slice %arg5[%multiple_of3A_446, %dma_wait3A_892] : memref<1000000x64xf32, #tpu.memory_space<hbm>> -> memref<8x64xf32, #tpu.memory_space<hbm>>
      %dma_wait3A_894 = arith.constant 0 : i32
      %dma_wait3A_895 = arith.constant 0 : i32
      %dma_wait3A_896 = tpu.memref_slice %arg10[%dma_wait3A_887, %dma_wait3A_894, %dma_wait3A_895] : memref<16x8x64xf32, #tpu.memory_space<vmem>> -> memref<1x8x64xf32, #tpu.memory_space<vmem>>
      %dma_wait3A_897 = tpu.memref_squeeze %dma_wait3A_896 : memref<1x8x64xf32, #tpu.memory_space<vmem>> -> memref<8x64xf32, #tpu.memory_space<vmem>>
      %dma_wait3A_898 = arith.constant 0 : i32
      %dma_wait3A_899 = tpu.memref_slice %arg5[%multiple_of3A_446, %dma_wait3A_898] : memref<1000000x64xf32, #tpu.memory_space<hbm>> -> memref<8x64xf32, #tpu.memory_space<hbm>>
      tpu.wait_dma2 semaphore(%arg12 : memref<!tpu.dma_semaphore, #tpu.memory_space<semaphore_mem>>) src(%dma_wait3A_899 : memref<8x64xf32, #tpu.memory_space<hbm>>) dst(%dma_wait3A_897 : memref<8x64xf32, #tpu.memory_space<vmem>>)
      %dma_wait3A_900 = arith.constant 14 : i32
      %dma_wait3A_901 = arith.constant 0 : i32
      %dma_wait3A_902 = arith.constant 0 : i32
      %dma_wait3A_903 = tpu.memref_slice %arg9[%dma_wait3A_900, %dma_wait3A_901, %dma_wait3A_902] : memref<16x8x64xf32, #tpu.memory_space<vmem>> -> memref<1x8x64xf32, #tpu.memory_space<vmem>>
      %dma_wait3A_904 = tpu.memref_squeeze %dma_wait3A_903 : memref<1x8x64xf32, #tpu.memory_space<vmem>> -> memref<8x64xf32, #tpu.memory_space<vmem>>
      %dma_wait3A_905 = arith.constant 0 : i32
      %dma_wait3A_906 = tpu.memref_slice %arg4[%multiple_of3A_475, %dma_wait3A_905] : memref<1000000x64xf32, #tpu.memory_space<hbm>> -> memref<8x64xf32, #tpu.memory_space<hbm>>
      %dma_wait3A_907 = arith.constant 0 : i32
      %dma_wait3A_908 = arith.constant 0 : i32
      %dma_wait3A_909 = tpu.memref_slice %arg9[%dma_wait3A_900, %dma_wait3A_907, %dma_wait3A_908] : memref<16x8x64xf32, #tpu.memory_space<vmem>> -> memref<1x8x64xf32, #tpu.memory_space<vmem>>
      %dma_wait3A_910 = tpu.memref_squeeze %dma_wait3A_909 : memref<1x8x64xf32, #tpu.memory_space<vmem>> -> memref<8x64xf32, #tpu.memory_space<vmem>>
      %dma_wait3A_911 = arith.constant 0 : i32
      %dma_wait3A_912 = tpu.memref_slice %arg4[%multiple_of3A_475, %dma_wait3A_911] : memref<1000000x64xf32, #tpu.memory_space<hbm>> -> memref<8x64xf32, #tpu.memory_space<hbm>>
      tpu.wait_dma2 semaphore(%arg12 : memref<!tpu.dma_semaphore, #tpu.memory_space<semaphore_mem>>) src(%dma_wait3A_912 : memref<8x64xf32, #tpu.memory_space<hbm>>) dst(%dma_wait3A_910 : memref<8x64xf32, #tpu.memory_space<vmem>>)
      %dma_wait3A_913 = arith.constant 14 : i32
      %dma_wait3A_914 = arith.constant 0 : i32
      %dma_wait3A_915 = arith.constant 0 : i32
      %dma_wait3A_916 = tpu.memref_slice %arg10[%dma_wait3A_913, %dma_wait3A_914, %dma_wait3A_915] : memref<16x8x64xf32, #tpu.memory_space<vmem>> -> memref<1x8x64xf32, #tpu.memory_space<vmem>>
      %dma_wait3A_917 = tpu.memref_squeeze %dma_wait3A_916 : memref<1x8x64xf32, #tpu.memory_space<vmem>> -> memref<8x64xf32, #tpu.memory_space<vmem>>
      %dma_wait3A_918 = arith.constant 0 : i32
      %dma_wait3A_919 = tpu.memref_slice %arg5[%multiple_of3A_478, %dma_wait3A_918] : memref<1000000x64xf32, #tpu.memory_space<hbm>> -> memref<8x64xf32, #tpu.memory_space<hbm>>
      %dma_wait3A_920 = arith.constant 0 : i32
      %dma_wait3A_921 = arith.constant 0 : i32
      %dma_wait3A_922 = tpu.memref_slice %arg10[%dma_wait3A_913, %dma_wait3A_920, %dma_wait3A_921] : memref<16x8x64xf32, #tpu.memory_space<vmem>> -> memref<1x8x64xf32, #tpu.memory_space<vmem>>
      %dma_wait3A_923 = tpu.memref_squeeze %dma_wait3A_922 : memref<1x8x64xf32, #tpu.memory_space<vmem>> -> memref<8x64xf32, #tpu.memory_space<vmem>>
      %dma_wait3A_924 = arith.constant 0 : i32
      %dma_wait3A_925 = tpu.memref_slice %arg5[%multiple_of3A_478, %dma_wait3A_924] : memref<1000000x64xf32, #tpu.memory_space<hbm>> -> memref<8x64xf32, #tpu.memory_space<hbm>>
      tpu.wait_dma2 semaphore(%arg12 : memref<!tpu.dma_semaphore, #tpu.memory_space<semaphore_mem>>) src(%dma_wait3A_925 : memref<8x64xf32, #tpu.memory_space<hbm>>) dst(%dma_wait3A_923 : memref<8x64xf32, #tpu.memory_space<vmem>>)
      %dma_wait3A_926 = arith.constant 15 : i32
      %dma_wait3A_927 = arith.constant 0 : i32
      %dma_wait3A_928 = arith.constant 0 : i32
      %dma_wait3A_929 = tpu.memref_slice %arg9[%dma_wait3A_926, %dma_wait3A_927, %dma_wait3A_928] : memref<16x8x64xf32, #tpu.memory_space<vmem>> -> memref<1x8x64xf32, #tpu.memory_space<vmem>>
      %dma_wait3A_930 = tpu.memref_squeeze %dma_wait3A_929 : memref<1x8x64xf32, #tpu.memory_space<vmem>> -> memref<8x64xf32, #tpu.memory_space<vmem>>
      %dma_wait3A_931 = arith.constant 0 : i32
      %dma_wait3A_932 = tpu.memref_slice %arg4[%multiple_of3A_507, %dma_wait3A_931] : memref<1000000x64xf32, #tpu.memory_space<hbm>> -> memref<8x64xf32, #tpu.memory_space<hbm>>
      %dma_wait3A_933 = arith.constant 0 : i32
      %dma_wait3A_934 = arith.constant 0 : i32
      %dma_wait3A_935 = tpu.memref_slice %arg9[%dma_wait3A_926, %dma_wait3A_933, %dma_wait3A_934] : memref<16x8x64xf32, #tpu.memory_space<vmem>> -> memref<1x8x64xf32, #tpu.memory_space<vmem>>
      %dma_wait3A_936 = tpu.memref_squeeze %dma_wait3A_935 : memref<1x8x64xf32, #tpu.memory_space<vmem>> -> memref<8x64xf32, #tpu.memory_space<vmem>>
      %dma_wait3A_937 = arith.constant 0 : i32
      %dma_wait3A_938 = tpu.memref_slice %arg4[%multiple_of3A_507, %dma_wait3A_937] : memref<1000000x64xf32, #tpu.memory_space<hbm>> -> memref<8x64xf32, #tpu.memory_space<hbm>>
      tpu.wait_dma2 semaphore(%arg12 : memref<!tpu.dma_semaphore, #tpu.memory_space<semaphore_mem>>) src(%dma_wait3A_938 : memref<8x64xf32, #tpu.memory_space<hbm>>) dst(%dma_wait3A_936 : memref<8x64xf32, #tpu.memory_space<vmem>>)
      %dma_wait3A_939 = arith.constant 15 : i32
      %dma_wait3A_940 = arith.constant 0 : i32
      %dma_wait3A_941 = arith.constant 0 : i32
      %dma_wait3A_942 = tpu.memref_slice %arg10[%dma_wait3A_939, %dma_wait3A_940, %dma_wait3A_941] : memref<16x8x64xf32, #tpu.memory_space<vmem>> -> memref<1x8x64xf32, #tpu.memory_space<vmem>>
      %dma_wait3A_943 = tpu.memref_squeeze %dma_wait3A_942 : memref<1x8x64xf32, #tpu.memory_space<vmem>> -> memref<8x64xf32, #tpu.memory_space<vmem>>
      %dma_wait3A_944 = arith.constant 0 : i32
      %dma_wait3A_945 = tpu.memref_slice %arg5[%multiple_of3A_510, %dma_wait3A_944] : memref<1000000x64xf32, #tpu.memory_space<hbm>> -> memref<8x64xf32, #tpu.memory_space<hbm>>
      %dma_wait3A_946 = arith.constant 0 : i32
      %dma_wait3A_947 = arith.constant 0 : i32
      %dma_wait3A_948 = tpu.memref_slice %arg10[%dma_wait3A_939, %dma_wait3A_946, %dma_wait3A_947] : memref<16x8x64xf32, #tpu.memory_space<vmem>> -> memref<1x8x64xf32, #tpu.memory_space<vmem>>
      %dma_wait3A_949 = tpu.memref_squeeze %dma_wait3A_948 : memref<1x8x64xf32, #tpu.memory_space<vmem>> -> memref<8x64xf32, #tpu.memory_space<vmem>>
      %dma_wait3A_950 = arith.constant 0 : i32
      %dma_wait3A_951 = tpu.memref_slice %arg5[%multiple_of3A_510, %dma_wait3A_950] : memref<1000000x64xf32, #tpu.memory_space<hbm>> -> memref<8x64xf32, #tpu.memory_space<hbm>>
      tpu.wait_dma2 semaphore(%arg12 : memref<!tpu.dma_semaphore, #tpu.memory_space<semaphore_mem>>) src(%dma_wait3A_951 : memref<8x64xf32, #tpu.memory_space<hbm>>) dst(%dma_wait3A_949 : memref<8x64xf32, #tpu.memory_space<vmem>>)
      %and3A = arith.constant 7 : i32
      %and3A_952 = vector.broadcast %and3A : i32 to vector<16xi32>
      %and3A_953 = arith.andi %get3A_14, %and3A_952 : vector<16xi32>
      %and3A_954 = arith.constant 7 : i32
      %and3A_955 = vector.broadcast %and3A_954 : i32 to vector<16xi32>
      %and3A_956 = arith.andi %get3A_16, %and3A_955 : vector<16xi32>
      %broadcast_in_dim3A = arith.constant 0.000000e+00 : f32
      %broadcast_in_dim3A_957 = vector.broadcast %broadcast_in_dim3A : f32 to vector<16xf32>
      %broadcast_in_dim3A_958 = arith.constant 0 : i32
      %broadcast_in_dim3A_959 = vector.broadcast %broadcast_in_dim3A_958 : i32 to vector<16xi32>
      %gather3A = tpu.vector_load_idx %arg9[%iota3A, %and3A_953, %broadcast_in_dim3A_959] : memref<16x8x64xf32, #tpu.memory_space<vmem>>[vector<16xi32>, vector<16xi32>, vector<16xi32>], vector<16xf32>,
      %gather3A_960 = tpu.vector_load_idx %arg10[%iota3A, %and3A_956, %broadcast_in_dim3A_959] : memref<16x8x64xf32, #tpu.memory_space<vmem>>[vector<16xi32>, vector<16xi32>, vector<16xi32>], vector<16xf32>,
      %mul3A_961 = arith.mulf %gather3A, %gather3A_960 : vector<16xf32>
      %add3A_962 = arith.addf %broadcast_in_dim3A_957, %mul3A_961 : vector<16xf32>
      %broadcast_in_dim3A_963 = arith.constant 1 : i32
      %broadcast_in_dim3A_964 = vector.broadcast %broadcast_in_dim3A_963 : i32 to vector<16xi32>
      %gather3A_965 = tpu.vector_load_idx %arg9[%iota3A, %and3A_953, %broadcast_in_dim3A_964] : memref<16x8x64xf32, #tpu.memory_space<vmem>>[vector<16xi32>, vector<16xi32>, vector<16xi32>], vector<16xf32>,
      %gather3A_966 = tpu.vector_load_idx %arg10[%iota3A, %and3A_956, %broadcast_in_dim3A_964] : memref<16x8x64xf32, #tpu.memory_space<vmem>>[vector<16xi32>, vector<16xi32>, vector<16xi32>], vector<16xf32>,
      %mul3A_967 = arith.mulf %gather3A_965, %gather3A_966 : vector<16xf32>
      %add3A_968 = arith.addf %add3A_962, %mul3A_967 : vector<16xf32>
      %broadcast_in_dim3A_969 = arith.constant 2 : i32
      %broadcast_in_dim3A_970 = vector.broadcast %broadcast_in_dim3A_969 : i32 to vector<16xi32>
      %gather3A_971 = tpu.vector_load_idx %arg9[%iota3A, %and3A_953, %broadcast_in_dim3A_970] : memref<16x8x64xf32, #tpu.memory_space<vmem>>[vector<16xi32>, vector<16xi32>, vector<16xi32>], vector<16xf32>,
      %gather3A_972 = tpu.vector_load_idx %arg10[%iota3A, %and3A_956, %broadcast_in_dim3A_970] : memref<16x8x64xf32, #tpu.memory_space<vmem>>[vector<16xi32>, vector<16xi32>, vector<16xi32>], vector<16xf32>,
      %mul3A_973 = arith.mulf %gather3A_971, %gather3A_972 : vector<16xf32>
      %add3A_974 = arith.addf %add3A_968, %mul3A_973 : vector<16xf32>
      %broadcast_in_dim3A_975 = arith.constant 3 : i32
      %broadcast_in_dim3A_976 = vector.broadcast %broadcast_in_dim3A_975 : i32 to vector<16xi32>
      %gather3A_977 = tpu.vector_load_idx %arg9[%iota3A, %and3A_953, %broadcast_in_dim3A_976] : memref<16x8x64xf32, #tpu.memory_space<vmem>>[vector<16xi32>, vector<16xi32>, vector<16xi32>], vector<16xf32>,
      %gather3A_978 = tpu.vector_load_idx %arg10[%iota3A, %and3A_956, %broadcast_in_dim3A_976] : memref<16x8x64xf32, #tpu.memory_space<vmem>>[vector<16xi32>, vector<16xi32>, vector<16xi32>], vector<16xf32>,
      %mul3A_979 = arith.mulf %gather3A_977, %gather3A_978 : vector<16xf32>
      %add3A_980 = arith.addf %add3A_974, %mul3A_979 : vector<16xf32>
      %broadcast_in_dim3A_981 = arith.constant 4 : i32
      %broadcast_in_dim3A_982 = vector.broadcast %broadcast_in_dim3A_981 : i32 to vector<16xi32>
      %gather3A_983 = tpu.vector_load_idx %arg9[%iota3A, %and3A_953, %broadcast_in_dim3A_982] : memref<16x8x64xf32, #tpu.memory_space<vmem>>[vector<16xi32>, vector<16xi32>, vector<16xi32>], vector<16xf32>,
      %gather3A_984 = tpu.vector_load_idx %arg10[%iota3A, %and3A_956, %broadcast_in_dim3A_982] : memref<16x8x64xf32, #tpu.memory_space<vmem>>[vector<16xi32>, vector<16xi32>, vector<16xi32>], vector<16xf32>,
      %mul3A_985 = arith.mulf %gather3A_983, %gather3A_984 : vector<16xf32>
      %add3A_986 = arith.addf %add3A_980, %mul3A_985 : vector<16xf32>
      %broadcast_in_dim3A_987 = arith.constant 5 : i32
      %broadcast_in_dim3A_988 = vector.broadcast %broadcast_in_dim3A_987 : i32 to vector<16xi32>
      %gather3A_989 = tpu.vector_load_idx %arg9[%iota3A, %and3A_953, %broadcast_in_dim3A_988] : memref<16x8x64xf32, #tpu.memory_space<vmem>>[vector<16xi32>, vector<16xi32>, vector<16xi32>], vector<16xf32>,
      %gather3A_990 = tpu.vector_load_idx %arg10[%iota3A, %and3A_956, %broadcast_in_dim3A_988] : memref<16x8x64xf32, #tpu.memory_space<vmem>>[vector<16xi32>, vector<16xi32>, vector<16xi32>], vector<16xf32>,
      %mul3A_991 = arith.mulf %gather3A_989, %gather3A_990 : vector<16xf32>
      %add3A_992 = arith.addf %add3A_986, %mul3A_991 : vector<16xf32>
      %broadcast_in_dim3A_993 = arith.constant 6 : i32
      %broadcast_in_dim3A_994 = vector.broadcast %broadcast_in_dim3A_993 : i32 to vector<16xi32>
      %gather3A_995 = tpu.vector_load_idx %arg9[%iota3A, %and3A_953, %broadcast_in_dim3A_994] : memref<16x8x64xf32, #tpu.memory_space<vmem>>[vector<16xi32>, vector<16xi32>, vector<16xi32>], vector<16xf32>,
      %gather3A_996 = tpu.vector_load_idx %arg10[%iota3A, %and3A_956, %broadcast_in_dim3A_994] : memref<16x8x64xf32, #tpu.memory_space<vmem>>[vector<16xi32>, vector<16xi32>, vector<16xi32>], vector<16xf32>,
      %mul3A_997 = arith.mulf %gather3A_995, %gather3A_996 : vector<16xf32>
      %add3A_998 = arith.addf %add3A_992, %mul3A_997 : vector<16xf32>
      %broadcast_in_dim3A_999 = arith.constant 7 : i32
      %broadcast_in_dim3A_1000 = vector.broadcast %broadcast_in_dim3A_999 : i32 to vector<16xi32>
      %gather3A_1001 = tpu.vector_load_idx %arg9[%iota3A, %and3A_953, %broadcast_in_dim3A_1000] : memref<16x8x64xf32, #tpu.memory_space<vmem>>[vector<16xi32>, vector<16xi32>, vector<16xi32>], vector<16xf32>,
      %gather3A_1002 = tpu.vector_load_idx %arg10[%iota3A, %and3A_956, %broadcast_in_dim3A_1000] : memref<16x8x64xf32, #tpu.memory_space<vmem>>[vector<16xi32>, vector<16xi32>, vector<16xi32>], vector<16xf32>,
      %mul3A_1003 = arith.mulf %gather3A_1001, %gather3A_1002 : vector<16xf32>
      %add3A_1004 = arith.addf %add3A_998, %mul3A_1003 : vector<16xf32>
      %broadcast_in_dim3A_1005 = arith.constant 8 : i32
      %broadcast_in_dim3A_1006 = vector.broadcast %broadcast_in_dim3A_1005 : i32 to vector<16xi32>
      %gather3A_1007 = tpu.vector_load_idx %arg9[%iota3A, %and3A_953, %broadcast_in_dim3A_1006] : memref<16x8x64xf32, #tpu.memory_space<vmem>>[vector<16xi32>, vector<16xi32>, vector<16xi32>], vector<16xf32>,
      %gather3A_1008 = tpu.vector_load_idx %arg10[%iota3A, %and3A_956, %broadcast_in_dim3A_1006] : memref<16x8x64xf32, #tpu.memory_space<vmem>>[vector<16xi32>, vector<16xi32>, vector<16xi32>], vector<16xf32>,
      %mul3A_1009 = arith.mulf %gather3A_1007, %gather3A_1008 : vector<16xf32>
      %add3A_1010 = arith.addf %add3A_1004, %mul3A_1009 : vector<16xf32>
      %broadcast_in_dim3A_1011 = arith.constant 9 : i32
      %broadcast_in_dim3A_1012 = vector.broadcast %broadcast_in_dim3A_1011 : i32 to vector<16xi32>
      %gather3A_1013 = tpu.vector_load_idx %arg9[%iota3A, %and3A_953, %broadcast_in_dim3A_1012] : memref<16x8x64xf32, #tpu.memory_space<vmem>>[vector<16xi32>, vector<16xi32>, vector<16xi32>], vector<16xf32>,
      %gather3A_1014 = tpu.vector_load_idx %arg10[%iota3A, %and3A_956, %broadcast_in_dim3A_1012] : memref<16x8x64xf32, #tpu.memory_space<vmem>>[vector<16xi32>, vector<16xi32>, vector<16xi32>], vector<16xf32>,
      %mul3A_1015 = arith.mulf %gather3A_1013, %gather3A_1014 : vector<16xf32>
      %add3A_1016 = arith.addf %add3A_1010, %mul3A_1015 : vector<16xf32>
      %broadcast_in_dim3A_1017 = arith.constant 10 : i32
      %broadcast_in_dim3A_1018 = vector.broadcast %broadcast_in_dim3A_1017 : i32 to vector<16xi32>
      %gather3A_1019 = tpu.vector_load_idx %arg9[%iota3A, %and3A_953, %broadcast_in_dim3A_1018] : memref<16x8x64xf32, #tpu.memory_space<vmem>>[vector<16xi32>, vector<16xi32>, vector<16xi32>], vector<16xf32>,
      %gather3A_1020 = tpu.vector_load_idx %arg10[%iota3A, %and3A_956, %broadcast_in_dim3A_1018] : memref<16x8x64xf32, #tpu.memory_space<vmem>>[vector<16xi32>, vector<16xi32>, vector<16xi32>], vector<16xf32>,
      %mul3A_1021 = arith.mulf %gather3A_1019, %gather3A_1020 : vector<16xf32>
      %add3A_1022 = arith.addf %add3A_1016, %mul3A_1021 : vector<16xf32>
      %broadcast_in_dim3A_1023 = arith.constant 11 : i32
      %broadcast_in_dim3A_1024 = vector.broadcast %broadcast_in_dim3A_1023 : i32 to vector<16xi32>
      %gather3A_1025 = tpu.vector_load_idx %arg9[%iota3A, %and3A_953, %broadcast_in_dim3A_1024] : memref<16x8x64xf32, #tpu.memory_space<vmem>>[vector<16xi32>, vector<16xi32>, vector<16xi32>], vector<16xf32>,
      %gather3A_1026 = tpu.vector_load_idx %arg10[%iota3A, %and3A_956, %broadcast_in_dim3A_1024] : memref<16x8x64xf32, #tpu.memory_space<vmem>>[vector<16xi32>, vector<16xi32>, vector<16xi32>], vector<16xf32>,
      %mul3A_1027 = arith.mulf %gather3A_1025, %gather3A_1026 : vector<16xf32>
      %add3A_1028 = arith.addf %add3A_1022, %mul3A_1027 : vector<16xf32>
      %broadcast_in_dim3A_1029 = arith.constant 12 : i32
      %broadcast_in_dim3A_1030 = vector.broadcast %broadcast_in_dim3A_1029 : i32 to vector<16xi32>
      %gather3A_1031 = tpu.vector_load_idx %arg9[%iota3A, %and3A_953, %broadcast_in_dim3A_1030] : memref<16x8x64xf32, #tpu.memory_space<vmem>>[vector<16xi32>, vector<16xi32>, vector<16xi32>], vector<16xf32>,
      %gather3A_1032 = tpu.vector_load_idx %arg10[%iota3A, %and3A_956, %broadcast_in_dim3A_1030] : memref<16x8x64xf32, #tpu.memory_space<vmem>>[vector<16xi32>, vector<16xi32>, vector<16xi32>], vector<16xf32>,
      %mul3A_1033 = arith.mulf %gather3A_1031, %gather3A_1032 : vector<16xf32>
      %add3A_1034 = arith.addf %add3A_1028, %mul3A_1033 : vector<16xf32>
      %broadcast_in_dim3A_1035 = arith.constant 13 : i32
      %broadcast_in_dim3A_1036 = vector.broadcast %broadcast_in_dim3A_1035 : i32 to vector<16xi32>
      %gather3A_1037 = tpu.vector_load_idx %arg9[%iota3A, %and3A_953, %broadcast_in_dim3A_1036] : memref<16x8x64xf32, #tpu.memory_space<vmem>>[vector<16xi32>, vector<16xi32>, vector<16xi32>], vector<16xf32>,
      %gather3A_1038 = tpu.vector_load_idx %arg10[%iota3A, %and3A_956, %broadcast_in_dim3A_1036] : memref<16x8x64xf32, #tpu.memory_space<vmem>>[vector<16xi32>, vector<16xi32>, vector<16xi32>], vector<16xf32>,
      %mul3A_1039 = arith.mulf %gather3A_1037, %gather3A_1038 : vector<16xf32>
      %add3A_1040 = arith.addf %add3A_1034, %mul3A_1039 : vector<16xf32>
      %broadcast_in_dim3A_1041 = arith.constant 14 : i32
      %broadcast_in_dim3A_1042 = vector.broadcast %broadcast_in_dim3A_1041 : i32 to vector<16xi32>
      %gather3A_1043 = tpu.vector_load_idx %arg9[%iota3A, %and3A_953, %broadcast_in_dim3A_1042] : memref<16x8x64xf32, #tpu.memory_space<vmem>>[vector<16xi32>, vector<16xi32>, vector<16xi32>], vector<16xf32>,
      %gather3A_1044 = tpu.vector_load_idx %arg10[%iota3A, %and3A_956, %broadcast_in_dim3A_1042] : memref<16x8x64xf32, #tpu.memory_space<vmem>>[vector<16xi32>, vector<16xi32>, vector<16xi32>], vector<16xf32>,
      %mul3A_1045 = arith.mulf %gather3A_1043, %gather3A_1044 : vector<16xf32>
      %add3A_1046 = arith.addf %add3A_1040, %mul3A_1045 : vector<16xf32>
      %broadcast_in_dim3A_1047 = arith.constant 15 : i32
      %broadcast_in_dim3A_1048 = vector.broadcast %broadcast_in_dim3A_1047 : i32 to vector<16xi32>
      %gather3A_1049 = tpu.vector_load_idx %arg9[%iota3A, %and3A_953, %broadcast_in_dim3A_1048] : memref<16x8x64xf32, #tpu.memory_space<vmem>>[vector<16xi32>, vector<16xi32>, vector<16xi32>], vector<16xf32>,
      %gather3A_1050 = tpu.vector_load_idx %arg10[%iota3A, %and3A_956, %broadcast_in_dim3A_1048] : memref<16x8x64xf32, #tpu.memory_space<vmem>>[vector<16xi32>, vector<16xi32>, vector<16xi32>], vector<16xf32>,
      %mul3A_1051 = arith.mulf %gather3A_1049, %gather3A_1050 : vector<16xf32>
      %add3A_1052 = arith.addf %add3A_1046, %mul3A_1051 : vector<16xf32>
      %broadcast_in_dim3A_1053 = arith.constant 16 : i32
      %broadcast_in_dim3A_1054 = vector.broadcast %broadcast_in_dim3A_1053 : i32 to vector<16xi32>
      %gather3A_1055 = tpu.vector_load_idx %arg9[%iota3A, %and3A_953, %broadcast_in_dim3A_1054] : memref<16x8x64xf32, #tpu.memory_space<vmem>>[vector<16xi32>, vector<16xi32>, vector<16xi32>], vector<16xf32>,
      %gather3A_1056 = tpu.vector_load_idx %arg10[%iota3A, %and3A_956, %broadcast_in_dim3A_1054] : memref<16x8x64xf32, #tpu.memory_space<vmem>>[vector<16xi32>, vector<16xi32>, vector<16xi32>], vector<16xf32>,
      %mul3A_1057 = arith.mulf %gather3A_1055, %gather3A_1056 : vector<16xf32>
      %add3A_1058 = arith.addf %add3A_1052, %mul3A_1057 : vector<16xf32>
      %broadcast_in_dim3A_1059 = arith.constant 17 : i32
      %broadcast_in_dim3A_1060 = vector.broadcast %broadcast_in_dim3A_1059 : i32 to vector<16xi32>
      %gather3A_1061 = tpu.vector_load_idx %arg9[%iota3A, %and3A_953, %broadcast_in_dim3A_1060] : memref<16x8x64xf32, #tpu.memory_space<vmem>>[vector<16xi32>, vector<16xi32>, vector<16xi32>], vector<16xf32>,
      %gather3A_1062 = tpu.vector_load_idx %arg10[%iota3A, %and3A_956, %broadcast_in_dim3A_1060] : memref<16x8x64xf32, #tpu.memory_space<vmem>>[vector<16xi32>, vector<16xi32>, vector<16xi32>], vector<16xf32>,
      %mul3A_1063 = arith.mulf %gather3A_1061, %gather3A_1062 : vector<16xf32>
      %add3A_1064 = arith.addf %add3A_1058, %mul3A_1063 : vector<16xf32>
      %broadcast_in_dim3A_1065 = arith.constant 18 : i32
      %broadcast_in_dim3A_1066 = vector.broadcast %broadcast_in_dim3A_1065 : i32 to vector<16xi32>
      %gather3A_1067 = tpu.vector_load_idx %arg9[%iota3A, %and3A_953, %broadcast_in_dim3A_1066] : memref<16x8x64xf32, #tpu.memory_space<vmem>>[vector<16xi32>, vector<16xi32>, vector<16xi32>], vector<16xf32>,
      %gather3A_1068 = tpu.vector_load_idx %arg10[%iota3A, %and3A_956, %broadcast_in_dim3A_1066] : memref<16x8x64xf32, #tpu.memory_space<vmem>>[vector<16xi32>, vector<16xi32>, vector<16xi32>], vector<16xf32>,
      %mul3A_1069 = arith.mulf %gather3A_1067, %gather3A_1068 : vector<16xf32>
      %add3A_1070 = arith.addf %add3A_1064, %mul3A_1069 : vector<16xf32>
      %broadcast_in_dim3A_1071 = arith.constant 19 : i32
      %broadcast_in_dim3A_1072 = vector.broadcast %broadcast_in_dim3A_1071 : i32 to vector<16xi32>
      %gather3A_1073 = tpu.vector_load_idx %arg9[%iota3A, %and3A_953, %broadcast_in_dim3A_1072] : memref<16x8x64xf32, #tpu.memory_space<vmem>>[vector<16xi32>, vector<16xi32>, vector<16xi32>], vector<16xf32>,
      %gather3A_1074 = tpu.vector_load_idx %arg10[%iota3A, %and3A_956, %broadcast_in_dim3A_1072] : memref<16x8x64xf32, #tpu.memory_space<vmem>>[vector<16xi32>, vector<16xi32>, vector<16xi32>], vector<16xf32>,
      %mul3A_1075 = arith.mulf %gather3A_1073, %gather3A_1074 : vector<16xf32>
      %add3A_1076 = arith.addf %add3A_1070, %mul3A_1075 : vector<16xf32>
      %broadcast_in_dim3A_1077 = arith.constant 20 : i32
      %broadcast_in_dim3A_1078 = vector.broadcast %broadcast_in_dim3A_1077 : i32 to vector<16xi32>
      %gather3A_1079 = tpu.vector_load_idx %arg9[%iota3A, %and3A_953, %broadcast_in_dim3A_1078] : memref<16x8x64xf32, #tpu.memory_space<vmem>>[vector<16xi32>, vector<16xi32>, vector<16xi32>], vector<16xf32>,
      %gather3A_1080 = tpu.vector_load_idx %arg10[%iota3A, %and3A_956, %broadcast_in_dim3A_1078] : memref<16x8x64xf32, #tpu.memory_space<vmem>>[vector<16xi32>, vector<16xi32>, vector<16xi32>], vector<16xf32>,
      %mul3A_1081 = arith.mulf %gather3A_1079, %gather3A_1080 : vector<16xf32>
      %add3A_1082 = arith.addf %add3A_1076, %mul3A_1081 : vector<16xf32>
      %broadcast_in_dim3A_1083 = arith.constant 21 : i32
      %broadcast_in_dim3A_1084 = vector.broadcast %broadcast_in_dim3A_1083 : i32 to vector<16xi32>
      %gather3A_1085 = tpu.vector_load_idx %arg9[%iota3A, %and3A_953, %broadcast_in_dim3A_1084] : memref<16x8x64xf32, #tpu.memory_space<vmem>>[vector<16xi32>, vector<16xi32>, vector<16xi32>], vector<16xf32>,
      %gather3A_1086 = tpu.vector_load_idx %arg10[%iota3A, %and3A_956, %broadcast_in_dim3A_1084] : memref<16x8x64xf32, #tpu.memory_space<vmem>>[vector<16xi32>, vector<16xi32>, vector<16xi32>], vector<16xf32>,
      %mul3A_1087 = arith.mulf %gather3A_1085, %gather3A_1086 : vector<16xf32>
      %add3A_1088 = arith.addf %add3A_1082, %mul3A_1087 : vector<16xf32>
      %broadcast_in_dim3A_1089 = arith.constant 22 : i32
      %broadcast_in_dim3A_1090 = vector.broadcast %broadcast_in_dim3A_1089 : i32 to vector<16xi32>
      %gather3A_1091 = tpu.vector_load_idx %arg9[%iota3A, %and3A_953, %broadcast_in_dim3A_1090] : memref<16x8x64xf32, #tpu.memory_space<vmem>>[vector<16xi32>, vector<16xi32>, vector<16xi32>], vector<16xf32>,
      %gather3A_1092 = tpu.vector_load_idx %arg10[%iota3A, %and3A_956, %broadcast_in_dim3A_1090] : memref<16x8x64xf32, #tpu.memory_space<vmem>>[vector<16xi32>, vector<16xi32>, vector<16xi32>], vector<16xf32>,
      %mul3A_1093 = arith.mulf %gather3A_1091, %gather3A_1092 : vector<16xf32>
      %add3A_1094 = arith.addf %add3A_1088, %mul3A_1093 : vector<16xf32>
      %broadcast_in_dim3A_1095 = arith.constant 23 : i32
      %broadcast_in_dim3A_1096 = vector.broadcast %broadcast_in_dim3A_1095 : i32 to vector<16xi32>
      %gather3A_1097 = tpu.vector_load_idx %arg9[%iota3A, %and3A_953, %broadcast_in_dim3A_1096] : memref<16x8x64xf32, #tpu.memory_space<vmem>>[vector<16xi32>, vector<16xi32>, vector<16xi32>], vector<16xf32>,
      %gather3A_1098 = tpu.vector_load_idx %arg10[%iota3A, %and3A_956, %broadcast_in_dim3A_1096] : memref<16x8x64xf32, #tpu.memory_space<vmem>>[vector<16xi32>, vector<16xi32>, vector<16xi32>], vector<16xf32>,
      %mul3A_1099 = arith.mulf %gather3A_1097, %gather3A_1098 : vector<16xf32>
      %add3A_1100 = arith.addf %add3A_1094, %mul3A_1099 : vector<16xf32>
      %broadcast_in_dim3A_1101 = arith.constant 24 : i32
      %broadcast_in_dim3A_1102 = vector.broadcast %broadcast_in_dim3A_1101 : i32 to vector<16xi32>
      %gather3A_1103 = tpu.vector_load_idx %arg9[%iota3A, %and3A_953, %broadcast_in_dim3A_1102] : memref<16x8x64xf32, #tpu.memory_space<vmem>>[vector<16xi32>, vector<16xi32>, vector<16xi32>], vector<16xf32>,
      %gather3A_1104 = tpu.vector_load_idx %arg10[%iota3A, %and3A_956, %broadcast_in_dim3A_1102] : memref<16x8x64xf32, #tpu.memory_space<vmem>>[vector<16xi32>, vector<16xi32>, vector<16xi32>], vector<16xf32>,
      %mul3A_1105 = arith.mulf %gather3A_1103, %gather3A_1104 : vector<16xf32>
      %add3A_1106 = arith.addf %add3A_1100, %mul3A_1105 : vector<16xf32>
      %broadcast_in_dim3A_1107 = arith.constant 25 : i32
      %broadcast_in_dim3A_1108 = vector.broadcast %broadcast_in_dim3A_1107 : i32 to vector<16xi32>
      %gather3A_1109 = tpu.vector_load_idx %arg9[%iota3A, %and3A_953, %broadcast_in_dim3A_1108] : memref<16x8x64xf32, #tpu.memory_space<vmem>>[vector<16xi32>, vector<16xi32>, vector<16xi32>], vector<16xf32>,
      %gather3A_1110 = tpu.vector_load_idx %arg10[%iota3A, %and3A_956, %broadcast_in_dim3A_1108] : memref<16x8x64xf32, #tpu.memory_space<vmem>>[vector<16xi32>, vector<16xi32>, vector<16xi32>], vector<16xf32>,
      %mul3A_1111 = arith.mulf %gather3A_1109, %gather3A_1110 : vector<16xf32>
      %add3A_1112 = arith.addf %add3A_1106, %mul3A_1111 : vector<16xf32>
      %broadcast_in_dim3A_1113 = arith.constant 26 : i32
      %broadcast_in_dim3A_1114 = vector.broadcast %broadcast_in_dim3A_1113 : i32 to vector<16xi32>
      %gather3A_1115 = tpu.vector_load_idx %arg9[%iota3A, %and3A_953, %broadcast_in_dim3A_1114] : memref<16x8x64xf32, #tpu.memory_space<vmem>>[vector<16xi32>, vector<16xi32>, vector<16xi32>], vector<16xf32>,
      %gather3A_1116 = tpu.vector_load_idx %arg10[%iota3A, %and3A_956, %broadcast_in_dim3A_1114] : memref<16x8x64xf32, #tpu.memory_space<vmem>>[vector<16xi32>, vector<16xi32>, vector<16xi32>], vector<16xf32>,
      %mul3A_1117 = arith.mulf %gather3A_1115, %gather3A_1116 : vector<16xf32>
      %add3A_1118 = arith.addf %add3A_1112, %mul3A_1117 : vector<16xf32>
      %broadcast_in_dim3A_1119 = arith.constant 27 : i32
      %broadcast_in_dim3A_1120 = vector.broadcast %broadcast_in_dim3A_1119 : i32 to vector<16xi32>
      %gather3A_1121 = tpu.vector_load_idx %arg9[%iota3A, %and3A_953, %broadcast_in_dim3A_1120] : memref<16x8x64xf32, #tpu.memory_space<vmem>>[vector<16xi32>, vector<16xi32>, vector<16xi32>], vector<16xf32>,
      %gather3A_1122 = tpu.vector_load_idx %arg10[%iota3A, %and3A_956, %broadcast_in_dim3A_1120] : memref<16x8x64xf32, #tpu.memory_space<vmem>>[vector<16xi32>, vector<16xi32>, vector<16xi32>], vector<16xf32>,
      %mul3A_1123 = arith.mulf %gather3A_1121, %gather3A_1122 : vector<16xf32>
      %add3A_1124 = arith.addf %add3A_1118, %mul3A_1123 : vector<16xf32>
      %broadcast_in_dim3A_1125 = arith.constant 28 : i32
      %broadcast_in_dim3A_1126 = vector.broadcast %broadcast_in_dim3A_1125 : i32 to vector<16xi32>
      %gather3A_1127 = tpu.vector_load_idx %arg9[%iota3A, %and3A_953, %broadcast_in_dim3A_1126] : memref<16x8x64xf32, #tpu.memory_space<vmem>>[vector<16xi32>, vector<16xi32>, vector<16xi32>], vector<16xf32>,
      %gather3A_1128 = tpu.vector_load_idx %arg10[%iota3A, %and3A_956, %broadcast_in_dim3A_1126] : memref<16x8x64xf32, #tpu.memory_space<vmem>>[vector<16xi32>, vector<16xi32>, vector<16xi32>], vector<16xf32>,
      %mul3A_1129 = arith.mulf %gather3A_1127, %gather3A_1128 : vector<16xf32>
      %add3A_1130 = arith.addf %add3A_1124, %mul3A_1129 : vector<16xf32>
      %broadcast_in_dim3A_1131 = arith.constant 29 : i32
      %broadcast_in_dim3A_1132 = vector.broadcast %broadcast_in_dim3A_1131 : i32 to vector<16xi32>
      %gather3A_1133 = tpu.vector_load_idx %arg9[%iota3A, %and3A_953, %broadcast_in_dim3A_1132] : memref<16x8x64xf32, #tpu.memory_space<vmem>>[vector<16xi32>, vector<16xi32>, vector<16xi32>], vector<16xf32>,
      %gather3A_1134 = tpu.vector_load_idx %arg10[%iota3A, %and3A_956, %broadcast_in_dim3A_1132] : memref<16x8x64xf32, #tpu.memory_space<vmem>>[vector<16xi32>, vector<16xi32>, vector<16xi32>], vector<16xf32>,
      %mul3A_1135 = arith.mulf %gather3A_1133, %gather3A_1134 : vector<16xf32>
      %add3A_1136 = arith.addf %add3A_1130, %mul3A_1135 : vector<16xf32>
      %broadcast_in_dim3A_1137 = arith.constant 30 : i32
      %broadcast_in_dim3A_1138 = vector.broadcast %broadcast_in_dim3A_1137 : i32 to vector<16xi32>
      %gather3A_1139 = tpu.vector_load_idx %arg9[%iota3A, %and3A_953, %broadcast_in_dim3A_1138] : memref<16x8x64xf32, #tpu.memory_space<vmem>>[vector<16xi32>, vector<16xi32>, vector<16xi32>], vector<16xf32>,
      %gather3A_1140 = tpu.vector_load_idx %arg10[%iota3A, %and3A_956, %broadcast_in_dim3A_1138] : memref<16x8x64xf32, #tpu.memory_space<vmem>>[vector<16xi32>, vector<16xi32>, vector<16xi32>], vector<16xf32>,
      %mul3A_1141 = arith.mulf %gather3A_1139, %gather3A_1140 : vector<16xf32>
      %add3A_1142 = arith.addf %add3A_1136, %mul3A_1141 : vector<16xf32>
      %broadcast_in_dim3A_1143 = arith.constant 31 : i32
      %broadcast_in_dim3A_1144 = vector.broadcast %broadcast_in_dim3A_1143 : i32 to vector<16xi32>
      %gather3A_1145 = tpu.vector_load_idx %arg9[%iota3A, %and3A_953, %broadcast_in_dim3A_1144] : memref<16x8x64xf32, #tpu.memory_space<vmem>>[vector<16xi32>, vector<16xi32>, vector<16xi32>], vector<16xf32>,
      %gather3A_1146 = tpu.vector_load_idx %arg10[%iota3A, %and3A_956, %broadcast_in_dim3A_1144] : memref<16x8x64xf32, #tpu.memory_space<vmem>>[vector<16xi32>, vector<16xi32>, vector<16xi32>], vector<16xf32>,
      %mul3A_1147 = arith.mulf %gather3A_1145, %gather3A_1146 : vector<16xf32>
      %add3A_1148 = arith.addf %add3A_1142, %mul3A_1147 : vector<16xf32>
      %broadcast_in_dim3A_1149 = arith.constant 32 : i32
      %broadcast_in_dim3A_1150 = vector.broadcast %broadcast_in_dim3A_1149 : i32 to vector<16xi32>
      %gather3A_1151 = tpu.vector_load_idx %arg9[%iota3A, %and3A_953, %broadcast_in_dim3A_1150] : memref<16x8x64xf32, #tpu.memory_space<vmem>>[vector<16xi32>, vector<16xi32>, vector<16xi32>], vector<16xf32>,
      %gather3A_1152 = tpu.vector_load_idx %arg10[%iota3A, %and3A_956, %broadcast_in_dim3A_1150] : memref<16x8x64xf32, #tpu.memory_space<vmem>>[vector<16xi32>, vector<16xi32>, vector<16xi32>], vector<16xf32>,
      %mul3A_1153 = arith.mulf %gather3A_1151, %gather3A_1152 : vector<16xf32>
      %add3A_1154 = arith.addf %add3A_1148, %mul3A_1153 : vector<16xf32>
      %broadcast_in_dim3A_1155 = arith.constant 33 : i32
      %broadcast_in_dim3A_1156 = vector.broadcast %broadcast_in_dim3A_1155 : i32 to vector<16xi32>
      %gather3A_1157 = tpu.vector_load_idx %arg9[%iota3A, %and3A_953, %broadcast_in_dim3A_1156] : memref<16x8x64xf32, #tpu.memory_space<vmem>>[vector<16xi32>, vector<16xi32>, vector<16xi32>], vector<16xf32>,
      %gather3A_1158 = tpu.vector_load_idx %arg10[%iota3A, %and3A_956, %broadcast_in_dim3A_1156] : memref<16x8x64xf32, #tpu.memory_space<vmem>>[vector<16xi32>, vector<16xi32>, vector<16xi32>], vector<16xf32>,
      %mul3A_1159 = arith.mulf %gather3A_1157, %gather3A_1158 : vector<16xf32>
      %add3A_1160 = arith.addf %add3A_1154, %mul3A_1159 : vector<16xf32>
      %broadcast_in_dim3A_1161 = arith.constant 34 : i32
      %broadcast_in_dim3A_1162 = vector.broadcast %broadcast_in_dim3A_1161 : i32 to vector<16xi32>
      %gather3A_1163 = tpu.vector_load_idx %arg9[%iota3A, %and3A_953, %broadcast_in_dim3A_1162] : memref<16x8x64xf32, #tpu.memory_space<vmem>>[vector<16xi32>, vector<16xi32>, vector<16xi32>], vector<16xf32>,
      %gather3A_1164 = tpu.vector_load_idx %arg10[%iota3A, %and3A_956, %broadcast_in_dim3A_1162] : memref<16x8x64xf32, #tpu.memory_space<vmem>>[vector<16xi32>, vector<16xi32>, vector<16xi32>], vector<16xf32>,
      %mul3A_1165 = arith.mulf %gather3A_1163, %gather3A_1164 : vector<16xf32>
      %add3A_1166 = arith.addf %add3A_1160, %mul3A_1165 : vector<16xf32>
      %broadcast_in_dim3A_1167 = arith.constant 35 : i32
      %broadcast_in_dim3A_1168 = vector.broadcast %broadcast_in_dim3A_1167 : i32 to vector<16xi32>
      %gather3A_1169 = tpu.vector_load_idx %arg9[%iota3A, %and3A_953, %broadcast_in_dim3A_1168] : memref<16x8x64xf32, #tpu.memory_space<vmem>>[vector<16xi32>, vector<16xi32>, vector<16xi32>], vector<16xf32>,
      %gather3A_1170 = tpu.vector_load_idx %arg10[%iota3A, %and3A_956, %broadcast_in_dim3A_1168] : memref<16x8x64xf32, #tpu.memory_space<vmem>>[vector<16xi32>, vector<16xi32>, vector<16xi32>], vector<16xf32>,
      %mul3A_1171 = arith.mulf %gather3A_1169, %gather3A_1170 : vector<16xf32>
      %add3A_1172 = arith.addf %add3A_1166, %mul3A_1171 : vector<16xf32>
      %broadcast_in_dim3A_1173 = arith.constant 36 : i32
      %broadcast_in_dim3A_1174 = vector.broadcast %broadcast_in_dim3A_1173 : i32 to vector<16xi32>
      %gather3A_1175 = tpu.vector_load_idx %arg9[%iota3A, %and3A_953, %broadcast_in_dim3A_1174] : memref<16x8x64xf32, #tpu.memory_space<vmem>>[vector<16xi32>, vector<16xi32>, vector<16xi32>], vector<16xf32>,
      %gather3A_1176 = tpu.vector_load_idx %arg10[%iota3A, %and3A_956, %broadcast_in_dim3A_1174] : memref<16x8x64xf32, #tpu.memory_space<vmem>>[vector<16xi32>, vector<16xi32>, vector<16xi32>], vector<16xf32>,
      %mul3A_1177 = arith.mulf %gather3A_1175, %gather3A_1176 : vector<16xf32>
      %add3A_1178 = arith.addf %add3A_1172, %mul3A_1177 : vector<16xf32>
      %broadcast_in_dim3A_1179 = arith.constant 37 : i32
      %broadcast_in_dim3A_1180 = vector.broadcast %broadcast_in_dim3A_1179 : i32 to vector<16xi32>
      %gather3A_1181 = tpu.vector_load_idx %arg9[%iota3A, %and3A_953, %broadcast_in_dim3A_1180] : memref<16x8x64xf32, #tpu.memory_space<vmem>>[vector<16xi32>, vector<16xi32>, vector<16xi32>], vector<16xf32>,
      %gather3A_1182 = tpu.vector_load_idx %arg10[%iota3A, %and3A_956, %broadcast_in_dim3A_1180] : memref<16x8x64xf32, #tpu.memory_space<vmem>>[vector<16xi32>, vector<16xi32>, vector<16xi32>], vector<16xf32>,
      %mul3A_1183 = arith.mulf %gather3A_1181, %gather3A_1182 : vector<16xf32>
      %add3A_1184 = arith.addf %add3A_1178, %mul3A_1183 : vector<16xf32>
      %broadcast_in_dim3A_1185 = arith.constant 38 : i32
      %broadcast_in_dim3A_1186 = vector.broadcast %broadcast_in_dim3A_1185 : i32 to vector<16xi32>
      %gather3A_1187 = tpu.vector_load_idx %arg9[%iota3A, %and3A_953, %broadcast_in_dim3A_1186] : memref<16x8x64xf32, #tpu.memory_space<vmem>>[vector<16xi32>, vector<16xi32>, vector<16xi32>], vector<16xf32>,
      %gather3A_1188 = tpu.vector_load_idx %arg10[%iota3A, %and3A_956, %broadcast_in_dim3A_1186] : memref<16x8x64xf32, #tpu.memory_space<vmem>>[vector<16xi32>, vector<16xi32>, vector<16xi32>], vector<16xf32>,
      %mul3A_1189 = arith.mulf %gather3A_1187, %gather3A_1188 : vector<16xf32>
      %add3A_1190 = arith.addf %add3A_1184, %mul3A_1189 : vector<16xf32>
      %broadcast_in_dim3A_1191 = arith.constant 39 : i32
      %broadcast_in_dim3A_1192 = vector.broadcast %broadcast_in_dim3A_1191 : i32 to vector<16xi32>
      %gather3A_1193 = tpu.vector_load_idx %arg9[%iota3A, %and3A_953, %broadcast_in_dim3A_1192] : memref<16x8x64xf32, #tpu.memory_space<vmem>>[vector<16xi32>, vector<16xi32>, vector<16xi32>], vector<16xf32>,
      %gather3A_1194 = tpu.vector_load_idx %arg10[%iota3A, %and3A_956, %broadcast_in_dim3A_1192] : memref<16x8x64xf32, #tpu.memory_space<vmem>>[vector<16xi32>, vector<16xi32>, vector<16xi32>], vector<16xf32>,
      %mul3A_1195 = arith.mulf %gather3A_1193, %gather3A_1194 : vector<16xf32>
      %add3A_1196 = arith.addf %add3A_1190, %mul3A_1195 : vector<16xf32>
      %broadcast_in_dim3A_1197 = arith.constant 40 : i32
      %broadcast_in_dim3A_1198 = vector.broadcast %broadcast_in_dim3A_1197 : i32 to vector<16xi32>
      %gather3A_1199 = tpu.vector_load_idx %arg9[%iota3A, %and3A_953, %broadcast_in_dim3A_1198] : memref<16x8x64xf32, #tpu.memory_space<vmem>>[vector<16xi32>, vector<16xi32>, vector<16xi32>], vector<16xf32>,
      %gather3A_1200 = tpu.vector_load_idx %arg10[%iota3A, %and3A_956, %broadcast_in_dim3A_1198] : memref<16x8x64xf32, #tpu.memory_space<vmem>>[vector<16xi32>, vector<16xi32>, vector<16xi32>], vector<16xf32>,
      %mul3A_1201 = arith.mulf %gather3A_1199, %gather3A_1200 : vector<16xf32>
      %add3A_1202 = arith.addf %add3A_1196, %mul3A_1201 : vector<16xf32>
      %broadcast_in_dim3A_1203 = arith.constant 41 : i32
      %broadcast_in_dim3A_1204 = vector.broadcast %broadcast_in_dim3A_1203 : i32 to vector<16xi32>
      %gather3A_1205 = tpu.vector_load_idx %arg9[%iota3A, %and3A_953, %broadcast_in_dim3A_1204] : memref<16x8x64xf32, #tpu.memory_space<vmem>>[vector<16xi32>, vector<16xi32>, vector<16xi32>], vector<16xf32>,
      %gather3A_1206 = tpu.vector_load_idx %arg10[%iota3A, %and3A_956, %broadcast_in_dim3A_1204] : memref<16x8x64xf32, #tpu.memory_space<vmem>>[vector<16xi32>, vector<16xi32>, vector<16xi32>], vector<16xf32>,
      %mul3A_1207 = arith.mulf %gather3A_1205, %gather3A_1206 : vector<16xf32>
      %add3A_1208 = arith.addf %add3A_1202, %mul3A_1207 : vector<16xf32>
      %broadcast_in_dim3A_1209 = arith.constant 42 : i32
      %broadcast_in_dim3A_1210 = vector.broadcast %broadcast_in_dim3A_1209 : i32 to vector<16xi32>
      %gather3A_1211 = tpu.vector_load_idx %arg9[%iota3A, %and3A_953, %broadcast_in_dim3A_1210] : memref<16x8x64xf32, #tpu.memory_space<vmem>>[vector<16xi32>, vector<16xi32>, vector<16xi32>], vector<16xf32>,
      %gather3A_1212 = tpu.vector_load_idx %arg10[%iota3A, %and3A_956, %broadcast_in_dim3A_1210] : memref<16x8x64xf32, #tpu.memory_space<vmem>>[vector<16xi32>, vector<16xi32>, vector<16xi32>], vector<16xf32>,
      %mul3A_1213 = arith.mulf %gather3A_1211, %gather3A_1212 : vector<16xf32>
      %add3A_1214 = arith.addf %add3A_1208, %mul3A_1213 : vector<16xf32>
      %broadcast_in_dim3A_1215 = arith.constant 43 : i32
      %broadcast_in_dim3A_1216 = vector.broadcast %broadcast_in_dim3A_1215 : i32 to vector<16xi32>
      %gather3A_1217 = tpu.vector_load_idx %arg9[%iota3A, %and3A_953, %broadcast_in_dim3A_1216] : memref<16x8x64xf32, #tpu.memory_space<vmem>>[vector<16xi32>, vector<16xi32>, vector<16xi32>], vector<16xf32>,
      %gather3A_1218 = tpu.vector_load_idx %arg10[%iota3A, %and3A_956, %broadcast_in_dim3A_1216] : memref<16x8x64xf32, #tpu.memory_space<vmem>>[vector<16xi32>, vector<16xi32>, vector<16xi32>], vector<16xf32>,
      %mul3A_1219 = arith.mulf %gather3A_1217, %gather3A_1218 : vector<16xf32>
      %add3A_1220 = arith.addf %add3A_1214, %mul3A_1219 : vector<16xf32>
      %broadcast_in_dim3A_1221 = arith.constant 44 : i32
      %broadcast_in_dim3A_1222 = vector.broadcast %broadcast_in_dim3A_1221 : i32 to vector<16xi32>
      %gather3A_1223 = tpu.vector_load_idx %arg9[%iota3A, %and3A_953, %broadcast_in_dim3A_1222] : memref<16x8x64xf32, #tpu.memory_space<vmem>>[vector<16xi32>, vector<16xi32>, vector<16xi32>], vector<16xf32>,
      %gather3A_1224 = tpu.vector_load_idx %arg10[%iota3A, %and3A_956, %broadcast_in_dim3A_1222] : memref<16x8x64xf32, #tpu.memory_space<vmem>>[vector<16xi32>, vector<16xi32>, vector<16xi32>], vector<16xf32>,
      %mul3A_1225 = arith.mulf %gather3A_1223, %gather3A_1224 : vector<16xf32>
      %add3A_1226 = arith.addf %add3A_1220, %mul3A_1225 : vector<16xf32>
      %broadcast_in_dim3A_1227 = arith.constant 45 : i32
      %broadcast_in_dim3A_1228 = vector.broadcast %broadcast_in_dim3A_1227 : i32 to vector<16xi32>
      %gather3A_1229 = tpu.vector_load_idx %arg9[%iota3A, %and3A_953, %broadcast_in_dim3A_1228] : memref<16x8x64xf32, #tpu.memory_space<vmem>>[vector<16xi32>, vector<16xi32>, vector<16xi32>], vector<16xf32>,
      %gather3A_1230 = tpu.vector_load_idx %arg10[%iota3A, %and3A_956, %broadcast_in_dim3A_1228] : memref<16x8x64xf32, #tpu.memory_space<vmem>>[vector<16xi32>, vector<16xi32>, vector<16xi32>], vector<16xf32>,
      %mul3A_1231 = arith.mulf %gather3A_1229, %gather3A_1230 : vector<16xf32>
      %add3A_1232 = arith.addf %add3A_1226, %mul3A_1231 : vector<16xf32>
      %broadcast_in_dim3A_1233 = arith.constant 46 : i32
      %broadcast_in_dim3A_1234 = vector.broadcast %broadcast_in_dim3A_1233 : i32 to vector<16xi32>
      %gather3A_1235 = tpu.vector_load_idx %arg9[%iota3A, %and3A_953, %broadcast_in_dim3A_1234] : memref<16x8x64xf32, #tpu.memory_space<vmem>>[vector<16xi32>, vector<16xi32>, vector<16xi32>], vector<16xf32>,
      %gather3A_1236 = tpu.vector_load_idx %arg10[%iota3A, %and3A_956, %broadcast_in_dim3A_1234] : memref<16x8x64xf32, #tpu.memory_space<vmem>>[vector<16xi32>, vector<16xi32>, vector<16xi32>], vector<16xf32>,
      %mul3A_1237 = arith.mulf %gather3A_1235, %gather3A_1236 : vector<16xf32>
      %add3A_1238 = arith.addf %add3A_1232, %mul3A_1237 : vector<16xf32>
      %broadcast_in_dim3A_1239 = arith.constant 47 : i32
      %broadcast_in_dim3A_1240 = vector.broadcast %broadcast_in_dim3A_1239 : i32 to vector<16xi32>
      %gather3A_1241 = tpu.vector_load_idx %arg9[%iota3A, %and3A_953, %broadcast_in_dim3A_1240] : memref<16x8x64xf32, #tpu.memory_space<vmem>>[vector<16xi32>, vector<16xi32>, vector<16xi32>], vector<16xf32>,
      %gather3A_1242 = tpu.vector_load_idx %arg10[%iota3A, %and3A_956, %broadcast_in_dim3A_1240] : memref<16x8x64xf32, #tpu.memory_space<vmem>>[vector<16xi32>, vector<16xi32>, vector<16xi32>], vector<16xf32>,
      %mul3A_1243 = arith.mulf %gather3A_1241, %gather3A_1242 : vector<16xf32>
      %add3A_1244 = arith.addf %add3A_1238, %mul3A_1243 : vector<16xf32>
      %broadcast_in_dim3A_1245 = arith.constant 48 : i32
      %broadcast_in_dim3A_1246 = vector.broadcast %broadcast_in_dim3A_1245 : i32 to vector<16xi32>
      %gather3A_1247 = tpu.vector_load_idx %arg9[%iota3A, %and3A_953, %broadcast_in_dim3A_1246] : memref<16x8x64xf32, #tpu.memory_space<vmem>>[vector<16xi32>, vector<16xi32>, vector<16xi32>], vector<16xf32>,
      %gather3A_1248 = tpu.vector_load_idx %arg10[%iota3A, %and3A_956, %broadcast_in_dim3A_1246] : memref<16x8x64xf32, #tpu.memory_space<vmem>>[vector<16xi32>, vector<16xi32>, vector<16xi32>], vector<16xf32>,
      %mul3A_1249 = arith.mulf %gather3A_1247, %gather3A_1248 : vector<16xf32>
      %add3A_1250 = arith.addf %add3A_1244, %mul3A_1249 : vector<16xf32>
      %broadcast_in_dim3A_1251 = arith.constant 49 : i32
      %broadcast_in_dim3A_1252 = vector.broadcast %broadcast_in_dim3A_1251 : i32 to vector<16xi32>
      %gather3A_1253 = tpu.vector_load_idx %arg9[%iota3A, %and3A_953, %broadcast_in_dim3A_1252] : memref<16x8x64xf32, #tpu.memory_space<vmem>>[vector<16xi32>, vector<16xi32>, vector<16xi32>], vector<16xf32>,
      %gather3A_1254 = tpu.vector_load_idx %arg10[%iota3A, %and3A_956, %broadcast_in_dim3A_1252] : memref<16x8x64xf32, #tpu.memory_space<vmem>>[vector<16xi32>, vector<16xi32>, vector<16xi32>], vector<16xf32>,
      %mul3A_1255 = arith.mulf %gather3A_1253, %gather3A_1254 : vector<16xf32>
      %add3A_1256 = arith.addf %add3A_1250, %mul3A_1255 : vector<16xf32>
      %broadcast_in_dim3A_1257 = arith.constant 50 : i32
      %broadcast_in_dim3A_1258 = vector.broadcast %broadcast_in_dim3A_1257 : i32 to vector<16xi32>
      %gather3A_1259 = tpu.vector_load_idx %arg9[%iota3A, %and3A_953, %broadcast_in_dim3A_1258] : memref<16x8x64xf32, #tpu.memory_space<vmem>>[vector<16xi32>, vector<16xi32>, vector<16xi32>], vector<16xf32>,
      %gather3A_1260 = tpu.vector_load_idx %arg10[%iota3A, %and3A_956, %broadcast_in_dim3A_1258] : memref<16x8x64xf32, #tpu.memory_space<vmem>>[vector<16xi32>, vector<16xi32>, vector<16xi32>], vector<16xf32>,
      %mul3A_1261 = arith.mulf %gather3A_1259, %gather3A_1260 : vector<16xf32>
      %add3A_1262 = arith.addf %add3A_1256, %mul3A_1261 : vector<16xf32>
      %broadcast_in_dim3A_1263 = arith.constant 51 : i32
      %broadcast_in_dim3A_1264 = vector.broadcast %broadcast_in_dim3A_1263 : i32 to vector<16xi32>
      %gather3A_1265 = tpu.vector_load_idx %arg9[%iota3A, %and3A_953, %broadcast_in_dim3A_1264] : memref<16x8x64xf32, #tpu.memory_space<vmem>>[vector<16xi32>, vector<16xi32>, vector<16xi32>], vector<16xf32>,
      %gather3A_1266 = tpu.vector_load_idx %arg10[%iota3A, %and3A_956, %broadcast_in_dim3A_1264] : memref<16x8x64xf32, #tpu.memory_space<vmem>>[vector<16xi32>, vector<16xi32>, vector<16xi32>], vector<16xf32>,
      %mul3A_1267 = arith.mulf %gather3A_1265, %gather3A_1266 : vector<16xf32>
      %add3A_1268 = arith.addf %add3A_1262, %mul3A_1267 : vector<16xf32>
      %broadcast_in_dim3A_1269 = arith.constant 52 : i32
      %broadcast_in_dim3A_1270 = vector.broadcast %broadcast_in_dim3A_1269 : i32 to vector<16xi32>
      %gather3A_1271 = tpu.vector_load_idx %arg9[%iota3A, %and3A_953, %broadcast_in_dim3A_1270] : memref<16x8x64xf32, #tpu.memory_space<vmem>>[vector<16xi32>, vector<16xi32>, vector<16xi32>], vector<16xf32>,
      %gather3A_1272 = tpu.vector_load_idx %arg10[%iota3A, %and3A_956, %broadcast_in_dim3A_1270] : memref<16x8x64xf32, #tpu.memory_space<vmem>>[vector<16xi32>, vector<16xi32>, vector<16xi32>], vector<16xf32>,
      %mul3A_1273 = arith.mulf %gather3A_1271, %gather3A_1272 : vector<16xf32>
      %add3A_1274 = arith.addf %add3A_1268, %mul3A_1273 : vector<16xf32>
      %broadcast_in_dim3A_1275 = arith.constant 53 : i32
      %broadcast_in_dim3A_1276 = vector.broadcast %broadcast_in_dim3A_1275 : i32 to vector<16xi32>
      %gather3A_1277 = tpu.vector_load_idx %arg9[%iota3A, %and3A_953, %broadcast_in_dim3A_1276] : memref<16x8x64xf32, #tpu.memory_space<vmem>>[vector<16xi32>, vector<16xi32>, vector<16xi32>], vector<16xf32>,
      %gather3A_1278 = tpu.vector_load_idx %arg10[%iota3A, %and3A_956, %broadcast_in_dim3A_1276] : memref<16x8x64xf32, #tpu.memory_space<vmem>>[vector<16xi32>, vector<16xi32>, vector<16xi32>], vector<16xf32>,
      %mul3A_1279 = arith.mulf %gather3A_1277, %gather3A_1278 : vector<16xf32>
      %add3A_1280 = arith.addf %add3A_1274, %mul3A_1279 : vector<16xf32>
      %broadcast_in_dim3A_1281 = arith.constant 54 : i32
      %broadcast_in_dim3A_1282 = vector.broadcast %broadcast_in_dim3A_1281 : i32 to vector<16xi32>
      %gather3A_1283 = tpu.vector_load_idx %arg9[%iota3A, %and3A_953, %broadcast_in_dim3A_1282] : memref<16x8x64xf32, #tpu.memory_space<vmem>>[vector<16xi32>, vector<16xi32>, vector<16xi32>], vector<16xf32>,
      %gather3A_1284 = tpu.vector_load_idx %arg10[%iota3A, %and3A_956, %broadcast_in_dim3A_1282] : memref<16x8x64xf32, #tpu.memory_space<vmem>>[vector<16xi32>, vector<16xi32>, vector<16xi32>], vector<16xf32>,
      %mul3A_1285 = arith.mulf %gather3A_1283, %gather3A_1284 : vector<16xf32>
      %add3A_1286 = arith.addf %add3A_1280, %mul3A_1285 : vector<16xf32>
      %broadcast_in_dim3A_1287 = arith.constant 55 : i32
      %broadcast_in_dim3A_1288 = vector.broadcast %broadcast_in_dim3A_1287 : i32 to vector<16xi32>
      %gather3A_1289 = tpu.vector_load_idx %arg9[%iota3A, %and3A_953, %broadcast_in_dim3A_1288] : memref<16x8x64xf32, #tpu.memory_space<vmem>>[vector<16xi32>, vector<16xi32>, vector<16xi32>], vector<16xf32>,
      %gather3A_1290 = tpu.vector_load_idx %arg10[%iota3A, %and3A_956, %broadcast_in_dim3A_1288] : memref<16x8x64xf32, #tpu.memory_space<vmem>>[vector<16xi32>, vector<16xi32>, vector<16xi32>], vector<16xf32>,
      %mul3A_1291 = arith.mulf %gather3A_1289, %gather3A_1290 : vector<16xf32>
      %add3A_1292 = arith.addf %add3A_1286, %mul3A_1291 : vector<16xf32>
      %broadcast_in_dim3A_1293 = arith.constant 56 : i32
      %broadcast_in_dim3A_1294 = vector.broadcast %broadcast_in_dim3A_1293 : i32 to vector<16xi32>
      %gather3A_1295 = tpu.vector_load_idx %arg9[%iota3A, %and3A_953, %broadcast_in_dim3A_1294] : memref<16x8x64xf32, #tpu.memory_space<vmem>>[vector<16xi32>, vector<16xi32>, vector<16xi32>], vector<16xf32>,
      %gather3A_1296 = tpu.vector_load_idx %arg10[%iota3A, %and3A_956, %broadcast_in_dim3A_1294] : memref<16x8x64xf32, #tpu.memory_space<vmem>>[vector<16xi32>, vector<16xi32>, vector<16xi32>], vector<16xf32>,
      %mul3A_1297 = arith.mulf %gather3A_1295, %gather3A_1296 : vector<16xf32>
      %add3A_1298 = arith.addf %add3A_1292, %mul3A_1297 : vector<16xf32>
      %broadcast_in_dim3A_1299 = arith.constant 57 : i32
      %broadcast_in_dim3A_1300 = vector.broadcast %broadcast_in_dim3A_1299 : i32 to vector<16xi32>
      %gather3A_1301 = tpu.vector_load_idx %arg9[%iota3A, %and3A_953, %broadcast_in_dim3A_1300] : memref<16x8x64xf32, #tpu.memory_space<vmem>>[vector<16xi32>, vector<16xi32>, vector<16xi32>], vector<16xf32>,
      %gather3A_1302 = tpu.vector_load_idx %arg10[%iota3A, %and3A_956, %broadcast_in_dim3A_1300] : memref<16x8x64xf32, #tpu.memory_space<vmem>>[vector<16xi32>, vector<16xi32>, vector<16xi32>], vector<16xf32>,
      %mul3A_1303 = arith.mulf %gather3A_1301, %gather3A_1302 : vector<16xf32>
      %add3A_1304 = arith.addf %add3A_1298, %mul3A_1303 : vector<16xf32>
      %broadcast_in_dim3A_1305 = arith.constant 58 : i32
      %broadcast_in_dim3A_1306 = vector.broadcast %broadcast_in_dim3A_1305 : i32 to vector<16xi32>
      %gather3A_1307 = tpu.vector_load_idx %arg9[%iota3A, %and3A_953, %broadcast_in_dim3A_1306] : memref<16x8x64xf32, #tpu.memory_space<vmem>>[vector<16xi32>, vector<16xi32>, vector<16xi32>], vector<16xf32>,
      %gather3A_1308 = tpu.vector_load_idx %arg10[%iota3A, %and3A_956, %broadcast_in_dim3A_1306] : memref<16x8x64xf32, #tpu.memory_space<vmem>>[vector<16xi32>, vector<16xi32>, vector<16xi32>], vector<16xf32>,
      %mul3A_1309 = arith.mulf %gather3A_1307, %gather3A_1308 : vector<16xf32>
      %add3A_1310 = arith.addf %add3A_1304, %mul3A_1309 : vector<16xf32>
      %broadcast_in_dim3A_1311 = arith.constant 59 : i32
      %broadcast_in_dim3A_1312 = vector.broadcast %broadcast_in_dim3A_1311 : i32 to vector<16xi32>
      %gather3A_1313 = tpu.vector_load_idx %arg9[%iota3A, %and3A_953, %broadcast_in_dim3A_1312] : memref<16x8x64xf32, #tpu.memory_space<vmem>>[vector<16xi32>, vector<16xi32>, vector<16xi32>], vector<16xf32>,
      %gather3A_1314 = tpu.vector_load_idx %arg10[%iota3A, %and3A_956, %broadcast_in_dim3A_1312] : memref<16x8x64xf32, #tpu.memory_space<vmem>>[vector<16xi32>, vector<16xi32>, vector<16xi32>], vector<16xf32>,
      %mul3A_1315 = arith.mulf %gather3A_1313, %gather3A_1314 : vector<16xf32>
      %add3A_1316 = arith.addf %add3A_1310, %mul3A_1315 : vector<16xf32>
      %broadcast_in_dim3A_1317 = arith.constant 60 : i32
      %broadcast_in_dim3A_1318 = vector.broadcast %broadcast_in_dim3A_1317 : i32 to vector<16xi32>
      %gather3A_1319 = tpu.vector_load_idx %arg9[%iota3A, %and3A_953, %broadcast_in_dim3A_1318] : memref<16x8x64xf32, #tpu.memory_space<vmem>>[vector<16xi32>, vector<16xi32>, vector<16xi32>], vector<16xf32>,
      %gather3A_1320 = tpu.vector_load_idx %arg10[%iota3A, %and3A_956, %broadcast_in_dim3A_1318] : memref<16x8x64xf32, #tpu.memory_space<vmem>>[vector<16xi32>, vector<16xi32>, vector<16xi32>], vector<16xf32>,
      %mul3A_1321 = arith.mulf %gather3A_1319, %gather3A_1320 : vector<16xf32>
      %add3A_1322 = arith.addf %add3A_1316, %mul3A_1321 : vector<16xf32>
      %broadcast_in_dim3A_1323 = arith.constant 61 : i32
      %broadcast_in_dim3A_1324 = vector.broadcast %broadcast_in_dim3A_1323 : i32 to vector<16xi32>
      %gather3A_1325 = tpu.vector_load_idx %arg9[%iota3A, %and3A_953, %broadcast_in_dim3A_1324] : memref<16x8x64xf32, #tpu.memory_space<vmem>>[vector<16xi32>, vector<16xi32>, vector<16xi32>], vector<16xf32>,
      %gather3A_1326 = tpu.vector_load_idx %arg10[%iota3A, %and3A_956, %broadcast_in_dim3A_1324] : memref<16x8x64xf32, #tpu.memory_space<vmem>>[vector<16xi32>, vector<16xi32>, vector<16xi32>], vector<16xf32>,
      %mul3A_1327 = arith.mulf %gather3A_1325, %gather3A_1326 : vector<16xf32>
      %add3A_1328 = arith.addf %add3A_1322, %mul3A_1327 : vector<16xf32>
      %broadcast_in_dim3A_1329 = arith.constant 62 : i32
      %broadcast_in_dim3A_1330 = vector.broadcast %broadcast_in_dim3A_1329 : i32 to vector<16xi32>
      %gather3A_1331 = tpu.vector_load_idx %arg9[%iota3A, %and3A_953, %broadcast_in_dim3A_1330] : memref<16x8x64xf32, #tpu.memory_space<vmem>>[vector<16xi32>, vector<16xi32>, vector<16xi32>], vector<16xf32>,
      %gather3A_1332 = tpu.vector_load_idx %arg10[%iota3A, %and3A_956, %broadcast_in_dim3A_1330] : memref<16x8x64xf32, #tpu.memory_space<vmem>>[vector<16xi32>, vector<16xi32>, vector<16xi32>], vector<16xf32>,
      %mul3A_1333 = arith.mulf %gather3A_1331, %gather3A_1332 : vector<16xf32>
      %add3A_1334 = arith.addf %add3A_1328, %mul3A_1333 : vector<16xf32>
      %broadcast_in_dim3A_1335 = arith.constant 63 : i32
      %broadcast_in_dim3A_1336 = vector.broadcast %broadcast_in_dim3A_1335 : i32 to vector<16xi32>
      %gather3A_1337 = tpu.vector_load_idx %arg9[%iota3A, %and3A_953, %broadcast_in_dim3A_1336] : memref<16x8x64xf32, #tpu.memory_space<vmem>>[vector<16xi32>, vector<16xi32>, vector<16xi32>], vector<16xf32>,
      %gather3A_1338 = tpu.vector_load_idx %arg10[%iota3A, %and3A_956, %broadcast_in_dim3A_1336] : memref<16x8x64xf32, #tpu.memory_space<vmem>>[vector<16xi32>, vector<16xi32>, vector<16xi32>], vector<16xf32>,
      %mul3A_1339 = arith.mulf %gather3A_1337, %gather3A_1338 : vector<16xf32>
      %add3A_1340 = arith.addf %add3A_1334, %mul3A_1339 : vector<16xf32>
      %swap3A = arith.index_cast %multiple_of3A : i32 to index
      %swap3A_1341 = tpu.vector_load %arg11[%swap3A] {strides = array<i32>} : memref<512xf32, #tpu.memory_space<vmem>>, vector<16xf32>,
      tpu.vector_store %arg11[%swap3A], %add3A_1340 {strides = array<i32>} : memref<512xf32, #tpu.memory_space<vmem>>, vector<16xf32>,
    }
    %scan3A_6 = arith.constant 32 : i32
    "tpu.region"() ({
      %run_scoped3A = tpu.sem_alloc : memref<!tpu.dma_semaphore, #tpu.memory_space<semaphore_mem>>
      %dma_start3A = tpu.memref_slice %arg6[%mul3A_2] : memref<16384xf32, #tpu.memory_space<hbm>> -> memref<512xf32, #tpu.memory_space<hbm>>
      %dma_start3A_7 = tpu.memref_slice %arg6[%mul3A_2] : memref<16384xf32, #tpu.memory_space<hbm>> -> memref<512xf32, #tpu.memory_space<hbm>>
      tpu.enqueue_dma source(%arg11 : memref<512xf32, #tpu.memory_space<vmem>>) target(%dma_start3A_7 : memref<512xf32, #tpu.memory_space<hbm>>) target_semaphore(%run_scoped3A : memref<!tpu.dma_semaphore, #tpu.memory_space<semaphore_mem>>)
      %dma_wait3A = tpu.memref_slice %arg6[%mul3A_2] : memref<16384xf32, #tpu.memory_space<hbm>> -> memref<512xf32, #tpu.memory_space<hbm>>
      %dma_wait3A_8 = tpu.memref_slice %arg6[%mul3A_2] : memref<16384xf32, #tpu.memory_space<hbm>> -> memref<512xf32, #tpu.memory_space<hbm>>
      tpu.wait_dma2 semaphore(%run_scoped3A : memref<!tpu.dma_semaphore, #tpu.memory_space<semaphore_mem>>) src(%arg11 : memref<512xf32, #tpu.memory_space<vmem>>) dst(%dma_wait3A_8 : memref<512xf32, #tpu.memory_space<hbm>>)
      tpu.yield
    }) : () -> ()
    return
  }
}

</mosaic_0001>

<sc_bundles>
// kernel: kernel.3.cloned.1.call-start
scs
__scs_entry_jumppad:
0x0: {  	(pc) =	sbr.rel $0x88, $3  }
0x1: {  	(tag) =	ssettag $0x0;
	lr =	simm.s32 $0x1  }
0x2: {  	[smem:$0x3F9D] =	sst lr;
	_ =	strace $0xD0000000  }
0x3: {  	_ = 	snop  }
0x4: {  	_ = 	snop  }
0x5: {  	_ = 	snop  }
0x6: {  	_ = 	snop  }
0x7: {  	_ = 	snop  }
__scs_overlays_trampoline_lowered:
0x8: {  	[smem:$0x3FAC] =	sst s0  }
0x9: {  	[smem:$0x3FAD] =	sst s1  }
0xa: {  	[smem:$0x3FAE] =	sst s2  }
0xb: {  	[smem:$0x3FAF] =	sst s3  }
0xc: {  	[smem:$0x3FB0] =	sst s4  }
0xd: {  	[smem:$0x3FB1] =	sst s5  }
0xe: {  	[smem:$0x3FB2] =	sst s6  }
0xf: {  	[smem:$0x3FB3] =	sst s7  }
0x10: {  	[smem:$0x3FB4] =	sst s8  }
0x11: {  	[smem:$0x3FB5] =	sst s9;
	s0 =	simm.s32 @!p0 $0x0  }
0x12: {  	s1 =	sld [smem:$0x3F9B];
	s0 =	simm.s32 @p0 $0x1  }
0x13: {  	[smem:$0x3FB6] =	sst s0;
	s0 =	simm.s32 @!p1 $0x0  }
0x14: {  	s2 =	sld [smem:$0x3F9A];
	s0 =	simm.s32 @p1 $0x1  }
0x15: {  	[smem:$0x3FB7] =	sst s0;
	s0 =	simm.s32 @!p2 $0x0  }
0x16: {  	s3 =	sld [smem:$0x3FDB];
	s0 =	simm.s32 @p2 $0x1  }
0x17: {  	s4 =	simm.s32 $0x1BF5;
	[smem:$0x3FB9] =	sst s0  }
0x18: {  	s0 =	sld [smem:$0x3F9C];
	_ =	swait.ge [sflag:s4], $0x0  }
0x19: {  	s7 =	sld [smem:$0x3F9D]  }
0x1a: {  	s8 =	sadd.s32 $0xFFFFE003, lr  }
0x1b: {  	s9 =	sadd.s32 $0xFFFFFEF7, lr;
	s5 =	simm.s32 $0xFFFFFFFF;
	p2 =	slt.u32 s8, $0xFFFFF086  }
0x1c: {  	p1 =	slt.u32 s9, $0xF7A;
	s5 =	simm.s32 @!p2 $0x0  }
0x1d: {  	s5 =	simm.s32 @p1 $0x1;
	p0 =	seq.s32 s7, s2  }
0x1e: {  	s7 =	smul.u32 @!p0 $0xF7A, s2;
	p2 =	seq.s32 @!p0 s5, $0x0  }
0x1f: {  	s9 =	smul.u32 $0xF7A, s1;
	s8 =	simm.s32 @!p0 $0x1BF5;
	p2 =	por !p2, p0  }
0x20: {  	[sflag:s8] =	ssyncset.s32 @!p0 $0xFFFFF086;
	s6 =	sadd.s32 @!p0 s3, s7;
	s7 =	simm.s32 @!p0 $0x108  }
0x21: {  	s3 =	sadd.s32 s3, s9;
	s6 =	sadd.s32 @!p0 $0x88, s6;
	s7 =	simm.s32 @p2 $0x1082  }
0x22: {  	[simem:s7], [sflag:s8] =	dma.local @!p0 [hbm:s6], $0xF7A  }
0x23: {  	s9 =	sor.u32 $0xD0000000, s2;
	s6 =	simm.s32 $0x108;
	_ =	swait.ge @!p0 [sflag:s8], $0x0  }
0x24: {  	s3 =	sadd.s32 $0x88, s3;
	s6 =	simm.s32 @!p1 $0x1082;
	[sflag:s4] =	ssyncset.s32 $0xFFFFF086  }
0x25: {  	[simem:s6], [sflag:s4] =	dma.local [hbm:s3], $0xF7A  }
0x26: {  	[smem:$0x3F9D] =	sst s1;
	(tag) =	ssettag s2;
	_ =	strace s9  }
0x27: {  	s1 =	sld [smem:$0x3FAD]  }
0x28: {  	s2 =	sld [smem:$0x3FAE]  }
0x29: {  	s4 =	sld [smem:$0x3FB0]  }
0x2a: {  	p0 =	seq.s32 s5, $0x0;
	s5 =	sld [smem:$0x3FB1]  }
0x2b: {  	s6 =	sld [smem:$0x3FB2]  }
0x2c: {  	s7 =	sld [smem:$0x3FB3]  }
0x2d: {  	s3 =	simm.s32 $0x108;
	s8 =	sld [smem:$0x3FB4]  }
0x2e: {  	s3 =	simm.s32 @!p0 $0x1082;
	s9 =	sld [smem:$0x3FB5]  }
0x2f: {  	lr =	sadd.s32 s0, s3;
	s0 =	sld [smem:$0x3FAC]  }
0x30: {  	s3 =	sld [smem:$0x3FAF]  }
0x31: {  	[smem:$0x3FB8] =	sst s10  }
0x32: {  	s10 =	sld [smem:$0x3FB6];
	_ =	sdelay $0x3  }
0x33: {  	p0 =	seq.s32 s10, $0x1;
	s10 =	sld [smem:$0x3FB8];
	_ =	sdelay $0x3  }
0x34: {  	[smem:$0x3FB8] =	sst s10  }
0x35: {  	s10 =	sld [smem:$0x3FB7];
	_ =	sdelay $0x3  }
0x36: {  	p1 =	seq.s32 s10, $0x1;
	s10 =	sld [smem:$0x3FB8];
	_ =	sdelay $0x3  }
0x37: {  	[smem:$0x3FB8] =	sst s10  }
0x38: {  	s10 =	sld [smem:$0x3FB9]  }
0x39: {  	_ = 	snop;
	(pc) =	sbr.ind lr, $3  }
0x3a: {  	_ = 	snop  }
0x3b: {  	_ = 	snop  }
0x3c: {  	p2 =	seq.s32 s10, $0x1;
	s10 =	sld [smem:$0x3FB8]  }
0x3d: {  	_ =	shalt  }
0x3e: {  	_ =	shalt  }
0x3f: {  	_ =	shalt  }
0x40: {  	_ =	shalt  }
0x41: {  	_ =	shalt  }
0x42: {  	_ =	shalt  }
0x43: {  	_ =	shalt  }
0x44: {  	_ =	shalt  }
0x45: {  	_ =	shalt  }
0x46: {  	_ =	shalt  }
0x47: {  	_ =	shalt  }
0x48: {  	_ =	shalt  }
0x49: {  	_ =	shalt  }
0x4a: {  	_ =	shalt  }
0x4b: {  	_ =	shalt  }
0x4c: {  	_ =	shalt  }
0x4d: {  	_ =	shalt  }
0x4e: {  	_ =	shalt  }
0x4f: {  	_ =	shalt  }
0x50: {  	_ =	shalt  }
0x51: {  	_ =	shalt  }
0x52: {  	_ =	shalt  }
0x53: {  	_ =	shalt  }
0x54: {  	_ =	shalt  }
0x55: {  	_ =	shalt  }
0x56: {  	_ =	shalt  }
0x57: {  	_ =	shalt  }
0x58: {  	_ =	shalt  }
0x59: {  	_ =	shalt  }
0x5a: {  	_ =	shalt  }
0x5b: {  	_ =	shalt  }
0x5c: {  	_ =	shalt  }
0x5d: {  	_ =	shalt  }
0x5e: {  	_ =	shalt  }
0x5f: {  	_ =	shalt  }
0x60: {  	_ =	shalt  }
0x61: {  	_ =	shalt  }
0x62: {  	_ =	shalt  }
0x63: {  	_ =	shalt  }
0x64: {  	_ =	shalt  }
0x65: {  	_ =	shalt  }
0x66: {  	_ =	shalt  }
0x67: {  	_ =	shalt  }
0x68: {  	_ =	shalt  }
0x69: {  	_ =	shalt  }
0x6a: {  	_ =	shalt  }
0x6b: {  	_ =	shalt  }
0x6c: {  	_ =	shalt  }
0x6d: {  	_ =	shalt  }
0x6e: {  	_ =	shalt  }
0x6f: {  	_ =	shalt  }
0x70: {  	_ =	shalt  }
0x71: {  	_ =	shalt  }
0x72: {  	_ =	shalt  }
0x73: {  	_ =	shalt  }
0x74: {  	_ =	shalt  }
0x75: {  	_ =	shalt  }
0x76: {  	_ =	shalt  }
0x77: {  	_ =	shalt  }
0x78: {  	_ =	shalt  }
0x79: {  	_ =	shalt  }
0x7a: {  	_ =	shalt  }
0x7b: {  	_ =	shalt  }
0x7c: {  	_ =	shalt  }
0x7d: {  	_ =	shalt  }
0x7e: {  	_ =	shalt  }
0x7f: {  	_ =	shalt  }
0x80: {  	_ =	shalt  }
0x81: {  	_ =	shalt  }
0x82: {  	_ =	shalt  }
0x83: {  	_ =	shalt  }
0x84: {  	_ =	shalt  }
0x85: {  	_ =	shalt  }
0x86: {  	_ =	shalt  }
0x87: {  	_ =	shalt  }
.Lfunc_end0:
.L_simem_size_0:
called_computation_lowered:
.L_overlay_start_0:
0x88: {  	s2 =	sld [smem:$0x3FD9]  }
0x89: {  	s3 =	sld [smem:$0x3FFE];
	_ =	sdelay $0x1  }
0x8a: {  	s1 =	srdreg.scid  }
0x8b: {  	s0 =	sand.u32 $0x1, s1  }
0x8c: {  	s17 =	sshll.u32 s0, $0xA;
	s2 =	sadd.s32 s3, s2  }
0x8d: {  	s2 =	sadd.s32 s2, s17  }
0x8e: {  	[smem:$0x3FC4] =	sst s2  }
0x8f: {  	_ = 	snop  }
0x90: {  	s2 =	sld [smem:$0x3FC9]  }
0x91: {  	s18 =	sld [smem:$0x3FC8]  }
0x92: {  	s4 =	sld [smem:$0x3FD0];
	(tm) =	ssettm $0x1  }
0x93: {  	s5 =	sld [smem:$0x3FFB];
	_ =	sdelay $0x3  }
0x94: {  	_ =	strace s5  }
0x95: {  	s5 =	sld [smem:$0x3FFC];
	_ =	sdelay $0x3  }
0x96: {  	_ =	strace s5  }
0x97: {  	s5 =	sld [smem:$0x3FFD];
	_ =	sdelay $0x3  }
0x98: {  	_ =	strace s5  }
0x99: {  	_ =	strace $0x8FFFFFFF  }
0x9a: {  	s19 =	sld [smem:$0x3FDB];
	_ =	sdelay $0x1  }
0x9b: {  	s6 =	simm.s32 $_scs_section_size  }
0x9c: {  	s7 =	simm.s32 $_size__tile_overlayer_lowered;
	s8 =	simm.s32 $_tile_overlayer_lowered  }
0x9d: {  	s22 =	simm.s32 $0x1BFF;
	s21 =	sshll.u32 s8, $0x1;
	s5 =	sadd.s32 s6, s19  }
0x9e: {  	s9 =	simm.s32 $0x0;
	s20 =	sshll.u32 s7, $0x1;
	s7 =	sadd.s32 s21, s5  }
0x9f: {  	[timem:s9], [sflag:s22] =	dma.local [hbm:s7], s20  }
0xa0: {  	_ =	swait.ge [sflag:s22], s20  }
0xa1: {  	s6 =	ssub.s32 $0x0, s20;
	[sflag:s22] =	ssyncset.done $0x0  }
0xa2: {  	[sflag:s22] =	ssyncadd.s32 s6;
	_ =	sdelay $0x1  }
0xa3: {  	s23 =	simm.s32 $0x1B8B  }
0xa4: {  	_ =	swait.ge [sflag:s23], $0x1  }
0xa5: {  	[sflag:s23] =	ssyncset.done $0x0  }
0xa6: {  	s25 =	simm.s32 $0x1B8E;
	s24 =	sld [smem:$0x3FFE];
	[sflag:s23] =	ssyncadd.s32 $0xFFFFFFFF  }
0xa7: {  	s26 =	simm.s32 $execute0_lowered;
	[smem:$0x3FD2] =	sst s25  }
0xa8: {  	s7 =	sshll.u32 s26, $0x1;
	_ =	strace $0x80000046;
	[dreg:$0x1] =	wrdreg $0xFFFFFFFF  }
0xa9: {  	s28 =	simm.s32 $_size_execute0_lowered;
	s5 =	sadd.s32 s5, s7;
	[dreg:$0x0] =	wrdreg $0x0  }
0xaa: {  	s7 =	sshll.u32 s28, $0x1;
	[dreg:$0x2] =	wrdreg s5  }
0xab: {  	[dreg:$0x3] =	wrdreg s7  }
0xac: {  	[dreg:$0x4] =	wrdreg $0xC0  }
0xad: {  	_ =	task [dreg:s9], $0x5FFFF  }
0xae: {  	[dreg:$0x1] =	wrdreg $0xFFFFFFFF  }
0xaf: {  	[dreg:$0x0] =	wrdreg $0x60  }
0xb0: {  	[dreg:$0x2] =	wrdreg s2  }
0xb1: {  	[dreg:$0x3] =	wrdreg s18  }
0xb2: {  	[dreg:$0x4] =	wrdreg s24  }
0xb3: {  	[dreg:$0x5] =	wrdreg s4  }
0xb4: {  	[dreg:$0x6] =	wrdreg $0x9  }
0xb5: {  	_ =	task.clear_ibuf [dreg:s9], $0x7FFFF;
	_ =	strace $0x90000046  }
0xb6: {  	s29 =	simm.s32 $0x9;
	_ =	strace $0x80000048  }
0xb7: {  	_ =	swait.ge [sflag:s29], $0x1  }
0xb8: {  	[sflag:s29] =	ssyncadd.s32 $0xFFFFFFFF  }
0xb9: {  	_ =	strace $0x90000048  }
0xba: {  	_ =	sfence  }
0xbb: {  	s30 =	sld [smem:$0x0];
	_ =	sdelay $0x2  }
0xbc: {  	s31 =	sshll.u32 s1, $0xD;
	s1 =	sshrl.u32 s1, $0x2  }
0xbd: {  	s3 =	sand.u32 $0x4000, s31;
	s1 =	sadd.s32 s1, s30  }
0xbe: {  	s0 =	sor.u32 s3, s0;
	s1 =	sshll.u32 s1, $0x11  }
0xbf: {  	s0 =	sor.u32 s1, s0  }
0xc0: {  	s0 =	sadd.s32 $0x8F2B, s0  }
0xc1: {  	[sflag:s0] =	ssyncadd.remote.s32 $0x1  }
0xc2: {  	_ =	sfence.sel $0xFFFF  }
0xc3: {  	[dreg:$0x0] =	wrdreg $0xFFFFFFFF;
	(pc) =	sbr.abs _section_cstart, $3  }
0xc4: {  	[dreg:$0x1] =	wrdreg $0xFFFFFFFF  }
0xc5: {  	_ =	task.clear_ibuf [dreg:s9], $0x2FFFF;
	_ =	strace $0x9FFFFFFF  }
0xc6: {  	(tm) =	ssettm $0x7FFFFFFF  }
0xc7: {  	_ =	shalt  }
tec
execute0_lowered:
.L_overlay_start_1:
0x0: {  	(tag) =	ssettag $0x1  }
0x1: {  	s3 =	rddreg [dreg:$0x0]  }
0x2: {  	s4 =	rddreg [dreg:$0x1]  }
0x3: {  	s2 =	rddreg [dreg:$0x2]  }
0x4: {  	s5 =	rddreg [dreg:$0x3]  }
0x5: {  	s0 =	rddreg [dreg:$0x4];
	s1 =	simm.s32 $0x0  }
0x6: {  	[smem:$0x7FF] =	sst s1;
	s6 =	sadd.s32 $0x400, s2  }
0x7: {  	s2 =	sadd.s32 $0xF42800, s2;
	_ =	strace $0x80000047;
	[dreg:$0x5] =	wrdreg s6  }
0x8: {  	s26 =	simm.s32 $0x800;
	[dreg:$0x6] =	wrdreg s2  }
0x9: {  	s28 =	simm.s32 $0x4800;
	[dreg:$0x7] =	wrdreg s26  }
0xa: {  	s29 =	simm.s32 $0xC00;
	[dreg:$0x8] =	wrdreg s28  }
0xb: {  	s30 =	simm.s32 $0x4C00;
	[dreg:$0x9] =	wrdreg s29  }
0xc: {  	s31 =	simm.s32 $0x1000;
	[dreg:$0xa] =	wrdreg s30  }
0xd: {  	s7 =	simm.s32 $0x1400;
	[dreg:$0xb] =	wrdreg s31  }
0xe: {  	s8 =	simm.s32 $0x5400;
	[dreg:$0xd] =	wrdreg s7  }
0xf: {  	s9 =	simm.s32 $0x1800;
	[dreg:$0xe] =	wrdreg s8  }
0x10: {  	s10 =	simm.s32 $0x5800;
	[dreg:$0xf] =	wrdreg s9  }
0x11: {  	s11 =	simm.s32 $0x1C00;
	[dreg:$0x10] =	wrdreg s10  }
0x12: {  	v0 =	vlaneseq.u32;
	s12 =	simm.s32 $0x5C00;
	[dreg:$0x11] =	wrdreg s11  }
0x13: {  	s13 =	simm.s32 $0x2000;
	v0 =	vmul.u32 $0x400, v0;
	[dreg:$0x12] =	wrdreg s12  }
0x14: {  	s14 =	simm.s32 $0x6000;
	[dreg:$0x13] =	wrdreg s13  }
0x15: {  	s15 =	simm.s32 $0x2400;
	[dreg:$0x14] =	wrdreg s14;
	v1 =	vor.u32 $0x1, v0;
	v48 =	vor.u32 $0x2, v0;
	v49 =	vor.u32 $0x3, v0  }
0x16: {  	s17 =	simm.s32 $0x2800;
	[dreg:$0x15] =	wrdreg s15;
	v50 =	vor.u32 $0x4, v0;
	v51 =	vor.u32 $0x5, v0;
	v52 =	vor.u32 $0x6, v0  }
0x17: {  	s18 =	simm.s32 $0x6800;
	[dreg:$0x17] =	wrdreg s17;
	v53 =	vor.u32 $0x7, v0;
	v54 =	vor.u32 $0x8, v0;
	v55 =	vor.u32 $0x9, v0  }
0x18: {  	s19 =	simm.s32 $0x2C00;
	[dreg:$0x18] =	wrdreg s18;
	v56 =	vor.u32 $0xA, v0;
	v57 =	vor.u32 $0xB, v0;
	v58 =	vor.u32 $0xC, v0;
	[tilespmem:$0x1FFF0] =	vst v0  }
0x19: {  	s20 =	simm.s32 $0x6C00;
	[dreg:$0x19] =	wrdreg s19;
	v59 =	vor.u32 $0xD, v0;
	v60 =	vor.u32 $0xE, v0;
	v61 =	vor.u32 $0xF, v0;
	[tilespmem:$0x1FEE0] =	vst v1  }
0x1a: {  	s21 =	simm.s32 $0x3000;
	[dreg:$0x1a] =	wrdreg s20;
	v62 =	vor.u32 $0x10, v0;
	v63 =	vor.u32 $0x11, v0;
	v18 =	vor.u32 $0x12, v0;
	[tilespmem:$0x1FEF0] =	vst v48  }
0x1b: {  	s23 =	simm.s32 $0x7000;
	[dreg:$0x1b] =	wrdreg s21;
	v19 =	vor.u32 $0x13, v0;
	v20 =	vor.u32 $0x14, v0;
	v21 =	vor.u32 $0x15, v0;
	[tilespmem:$0x1FF00] =	vst v49  }
0x1c: {  	s24 =	simm.s32 $0x3400;
	[dreg:$0x1c] =	wrdreg s23;
	v22 =	vor.u32 $0x16, v0;
	v23 =	vor.u32 $0x17, v0;
	v24 =	vor.u32 $0x18, v0;
	[tilespmem:$0x1FF10] =	vst v50  }
0x1d: {  	s16 =	srdreg.scid;
	s25 =	simm.s32 $0x7400;
	[dreg:$0x1d] =	wrdreg s24;
	v25 =	vor.u32 $0x19, v0;
	v26 =	vor.u32 $0x1A, v0;
	v27 =	vor.u32 $0x1B, v0;
	[tilespmem:$0x1FF20] =	vst v51  }
0x1e: {  	s6 =	simm.s32 $0x5000;
	s7 =	simm.s32 $0x6400;
	[dreg:$0x1e] =	wrdreg s25;
	v28 =	vor.u32 $0x1C, v0;
	v29 =	vor.u32 $0x1D, v0;
	v30 =	vor.u32 $0x1E, v0;
	[tilespmem:$0x1FF30] =	vst v52  }
0x1f: {  	s26 =	simm.s32 $0x3800;
	s28 =	simm.s32 $0x7800;
	[dreg:$0xc] =	wrdreg s6;
	v31 =	vor.u32 $0x1F, v0;
	v32 =	vor.u32 $0x20, v0;
	v33 =	vor.u32 $0x21, v0;
	[tilespmem:$0x1FF40] =	vst v53  }
0x20: {  	s29 =	simm.s32 $0x3C00;
	s30 =	simm.s32 $0x7C00;
	[dreg:$0x16] =	wrdreg s7;
	v34 =	vor.u32 $0x22, v0;
	v35 =	vor.u32 $0x23, v0;
	v36 =	vor.u32 $0x24, v0;
	[tilespmem:$0x1FF50] =	vst v54  }
0x21: {  	s31 =	simm.s32 $0x4000;
	s11 =	simm.s32 $0x8000;
	v37 =	vor.u32 $0x25, v0;
	v38 =	vor.u32 $0x26, v0;
	v39 =	vor.u32 $0x27, v0;
	[dreg:$0x1f] =	wrdreg s26;
	[tilespmem:$0x1FF60] =	vst v55  }
0x22: {  	s2 =	stileid.u32;
	s10 =	simm.s32 $0x4400;
	v40 =	vor.u32 $0x28, v0;
	v41 =	vor.u32 $0x29, v0;
	v42 =	vor.u32 $0x2A, v0;
	[smem:$0x7F9] =	sst s28;
	[tilespmem:$0x1FF70] =	vst v56  }
0x23: {  	s12 =	simm.s32 $0x8400;
	s13 =	simm.s32 $0x0;
	v43 =	vor.u32 $0x2B, v0;
	v44 =	vor.u32 $0x2C, v0;
	v45 =	vor.u32 $0x2D, v0;
	[smem:$0x7FA] =	sst s29;
	[tilespmem:$0x1FF80] =	vst v57  }
0x24: {  	s6 =	sand.u32 $0x1, s16;
	s22 =	sshll.u32 s2, $0x7;
	v46 =	vor.u32 $0x2E, v0;
	v47 =	vor.u32 $0x2F, v0;
	[smem:$0x7FB] =	sst s30;
	[tilespmem:$0x1FF90] =	vst v58;
	v48 =	vor.u32 $0x30, v0  }
0x25: {  	s7 =	simm.s32 $0x2;
	[smem:$0x7FC] =	sst s31;
	[tilespmem:$0x1FFA0] =	vst v59;
	s8 =	ssub.s32 $0x2, s6;
	v49 =	vor.u32 $0x31, v0;
	v50 =	vor.u32 $0x32, v0;
	v51 =	vor.u32 $0x33, v0  }
0x26: {  	[smem:$0x7FD] =	sst s11;
	[tilespmem:$0x1FFB0] =	vst v60;
	s6 =	sshll.u32 s6, $0x6;
	v52 =	vor.u32 $0x34, v0;
	v53 =	vor.u32 $0x35, v0;
	v54 =	vor.u32 $0x36, v0;
	s9 =	sshrl.u32 s8, $0x1  }
0x27: {  	s11 =	simm.s32 $0x1;
	[tilespmem:$0x1FFC0] =	vst v61;
	v55 =	vor.u32 $0x37, v0;
	v56 =	vor.u32 $0x38, v0;
	v57 =	vor.u32 $0x39, v0;
	s6 =	sor.u32 s6, s22;
	s8 =	ssub.s32 s8, s9  }
0x28: {  	[tilespmem:$0x1FFD0] =	vst v62;
	v58 =	vor.u32 $0x3A, v0;
	v59 =	vor.u32 $0x3B, v0;
	v60 =	vor.u32 $0x3C, v0;
	s3 =	sadd.s32 s3, s6;
	s4 =	sadd.s32 s4, s6;
	s5 =	sadd.s32 s5, s6  }
0x29: {  	[tilespmem:$0x1FFE0] =	vst v63;
	v61 =	vor.u32 $0x3D, v0;
	v62 =	vor.u32 $0x3E, v0;
	v63 =	vor.u32 $0x3F, v0;
	s9 =	simm.s32 $0x400;
	s6 =	smax.u32 s8, $0x1;
	s8 =	simm.s32 $0x200  }
.LBB2_1:
0x2a: {  	[tilespmem:s1], [sflag:$0x2] =	stream.linear.gather [hbm4b:s3+s1], $0x200, $0x38;
	[tilespmem:$0x8600] =	vst v63  }
0x2b: {  	_ =	swait.ge [sflag:s7], $0x200  }
0x2c: {  	[sflag:s7] =	ssyncset.done $0x0  }
0x2d: {  	[sflag:s7] =	ssyncadd.s32 $0xFFFFFE00  }
0x2e: {  	[tilespmem:s8], [sflag:$0x2] =	stream.linear.gather [hbm4b:s4+s1], $0x200, $0x38;
	[tilespmem:$0x8600] =	vst v63  }
0x2f: {  	_ =	swait.ge [sflag:s7], $0x200  }
0x30: {  	[sflag:s7] =	ssyncset.done $0x0  }
0x31: {  	s14 =	simm.s32 $0x0;
	[sflag:s7] =	ssyncadd.s32 $0xFFFFFE00  }
0x32: {  	v1 =	vld [tilespmem:s14+$0x0];
	_ =	sdelay $0x1  }
0x33: {  	v0 =	vld [tilespmem:s14+$0x200];
	_ =	sdelay $0x2  }
0x34: {  	v2 =	vand.u32 $0xFFFFFFF8, v1  }
0x35: {  	s15 =	rddreg [dreg:$0x5];
	v2 =	vshll.u32 v2, $0x4  }
0x36: {  	v3 =	vand.u32 $0xFFFFFFF8, v0;
	v2 =	vadd.s32 s15, v2  }
0x37: {  	s16 =	rddreg [dreg:$0x6];
	v3 =	vshll.u32 v3, $0x4;
	(v2sf) =	vpush v2, $0x0  }
0x38: {  	v3 =	vadd.s32 s16, v3  }
0x39: {  	(v2sf) =	vpush v3, $0x0;
	_ =	sdelay $0x1  }
0x3a: {  	(v2sf) =	vpush v2, $0x1;
	_ =	sdelay $0x1  }
0x3b: {  	(v2sf) =	vpush v3, $0x1;
	_ =	sdelay $0x1  }
0x3c: {  	(v2sf) =	vpush v2, $0x2;
	_ =	sdelay $0x1  }
0x3d: {  	(v2sf) =	vpush v3, $0x2;
	_ =	sdelay $0x1  }
0x3e: {  	(v2sf) =	vpush v2, $0x3;
	_ =	sdelay $0x1  }
0x3f: {  	(v2sf) =	vpush v3, $0x3  }
0x40: {  	s21 =	spop (v2sf)  }
0x41: {  	(v2sf) =	vpush v2, $0x4;
	[tilespmem:s9], [sflag:$0x1] =	stream.linear.gather [hbm4b:s21+s1], $0x400, $0x38;
	[tilespmem:$0x8600] =	vst v63  }
0x42: {  	s22 =	rddreg [dreg:$0x7];
	s23 =	spop (v2sf)  }
0x43: {  	(v2sf) =	vpush v3, $0x4;
	[tilespmem:s10], [sflag:$0x1] =	stream.linear.gather [hbm4b:s23+s1], $0x400, $0x38;
	[tilespmem:$0x8600] =	vst v63  }
0x44: {  	s24 =	rddreg [dreg:$0x8];
	s17 =	spop (v2sf)  }
0x45: {  	(v2sf) =	vpush v2, $0x5;
	[tilespmem:s22], [sflag:$0x1] =	stream.linear.gather [hbm4b:s17+s1], $0x400, $0x38;
	[tilespmem:$0x8600] =	vst v63  }
0x46: {  	s25 =	rddreg [dreg:$0x9];
	s26 =	spop (v2sf)  }
0x47: {  	(v2sf) =	vpush v3, $0x5;
	[tilespmem:s24], [sflag:$0x1] =	stream.linear.gather [hbm4b:s26+s1], $0x400, $0x38;
	[tilespmem:$0x8600] =	vst v63  }
0x48: {  	s28 =	rddreg [dreg:$0xa];
	s29 =	spop (v2sf)  }
0x49: {  	(v2sf) =	vpush v2, $0x6;
	[tilespmem:s25], [sflag:$0x1] =	stream.linear.gather [hbm4b:s29+s1], $0x400, $0x38;
	[tilespmem:$0x8600] =	vst v63  }
0x4a: {  	s30 =	rddreg [dreg:$0xb];
	s31 =	spop (v2sf)  }
0x4b: {  	(v2sf) =	vpush v3, $0x6;
	[tilespmem:s28], [sflag:$0x1] =	stream.linear.gather [hbm4b:s31+s1], $0x400, $0x38;
	[tilespmem:$0x8600] =	vst v63  }
0x4c: {  	s18 =	rddreg [dreg:$0xc];
	s19 =	spop (v2sf)  }
0x4d: {  	(v2sf) =	vpush v2, $0x7;
	[tilespmem:s30], [sflag:$0x1] =	stream.linear.gather [hbm4b:s19+s1], $0x400, $0x38;
	[tilespmem:$0x8600] =	vst v63  }
0x4e: {  	s20 =	rddreg [dreg:$0xd];
	s21 =	spop (v2sf)  }
0x4f: {  	(v2sf) =	vpush v3, $0x7;
	[tilespmem:s18], [sflag:$0x1] =	stream.linear.gather [hbm4b:s21+s1], $0x400, $0x38;
	[tilespmem:$0x8600] =	vst v63  }
0x50: {  	s22 =	rddreg [dreg:$0xe];
	s23 =	spop (v2sf)  }
0x51: {  	(v2sf) =	vpush v2, $0x8;
	[tilespmem:s20], [sflag:$0x1] =	stream.linear.gather [hbm4b:s23+s1], $0x400, $0x38;
	[tilespmem:$0x8600] =	vst v63  }
0x52: {  	s24 =	rddreg [dreg:$0xf];
	s25 =	spop (v2sf)  }
0x53: {  	(v2sf) =	vpush v3, $0x8;
	[tilespmem:s22], [sflag:$0x1] =	stream.linear.gather [hbm4b:s25+s1], $0x400, $0x38;
	[tilespmem:$0x8600] =	vst v63  }
0x54: {  	s26 =	rddreg [dreg:$0x10];
	s28 =	spop (v2sf)  }
0x55: {  	(v2sf) =	vpush v2, $0x9;
	[tilespmem:s24], [sflag:$0x1] =	stream.linear.gather [hbm4b:s28+s1], $0x400, $0x38;
	[tilespmem:$0x8600] =	vst v63  }
0x56: {  	s29 =	rddreg [dreg:$0x11];
	s30 =	spop (v2sf)  }
0x57: {  	(v2sf) =	vpush v3, $0x9;
	[tilespmem:s26], [sflag:$0x1] =	stream.linear.gather [hbm4b:s30+s1], $0x400, $0x38;
	[tilespmem:$0x8600] =	vst v63  }
0x58: {  	s31 =	rddreg [dreg:$0x12];
	s18 =	spop (v2sf)  }
0x59: {  	(v2sf) =	vpush v2, $0xA;
	[tilespmem:s29], [sflag:$0x1] =	stream.linear.gather [hbm4b:s18+s1], $0x400, $0x38;
	[tilespmem:$0x8600] =	vst v63  }
0x5a: {  	s19 =	rddreg [dreg:$0x13];
	s20 =	spop (v2sf)  }
0x5b: {  	(v2sf) =	vpush v3, $0xA;
	[tilespmem:s31], [sflag:$0x1] =	stream.linear.gather [hbm4b:s20+s1], $0x400, $0x38;
	[tilespmem:$0x8600] =	vst v63  }
0x5c: {  	s21 =	rddreg [dreg:$0x14];
	s22 =	spop (v2sf)  }
0x5d: {  	(v2sf) =	vpush v2, $0xB;
	[tilespmem:s19], [sflag:$0x1] =	stream.linear.gather [hbm4b:s22+s1], $0x400, $0x38;
	[tilespmem:$0x8600] =	vst v63  }
0x5e: {  	s23 =	rddreg [dreg:$0x15];
	s24 =	spop (v2sf)  }
0x5f: {  	(v2sf) =	vpush v3, $0xB;
	[tilespmem:s21], [sflag:$0x1] =	stream.linear.gather [hbm4b:s24+s1], $0x400, $0x38;
	[tilespmem:$0x8600] =	vst v63  }
0x60: {  	s25 =	rddreg [dreg:$0x16];
	s26 =	spop (v2sf)  }
0x61: {  	(v2sf) =	vpush v2, $0xC;
	[tilespmem:s23], [sflag:$0x1] =	stream.linear.gather [hbm4b:s26+s1], $0x400, $0x38;
	[tilespmem:$0x8600] =	vst v63  }
0x62: {  	s28 =	rddreg [dreg:$0x17];
	s29 =	spop (v2sf)  }
0x63: {  	(v2sf) =	vpush v3, $0xC;
	[tilespmem:s25], [sflag:$0x1] =	stream.linear.gather [hbm4b:s29+s1], $0x400, $0x38;
	[tilespmem:$0x8600] =	vst v63  }
0x64: {  	s30 =	rddreg [dreg:$0x18];
	s31 =	spop (v2sf)  }
0x65: {  	(v2sf) =	vpush v2, $0xD;
	[tilespmem:s28], [sflag:$0x1] =	stream.linear.gather [hbm4b:s31+s1], $0x400, $0x38;
	[tilespmem:$0x8600] =	vst v63  }
0x66: {  	s18 =	rddreg [dreg:$0x19];
	s19 =	spop (v2sf)  }
0x67: {  	(v2sf) =	vpush v3, $0xD;
	[tilespmem:s30], [sflag:$0x1] =	stream.linear.gather [hbm4b:s19+s1], $0x400, $0x38;
	[tilespmem:$0x8600] =	vst v63  }
0x68: {  	s20 =	rddreg [dreg:$0x1a];
	s21 =	spop (v2sf)  }
0x69: {  	(v2sf) =	vpush v2, $0xE;
	[tilespmem:s18], [sflag:$0x1] =	stream.linear.gather [hbm4b:s21+s1], $0x400, $0x38;
	[tilespmem:$0x8600] =	vst v63  }
0x6a: {  	s22 =	rddreg [dreg:$0x1b];
	s23 =	spop (v2sf)  }
0x6b: {  	(v2sf) =	vpush v3, $0xE;
	[tilespmem:s20], [sflag:$0x1] =	stream.linear.gather [hbm4b:s23+s1], $0x400, $0x38;
	[tilespmem:$0x8600] =	vst v63  }
0x6c: {  	s24 =	rddreg [dreg:$0x1c];
	s25 =	spop (v2sf)  }
0x6d: {  	(v2sf) =	vpush v2, $0xF;
	[tilespmem:s22], [sflag:$0x1] =	stream.linear.gather [hbm4b:s25+s1], $0x400, $0x38;
	[tilespmem:$0x8600] =	vst v63  }
0x6e: {  	s26 =	rddreg [dreg:$0x1d];
	s28 =	spop (v2sf)  }
0x6f: {  	(v2sf) =	vpush v3, $0xF;
	[tilespmem:s24], [sflag:$0x1] =	stream.linear.gather [hbm4b:s28+s1], $0x400, $0x38;
	[tilespmem:$0x8600] =	vst v63  }
0x70: {  	s29 =	rddreg [dreg:$0x1e];
	s30 =	spop (v2sf)  }
0x71: {  	[tilespmem:s26], [sflag:$0x1] =	stream.linear.gather [hbm4b:s30+s1], $0x400, $0x38;
	[tilespmem:$0x8600] =	vst v63  }
0x72: {  	s31 =	rddreg [dreg:$0x1f];
	s18 =	spop (v2sf)  }
0x73: {  	[tilespmem:s29], [sflag:$0x1] =	stream.linear.gather [hbm4b:s18+s1], $0x400, $0x38;
	[tilespmem:$0x8600] =	vst v63  }
0x74: {  	s19 =	sld [smem:$0x7F9];
	s20 =	spop (v2sf)  }
0x75: {  	[tilespmem:s31], [sflag:$0x1] =	stream.linear.gather [hbm4b:s20+s1], $0x400, $0x38;
	[tilespmem:$0x8600] =	vst v63  }
0x76: {  	s21 =	sld [smem:$0x7FA];
	s22 =	spop (v2sf)  }
0x77: {  	[tilespmem:s19], [sflag:$0x1] =	stream.linear.gather [hbm4b:s22+s1], $0x400, $0x38;
	[tilespmem:$0x8600] =	vst v63  }
0x78: {  	s23 =	sld [smem:$0x7FB];
	s24 =	spop (v2sf)  }
0x79: {  	[tilespmem:s21], [sflag:$0x1] =	stream.linear.gather [hbm4b:s24+s1], $0x400, $0x38;
	[tilespmem:$0x8600] =	vst v63  }
0x7a: {  	s25 =	sld [smem:$0x7FC];
	s26 =	spop (v2sf)  }
0x7b: {  	[tilespmem:s23], [sflag:$0x1] =	stream.linear.gather [hbm4b:s26+s1], $0x400, $0x38;
	[tilespmem:$0x8600] =	vst v63  }
0x7c: {  	s28 =	sld [smem:$0x7FD];
	s29 =	spop (v2sf)  }
0x7d: {  	[tilespmem:s25], [sflag:$0x1] =	stream.linear.gather [hbm4b:s29+s1], $0x400, $0x38;
	[tilespmem:$0x8600] =	vst v63  }
0x7e: {  	s30 =	spop (v2sf)  }
0x7f: {  	[tilespmem:s28], [sflag:$0x1] =	stream.linear.gather [hbm4b:s30+s1], $0x400, $0x38;
	[tilespmem:$0x8600] =	vst v63  }
0x80: {  	_ =	swait.ge [sflag:s11], $0x400  }
0x81: {  	[sflag:s11] =	ssyncset.done $0x0  }
0x82: {  	[sflag:s11] =	ssyncadd.s32 $0xFFFFFC00  }
0x83: {  	_ =	swait.ge [sflag:s11], $0x400  }
0x84: {  	[sflag:s11] =	ssyncset.done $0x0  }
0x85: {  	[sflag:s11] =	ssyncadd.s32 $0xFFFFFC00  }
0x86: {  	_ =	swait.ge [sflag:s11], $0x400  }
0x87: {  	[sflag:s11] =	ssyncset.done $0x0  }
0x88: {  	[sflag:s11] =	ssyncadd.s32 $0xFFFFFC00  }
0x89: {  	_ =	swait.ge [sflag:s11], $0x400  }
0x8a: {  	[sflag:s11] =	ssyncset.done $0x0  }
0x8b: {  	[sflag:s11] =	ssyncadd.s32 $0xFFFFFC00  }
0x8c: {  	_ =	swait.ge [sflag:s11], $0x400  }
0x8d: {  	[sflag:s11] =	ssyncset.done $0x0  }
0x8e: {  	[sflag:s11] =	ssyncadd.s32 $0xFFFFFC00  }
0x8f: {  	_ =	swait.ge [sflag:s11], $0x400  }
0x90: {  	[sflag:s11] =	ssyncset.done $0x0  }
0x91: {  	[sflag:s11] =	ssyncadd.s32 $0xFFFFFC00  }
0x92: {  	_ =	swait.ge [sflag:s11], $0x400  }
0x93: {  	[sflag:s11] =	ssyncset.done $0x0  }
0x94: {  	[sflag:s11] =	ssyncadd.s32 $0xFFFFFC00  }
0x95: {  	_ =	swait.ge [sflag:s11], $0x400  }
0x96: {  	[sflag:s11] =	ssyncset.done $0x0  }
0x97: {  	[sflag:s11] =	ssyncadd.s32 $0xFFFFFC00  }
0x98: {  	_ =	swait.ge [sflag:s11], $0x400  }
0x99: {  	[sflag:s11] =	ssyncset.done $0x0  }
0x9a: {  	[sflag:s11] =	ssyncadd.s32 $0xFFFFFC00  }
0x9b: {  	_ =	swait.ge [sflag:s11], $0x400  }
0x9c: {  	[sflag:s11] =	ssyncset.done $0x0  }
0x9d: {  	[sflag:s11] =	ssyncadd.s32 $0xFFFFFC00  }
0x9e: {  	_ =	swait.ge [sflag:s11], $0x400  }
0x9f: {  	[sflag:s11] =	ssyncset.done $0x0  }
0xa0: {  	[sflag:s11] =	ssyncadd.s32 $0xFFFFFC00  }
0xa1: {  	_ =	swait.ge [sflag:s11], $0x400  }
0xa2: {  	[sflag:s11] =	ssyncset.done $0x0  }
0xa3: {  	[sflag:s11] =	ssyncadd.s32 $0xFFFFFC00  }
0xa4: {  	_ =	swait.ge [sflag:s11], $0x400  }
0xa5: {  	[sflag:s11] =	ssyncset.done $0x0  }
0xa6: {  	[sflag:s11] =	ssyncadd.s32 $0xFFFFFC00  }
0xa7: {  	_ =	swait.ge [sflag:s11], $0x400  }
0xa8: {  	[sflag:s11] =	ssyncset.done $0x0  }
0xa9: {  	[sflag:s11] =	ssyncadd.s32 $0xFFFFFC00  }
0xaa: {  	_ =	swait.ge [sflag:s11], $0x400  }
0xab: {  	[sflag:s11] =	ssyncset.done $0x0  }
0xac: {  	[sflag:s11] =	ssyncadd.s32 $0xFFFFFC00  }
0xad: {  	_ =	swait.ge [sflag:s11], $0x400  }
0xae: {  	[sflag:s11] =	ssyncset.done $0x0  }
0xaf: {  	[sflag:s11] =	ssyncadd.s32 $0xFFFFFC00  }
0xb0: {  	_ =	swait.ge [sflag:s11], $0x400  }
0xb1: {  	[sflag:s11] =	ssyncset.done $0x0  }
0xb2: {  	[sflag:s11] =	ssyncadd.s32 $0xFFFFFC00  }
0xb3: {  	_ =	swait.ge [sflag:s11], $0x400  }
0xb4: {  	[sflag:s11] =	ssyncset.done $0x0  }
0xb5: {  	[sflag:s11] =	ssyncadd.s32 $0xFFFFFC00  }
0xb6: {  	_ =	swait.ge [sflag:s11], $0x400  }
0xb7: {  	[sflag:s11] =	ssyncset.done $0x0  }
0xb8: {  	[sflag:s11] =	ssyncadd.s32 $0xFFFFFC00  }
0xb9: {  	_ =	swait.ge [sflag:s11], $0x400  }
0xba: {  	[sflag:s11] =	ssyncset.done $0x0  }
0xbb: {  	[sflag:s11] =	ssyncadd.s32 $0xFFFFFC00  }
0xbc: {  	_ =	swait.ge [sflag:s11], $0x400  }
0xbd: {  	[sflag:s11] =	ssyncset.done $0x0  }
0xbe: {  	[sflag:s11] =	ssyncadd.s32 $0xFFFFFC00  }
0xbf: {  	_ =	swait.ge [sflag:s11], $0x400  }
0xc0: {  	[sflag:s11] =	ssyncset.done $0x0  }
0xc1: {  	[sflag:s11] =	ssyncadd.s32 $0xFFFFFC00  }
0xc2: {  	_ =	swait.ge [sflag:s11], $0x400  }
0xc3: {  	[sflag:s11] =	ssyncset.done $0x0  }
0xc4: {  	[sflag:s11] =	ssyncadd.s32 $0xFFFFFC00  }
0xc5: {  	_ =	swait.ge [sflag:s11], $0x400  }
0xc6: {  	[sflag:s11] =	ssyncset.done $0x0  }
0xc7: {  	[sflag:s11] =	ssyncadd.s32 $0xFFFFFC00  }
0xc8: {  	_ =	swait.ge [sflag:s11], $0x400  }
0xc9: {  	[sflag:s11] =	ssyncset.done $0x0  }
0xca: {  	[sflag:s11] =	ssyncadd.s32 $0xFFFFFC00  }
0xcb: {  	_ =	swait.ge [sflag:s11], $0x400  }
0xcc: {  	[sflag:s11] =	ssyncset.done $0x0  }
0xcd: {  	[sflag:s11] =	ssyncadd.s32 $0xFFFFFC00  }
0xce: {  	_ =	swait.ge [sflag:s11], $0x400  }
0xcf: {  	[sflag:s11] =	ssyncset.done $0x0  }
0xd0: {  	[sflag:s11] =	ssyncadd.s32 $0xFFFFFC00  }
0xd1: {  	_ =	swait.ge [sflag:s11], $0x400  }
0xd2: {  	[sflag:s11] =	ssyncset.done $0x0  }
0xd3: {  	[sflag:s11] =	ssyncadd.s32 $0xFFFFFC00  }
0xd4: {  	_ =	swait.ge [sflag:s11], $0x400  }
0xd5: {  	[sflag:s11] =	ssyncset.done $0x0  }
0xd6: {  	[sflag:s11] =	ssyncadd.s32 $0xFFFFFC00  }
0xd7: {  	_ =	swait.ge [sflag:s11], $0x400  }
0xd8: {  	[sflag:s11] =	ssyncset.done $0x0  }
0xd9: {  	[sflag:s11] =	ssyncadd.s32 $0xFFFFFC00  }
0xda: {  	_ =	swait.ge [sflag:s11], $0x400  }
0xdb: {  	v3 =	vld [tilespmem:$0x1FEE0];
	_ =	sdelay $0x1  }
0xdc: {  	[sflag:s11] =	ssyncset.done $0x0  }
0xdd: {  	v1 =	vshll.u32 v1, $0x7;
	[sflag:s11] =	ssyncadd.s32 $0xFFFFFC00  }
0xde: {  	v1 =	vand.u32 $0x380, v1;
	_ =	swait.ge [sflag:s11], $0x400  }
0xdf: {  	v5 =	vld [tilespmem:$0x1FFF0];
	v2 =	vor.u32 v3, v1  }
0xe0: {  	v6 =	vld [tilespmem:$0x1FEF0]  }
0xe1: {  	v0 =	vshll.u32 v0, $0x7  }
0xe2: {  	v0 =	vand.u32 $0x380, v0;
	[sflag:s11] =	ssyncset.done $0x0  }
0xe3: {  	[sflag:s11] =	ssyncadd.s32 $0xFFFFFC00;
	v3 =	vor.u32 v3, v0  }
0xe4: {  	v4 =	vor.u32 v5, v1;
	v8 =	vld.idx.msk [tilespmem:v2+s9+$0x0], $0xffff  }
0xe5: {  	v7 =	vor.u32 v5, v0;
	v5 =	vor.u32 v6, v1;
	v2 =	vor.u32 v6, v0;
	v6 =	vld [tilespmem:$0x1FF00];
	_ =	sdelay $0x2  }
0xe6: {  	v9 =	vld.idx.msk [tilespmem:v3+s10+$0x0], $0xffff  }
0xe7: {  	v11 =	vld.idx.msk [tilespmem:v4+s9+$0x0], $0xffff  }
0xe8: {  	v3 =	vor.u32 v6, v1;
	v4 =	vor.u32 v6, v0;
	v6 =	vld [tilespmem:$0x1FF10]  }
0xe9: {  	v15 =	vld.idx.msk [tilespmem:v2+s10+$0x0], $0xffff  }
0xea: {  	v2 =	vld [tilespmem:$0x1FF20];
	_ =	sdelay $0x2  }
0xeb: {  	v12 =	vld.idx.msk [tilespmem:v7+s10+$0x0], $0xffff  }
0xec: {  	v13 =	vld.idx.msk [tilespmem:v5+s9+$0x0], $0xffff;
	v7 =	vor.u32 v6, v1  }
0xed: {  	v5 =	vor.u32 v6, v0;
	v17 =	vor.u32 v2, v1;
	v6 =	vor.u32 v2, v0;
	v2 =	vld [tilespmem:$0x1FF30];
	_ =	sdelay $0x1  }
0xee: {  	v10 =	vld.idx.msk [tilespmem:v3+s9+$0x0], $0xffff  }
0xef: {  	v14 =	vld.idx.msk [tilespmem:v4+s10+$0x0], $0xffff  }
0xf0: {  	v4 =	vld [tilespmem:$0x1FF40]  }
0xf1: {  	v3 =	vor.u32 v2, v1;
	v16 =	vor.u32 v2, v0;
	v2 =	vmul.f32 v12, v11;
	v12 =	vld.idx.msk [tilespmem:v6+s10+$0x0], $0xffff  }
0xf2: {  	v6 =	vld [tilespmem:$0x1FF50];
	_ =	sdelay $0x3  }
0xf3: {  	v11 =	vld.idx.msk [tilespmem:v5+s10+$0x0], $0xffff;
	v5 =	vor.u32 v4, v1;
	[tilespmem:$0x1FE40] =	vst v3  }
0xf4: {  	v3 =	vmul.f32 v9, v8;
	v8 =	vld.idx.msk [tilespmem:v17+s9+$0x0], $0xffff;
	v17 =	vor.u32 v4, v0;
	v4 =	vor.u32 v6, v1  }
0xf5: {  	[tilespmem:$0x1FE50] =	vst v4;
	v4 =	vmul.f32 v15, v13;
	v15 =	vld [tilespmem:$0x1FE40];
	_ =	sdelay $0x7  }
0xf6: {  	v9 =	vld.idx.msk [tilespmem:v15+s9+$0x0], $0xffff  }
0xf7: {  	v15 =	vor.u32 v6, v0;
	v6 =	vld [tilespmem:$0x1FF60]  }
0xf8: {  	v2 =	vadd.f32 $0.0e+00, v2;
	_ =	sdelay $0x1  }
0xf9: {  	v2 =	vadd.f32 v3, v2;
	v3 =	vmul.f32 v14, v10;
	v10 =	vld.idx.msk [tilespmem:v5+s9+$0x0], $0xffff  }
0xfa: {  	v13 =	vld.idx.msk [tilespmem:v16+s10+$0x0], $0xffff  }
0xfb: {  	v16 =	vor.u32 v6, v1;
	v5 =	vor.u32 v6, v0;
	v6 =	vld [tilespmem:$0x1FF70];
	_ =	sdelay $0x3  }
0xfc: {  	v7 =	vld.idx.msk [tilespmem:v7+s9+$0x0], $0xffff  }
0xfd: {  	v14 =	vld.idx.msk [tilespmem:v17+s10+$0x0], $0xffff;
	v17 =	vor.u32 v6, v1;
	v6 =	vor.u32 v6, v0  }
0xfe: {  	[tilespmem:$0x1FE60] =	vst v6;
	v6 =	vld [tilespmem:$0x1FF80]  }
0xff: {  	v2 =	vadd.f32 v4, v2;
	_ =	sdelay $0x1  }
0x100: {  	v4 =	vmul.f32 v11, v7;
	v2 =	vadd.f32 v3, v2;
	v11 =	vld.idx.msk [tilespmem:v15+s10+$0x0], $0xffff  }
0x101: {  	v3 =	vmul.f32 v12, v8;
	v8 =	vld.idx.msk [tilespmem:v16+s9+$0x0], $0xffff  }
0x102: {  	v2 =	vadd.f32 v4, v2;
	v15 =	vor.u32 v6, v1;
	v16 =	vor.u32 v6, v0;
	v6 =	vld [tilespmem:$0x1FF90]  }
0x103: {  	v7 =	vld [tilespmem:$0x1FE50]  }
0x104: {  	v2 =	vadd.f32 v3, v2;
	v3 =	vld [tilespmem:$0x1FE60]  }
0x105: {  	v12 =	vld.idx.msk [tilespmem:v5+s10+$0x0], $0xffff  }
0x106: {  	v4 =	vmul.f32 v13, v9;
	v9 =	vld.idx.msk [tilespmem:v17+s9+$0x0], $0xffff  }
0x107: {  	v5 =	vor.u32 v6, v1;
	v17 =	vor.u32 v6, v0;
	v6 =	vld [tilespmem:$0x1FFA0];
	_ =	sdelay $0x3  }
0x108: {  	v7 =	vld.idx.msk [tilespmem:v7+s9+$0x0], $0xffff  }
0x109: {  	v13 =	vld.idx.msk [tilespmem:v3+s10+$0x0], $0xffff;
	v3 =	vor.u32 v6, v1  }
0x10a: {  	[tilespmem:$0x1FE70] =	vst v3;
	v3 =	vmul.f32 v14, v10;
	v10 =	vld.idx.msk [tilespmem:v15+s9+$0x0], $0xffff  }
0x10b: {  	v15 =	vor.u32 v6, v0;
	v6 =	vld [tilespmem:$0x1FFB0];
	_ =	sdelay $0x2  }
0x10c: {  	v2 =	vadd.f32 v4, v2;
	v4 =	vmul.f32 v11, v7;
	v7 =	vld.idx.msk [tilespmem:v5+s9+$0x0], $0xffff  }
0x10d: {  	v14 =	vld.idx.msk [tilespmem:v16+s10+$0x0], $0xffff  }
0x10e: {  	v16 =	vor.u32 v6, v1;
	v5 =	vor.u32 v6, v0;
	v6 =	vld [tilespmem:$0x1FFC0]  }
0x10f: {  	v2 =	vadd.f32 v3, v2;
	_ =	sdelay $0x1  }
0x110: {  	v3 =	vmul.f32 v12, v8;
	v2 =	vadd.f32 v4, v2  }
0x111: {  	v4 =	vmul.f32 v13, v9  }
0x112: {  	v11 =	vld.idx.msk [tilespmem:v17+s10+$0x0], $0xffff;
	v2 =	vadd.f32 v3, v2;
	v17 =	vor.u32 v6, v1;
	v6 =	vor.u32 v6, v0  }
0x113: {  	[tilespmem:$0x1FE80] =	vst v6  }
0x114: {  	v2 =	vadd.f32 v4, v2;
	v4 =	vld [tilespmem:$0x1FE80]  }
0x115: {  	v12 =	vld [tilespmem:$0x1FE70];
	_ =	sdelay $0x3  }
0x116: {  	v9 =	vld.idx.msk [tilespmem:v16+s9+$0x0], $0xffff  }
0x117: {  	v13 =	vld.idx.msk [tilespmem:v5+s10+$0x0], $0xffff  }
0x118: {  	v3 =	vmul.f32 v14, v10;
	v6 =	vld [tilespmem:$0x1FFD0]  }
0x119: {  	v14 =	vld.idx.msk [tilespmem:v4+s10+$0x0], $0xffff;
	v4 =	vor.u32 v18, v1  }
0x11a: {  	v8 =	vld.idx.msk [tilespmem:v12+s9+$0x0], $0xffff;
	v2 =	vadd.f32 v3, v2;
	[tilespmem:$0x1FE90] =	vst v4;
	v4 =	vmul.f32 v11, v7  }
0x11b: {  	v12 =	vld.idx.msk [tilespmem:v15+s10+$0x0], $0xffff  }
0x11c: {  	v2 =	vadd.f32 v4, v2;
	v4 =	vmul.f32 v13, v9;
	v13 =	vld [tilespmem:$0x1FE90];
	_ =	sdelay $0x1  }
0x11d: {  	v15 =	vor.u32 v6, v1;
	v16 =	vor.u32 v6, v0;
	v6 =	vld [tilespmem:$0x1FFE0]  }
0x11e: {  	v10 =	vld.idx.msk [tilespmem:v17+s9+$0x0], $0xffff  }
0x11f: {  	v3 =	vmul.f32 v12, v8;
	_ =	sdelay $0x1  }
0x120: {  	v2 =	vadd.f32 v3, v2  }
0x121: {  	v5 =	vor.u32 v6, v1;
	v17 =	vor.u32 v6, v0  }
0x122: {  	v3 =	vmul.f32 v14, v10;
	v2 =	vadd.f32 v4, v2;
	v8 =	vld.idx.msk [tilespmem:v13+s9+$0x0], $0xffff;
	v13 =	vor.u32 v20, v0  }
0x123: {  	v6 =	vld.idx.msk [tilespmem:v15+s9+$0x0], $0xffff;
	[tilespmem:$0x1FEA0] =	vst v13  }
0x124: {  	v15 =	vor.u32 v18, v0;
	v2 =	vadd.f32 v3, v2;
	v3 =	vld [tilespmem:$0x1FEA0]  }
0x125: {  	v11 =	vld.idx.msk [tilespmem:v16+s10+$0x0], $0xffff;
	v16 =	vor.u32 v19, v1  }
0x126: {  	v7 =	vld.idx.msk [tilespmem:v5+s9+$0x0], $0xffff;
	v5 =	vor.u32 v19, v0  }
0x127: {  	v12 =	vld.idx.msk [tilespmem:v17+s10+$0x0], $0xffff  }
0x128: {  	v17 =	vor.u32 v20, v1  }
0x129: {  	v13 =	vld.idx.msk [tilespmem:v15+s10+$0x0], $0xffff;
	v15 =	vor.u32 v21, v1  }
0x12a: {  	v14 =	vor.u32 v21, v0;
	v9 =	vld.idx.msk [tilespmem:v16+s9+$0x0], $0xffff;
	v4 =	vmul.f32 v11, v6  }
0x12b: {  	v10 =	vld.idx.msk [tilespmem:v5+s10+$0x0], $0xffff;
	v5 =	vor.u32 v22, v1  }
0x12c: {  	v16 =	vor.u32 v22, v0;
	v2 =	vadd.f32 v4, v2;
	v11 =	vld.idx.msk [tilespmem:v3+s10+$0x0], $0xffff;
	v3 =	vmul.f32 v12, v7  }
0x12d: {  	v6 =	vld.idx.msk [tilespmem:v17+s9+$0x0], $0xffff;
	v17 =	vor.u32 v23, v1  }
0x12e: {  	v4 =	vmul.f32 v13, v8;
	v7 =	vld.idx.msk [tilespmem:v15+s9+$0x0], $0xffff;
	v15 =	vor.u32 v23, v0;
	v2 =	vadd.f32 v3, v2  }
0x12f: {  	v12 =	vld.idx.msk [tilespmem:v14+s10+$0x0], $0xffff;
	v14 =	vor.u32 v24, v1  }
0x130: {  	v8 =	vld.idx.msk [tilespmem:v5+s9+$0x0], $0xffff;
	v5 =	vor.u32 v24, v0;
	v3 =	vmul.f32 v10, v9;
	v2 =	vadd.f32 v4, v2  }
0x131: {  	v13 =	vld.idx.msk [tilespmem:v16+s10+$0x0], $0xffff;
	v16 =	vor.u32 v25, v1  }
0x132: {  	v9 =	vld.idx.msk [tilespmem:v17+s9+$0x0], $0xffff;
	v17 =	vor.u32 v25, v0;
	v4 =	vmul.f32 v11, v6;
	v2 =	vadd.f32 v3, v2  }
0x133: {  	v10 =	vld.idx.msk [tilespmem:v15+s10+$0x0], $0xffff;
	v15 =	vor.u32 v26, v1  }
0x134: {  	v6 =	vld.idx.msk [tilespmem:v14+s9+$0x0], $0xffff;
	v14 =	vor.u32 v26, v0;
	v3 =	vmul.f32 v12, v7;
	v2 =	vadd.f32 v4, v2  }
0x135: {  	v11 =	vld.idx.msk [tilespmem:v5+s10+$0x0], $0xffff;
	v5 =	vor.u32 v27, v1  }
0x136: {  	v7 =	vld.idx.msk [tilespmem:v16+s9+$0x0], $0xffff;
	v16 =	vor.u32 v27, v0;
	v4 =	vmul.f32 v13, v8;
	v2 =	vadd.f32 v3, v2  }
0x137: {  	v12 =	vld.idx.msk [tilespmem:v17+s10+$0x0], $0xffff;
	v17 =	vor.u32 v28, v1  }
0x138: {  	v8 =	vld.idx.msk [tilespmem:v15+s9+$0x0], $0xffff;
	v15 =	vor.u32 v28, v0;
	v3 =	vmul.f32 v10, v9;
	v2 =	vadd.f32 v4, v2  }
0x139: {  	v13 =	vld.idx.msk [tilespmem:v14+s10+$0x0], $0xffff;
	v14 =	vor.u32 v29, v1  }
0x13a: {  	v9 =	vld.idx.msk [tilespmem:v5+s9+$0x0], $0xffff;
	v5 =	vor.u32 v29, v0;
	v4 =	vmul.f32 v11, v6;
	v2 =	vadd.f32 v3, v2  }
0x13b: {  	v10 =	vld.idx.msk [tilespmem:v16+s10+$0x0], $0xffff;
	v16 =	vor.u32 v30, v1  }
0x13c: {  	v6 =	vld.idx.msk [tilespmem:v17+s9+$0x0], $0xffff;
	v17 =	vor.u32 v30, v0;
	v3 =	vmul.f32 v12, v7;
	v2 =	vadd.f32 v4, v2  }
0x13d: {  	v11 =	vld.idx.msk [tilespmem:v15+s10+$0x0], $0xffff;
	v15 =	vor.u32 v31, v1  }
0x13e: {  	v7 =	vld.idx.msk [tilespmem:v14+s9+$0x0], $0xffff;
	v14 =	vor.u32 v31, v0;
	v4 =	vmul.f32 v13, v8;
	v2 =	vadd.f32 v3, v2  }
0x13f: {  	v12 =	vld.idx.msk [tilespmem:v5+s10+$0x0], $0xffff;
	v5 =	vor.u32 v32, v1  }
0x140: {  	v8 =	vld.idx.msk [tilespmem:v16+s9+$0x0], $0xffff;
	v16 =	vor.u32 v32, v0;
	v3 =	vmul.f32 v10, v9;
	v2 =	vadd.f32 v4, v2  }
0x141: {  	v13 =	vld.idx.msk [tilespmem:v17+s10+$0x0], $0xffff;
	v17 =	vor.u32 v33, v1  }
0x142: {  	v9 =	vld.idx.msk [tilespmem:v15+s9+$0x0], $0xffff;
	v15 =	vor.u32 v33, v0;
	v4 =	vmul.f32 v11, v6;
	v2 =	vadd.f32 v3, v2  }
0x143: {  	v10 =	vld.idx.msk [tilespmem:v14+s10+$0x0], $0xffff;
	v14 =	vor.u32 v34, v1  }
0x144: {  	v6 =	vld.idx.msk [tilespmem:v5+s9+$0x0], $0xffff;
	v5 =	vor.u32 v34, v0;
	v3 =	vmul.f32 v12, v7;
	v2 =	vadd.f32 v4, v2  }
0x145: {  	v11 =	vld.idx.msk [tilespmem:v16+s10+$0x0], $0xffff;
	v16 =	vor.u32 v35, v1  }
0x146: {  	v7 =	vld.idx.msk [tilespmem:v17+s9+$0x0], $0xffff;
	v17 =	vor.u32 v35, v0;
	v4 =	vmul.f32 v13, v8;
	v2 =	vadd.f32 v3, v2  }
0x147: {  	v12 =	vld.idx.msk [tilespmem:v15+s10+$0x0], $0xffff;
	v15 =	vor.u32 v36, v1  }
0x148: {  	v8 =	vld.idx.msk [tilespmem:v14+s9+$0x0], $0xffff;
	v14 =	vor.u32 v36, v0;
	v3 =	vmul.f32 v10, v9;
	v2 =	vadd.f32 v4, v2  }
0x149: {  	v13 =	vld.idx.msk [tilespmem:v5+s10+$0x0], $0xffff;
	v5 =	vor.u32 v37, v1  }
0x14a: {  	v9 =	vld.idx.msk [tilespmem:v16+s9+$0x0], $0xffff;
	v16 =	vor.u32 v37, v0;
	v4 =	vmul.f32 v11, v6;
	v2 =	vadd.f32 v3, v2  }
0x14b: {  	v10 =	vld.idx.msk [tilespmem:v17+s10+$0x0], $0xffff;
	v17 =	vor.u32 v38, v1  }
0x14c: {  	v6 =	vld.idx.msk [tilespmem:v15+s9+$0x0], $0xffff;
	v15 =	vor.u32 v38, v0;
	v3 =	vmul.f32 v12, v7;
	v2 =	vadd.f32 v4, v2  }
0x14d: {  	v11 =	vld.idx.msk [tilespmem:v14+s10+$0x0], $0xffff;
	v14 =	vor.u32 v39, v1  }
0x14e: {  	v7 =	vld.idx.msk [tilespmem:v5+s9+$0x0], $0xffff;
	v5 =	vor.u32 v39, v0;
	v4 =	vmul.f32 v13, v8;
	v2 =	vadd.f32 v3, v2  }
0x14f: {  	v12 =	vld.idx.msk [tilespmem:v16+s10+$0x0], $0xffff;
	v16 =	vor.u32 v40, v1  }
0x150: {  	v8 =	vld.idx.msk [tilespmem:v17+s9+$0x0], $0xffff;
	v17 =	vor.u32 v40, v0;
	v3 =	vmul.f32 v10, v9;
	v2 =	vadd.f32 v4, v2  }
0x151: {  	v13 =	vld.idx.msk [tilespmem:v15+s10+$0x0], $0xffff;
	v15 =	vor.u32 v41, v1  }
0x152: {  	v9 =	vld.idx.msk [tilespmem:v14+s9+$0x0], $0xffff;
	v14 =	vor.u32 v41, v0;
	v4 =	vmul.f32 v11, v6;
	v2 =	vadd.f32 v3, v2  }
0x153: {  	v10 =	vld.idx.msk [tilespmem:v5+s10+$0x0], $0xffff;
	v5 =	vor.u32 v42, v1  }
0x154: {  	v6 =	vld.idx.msk [tilespmem:v16+s9+$0x0], $0xffff;
	v16 =	vor.u32 v42, v0;
	v3 =	vmul.f32 v12, v7;
	v2 =	vadd.f32 v4, v2  }
0x155: {  	v11 =	vld.idx.msk [tilespmem:v17+s10+$0x0], $0xffff;
	v17 =	vor.u32 v43, v1  }
0x156: {  	v7 =	vld.idx.msk [tilespmem:v15+s9+$0x0], $0xffff;
	v15 =	vor.u32 v43, v0;
	v4 =	vmul.f32 v13, v8;
	v2 =	vadd.f32 v3, v2  }
0x157: {  	v12 =	vld.idx.msk [tilespmem:v14+s10+$0x0], $0xffff;
	v14 =	vor.u32 v44, v1  }
0x158: {  	v8 =	vld.idx.msk [tilespmem:v5+s9+$0x0], $0xffff;
	v5 =	vor.u32 v44, v0;
	v3 =	vmul.f32 v10, v9;
	v2 =	vadd.f32 v4, v2  }
0x159: {  	v13 =	vld.idx.msk [tilespmem:v16+s10+$0x0], $0xffff;
	v16 =	vor.u32 v45, v1  }
0x15a: {  	v9 =	vld.idx.msk [tilespmem:v17+s9+$0x0], $0xffff;
	v17 =	vor.u32 v45, v0;
	v4 =	vmul.f32 v11, v6;
	v2 =	vadd.f32 v3, v2  }
0x15b: {  	v10 =	vld.idx.msk [tilespmem:v15+s10+$0x0], $0xffff;
	v15 =	vor.u32 v46, v1  }
0x15c: {  	v6 =	vld.idx.msk [tilespmem:v14+s9+$0x0], $0xffff;
	v14 =	vor.u32 v46, v0;
	v3 =	vmul.f32 v12, v7;
	v2 =	vadd.f32 v4, v2  }
0x15d: {  	v11 =	vld.idx.msk [tilespmem:v5+s10+$0x0], $0xffff;
	v5 =	vor.u32 v47, v1  }
0x15e: {  	v7 =	vld.idx.msk [tilespmem:v16+s9+$0x0], $0xffff;
	v16 =	vor.u32 v47, v0;
	v4 =	vmul.f32 v13, v8;
	v2 =	vadd.f32 v3, v2  }
0x15f: {  	v12 =	vld.idx.msk [tilespmem:v17+s10+$0x0], $0xffff;
	v17 =	vor.u32 v48, v1  }
0x160: {  	v8 =	vld.idx.msk [tilespmem:v15+s9+$0x0], $0xffff;
	v15 =	vor.u32 v48, v0;
	v3 =	vmul.f32 v10, v9;
	v2 =	vadd.f32 v4, v2  }
0x161: {  	v13 =	vld.idx.msk [tilespmem:v14+s10+$0x0], $0xffff;
	v14 =	vor.u32 v49, v1  }
0x162: {  	v9 =	vld.idx.msk [tilespmem:v5+s9+$0x0], $0xffff;
	v5 =	vor.u32 v49, v0;
	v4 =	vmul.f32 v11, v6;
	v2 =	vadd.f32 v3, v2  }
0x163: {  	v10 =	vld.idx.msk [tilespmem:v16+s10+$0x0], $0xffff;
	v16 =	vor.u32 v50, v1  }
0x164: {  	v6 =	vld.idx.msk [tilespmem:v17+s9+$0x0], $0xffff;
	v17 =	vor.u32 v50, v0;
	v3 =	vmul.f32 v12, v7;
	v2 =	vadd.f32 v4, v2  }
0x165: {  	v11 =	vld.idx.msk [tilespmem:v15+s10+$0x0], $0xffff;
	v15 =	vor.u32 v51, v1  }
0x166: {  	v7 =	vld.idx.msk [tilespmem:v14+s9+$0x0], $0xffff;
	v14 =	vor.u32 v51, v0;
	v4 =	vmul.f32 v13, v8;
	v2 =	vadd.f32 v3, v2  }
0x167: {  	v12 =	vld.idx.msk [tilespmem:v5+s10+$0x0], $0xffff;
	v5 =	vor.u32 v52, v1  }
0x168: {  	v8 =	vld.idx.msk [tilespmem:v16+s9+$0x0], $0xffff;
	v16 =	vor.u32 v52, v0;
	v3 =	vmul.f32 v10, v9;
	v2 =	vadd.f32 v4, v2  }
0x169: {  	v13 =	vld.idx.msk [tilespmem:v17+s10+$0x0], $0xffff;
	v17 =	vor.u32 v53, v1  }
0x16a: {  	v9 =	vld.idx.msk [tilespmem:v15+s9+$0x0], $0xffff;
	v15 =	vor.u32 v53, v0;
	v4 =	vmul.f32 v11, v6;
	v2 =	vadd.f32 v3, v2  }
0x16b: {  	v10 =	vld.idx.msk [tilespmem:v14+s10+$0x0], $0xffff  }
0x16c: {  	v6 =	vld.idx.msk [tilespmem:v5+s9+$0x0], $0xffff;
	v3 =	vmul.f32 v12, v7;
	v2 =	vadd.f32 v4, v2  }
0x16d: {  	v11 =	vld.idx.msk [tilespmem:v16+s10+$0x0], $0xffff  }
0x16e: {  	v7 =	vld.idx.msk [tilespmem:v17+s9+$0x0], $0xffff;
	v4 =	vmul.f32 v13, v8;
	v2 =	vadd.f32 v3, v2  }
0x16f: {  	v12 =	vld.idx.msk [tilespmem:v15+s10+$0x0], $0xffff  }
0x170: {  	v3 =	vmul.f32 v10, v9;
	v2 =	vadd.f32 v4, v2;
	_ =	sdelay $0x1  }
0x171: {  	v5 =	vor.u32 v54, v0;
	v4 =	vmul.f32 v11, v6;
	v2 =	vadd.f32 v3, v2  }
0x172: {  	v16 =	vor.u32 v55, v1;
	v3 =	vor.u32 v59, v1  }
0x173: {  	v17 =	vor.u32 v55, v0;
	[tilespmem:$0x1FEB0] =	vst v3;
	v3 =	vmul.f32 v12, v7;
	v2 =	vadd.f32 v4, v2;
	_ =	sdelay $0x1  }
0x174: {  	v2 =	vadd.f32 v3, v2;
	v3 =	vld [tilespmem:$0x1FEB0]  }
0x175: {  	v14 =	vor.u32 v54, v1;
	v13 =	vld.idx.msk [tilespmem:v5+s10+$0x0], $0xffff  }
0x176: {  	v5 =	vor.u32 v57, v1;
	v9 =	vld.idx.msk [tilespmem:v16+s9+$0x0], $0xffff  }
0x177: {  	v10 =	vld.idx.msk [tilespmem:v17+s10+$0x0], $0xffff;
	_ =	sdelay $0x2  }
0x178: {  	v15 =	vor.u32 v56, v1;
	v8 =	vld.idx.msk [tilespmem:v14+s9+$0x0], $0xffff  }
0x179: {  	v14 =	vor.u32 v56, v0;
	v7 =	vld.idx.msk [tilespmem:v5+s9+$0x0], $0xffff;
	v5 =	vor.u32 v59, v0  }
0x17a: {  	[tilespmem:$0x1FEC0] =	vst v5;
	v4 =	vmul.f32 v10, v9;
	v9 =	vld.idx.msk [tilespmem:v3+s9+$0x0], $0xffff;
	v3 =	vor.u32 v61, v0  }
0x17b: {  	[tilespmem:$0x1FED0] =	vst v3;
	v3 =	vld [tilespmem:$0x1FEC0]  }
0x17c: {  	v17 =	vor.u32 v58, v1  }
0x17d: {  	v6 =	vld.idx.msk [tilespmem:v15+s9+$0x0], $0xffff;
	v15 =	vor.u32 v58, v0  }
0x17e: {  	v11 =	vld.idx.msk [tilespmem:v14+s10+$0x0], $0xffff  }
0x17f: {  	v16 =	vor.u32 v57, v0;
	v5 =	vmul.f32 v13, v8;
	_ =	sdelay $0x1  }
0x180: {  	v8 =	vld.idx.msk [tilespmem:v17+s9+$0x0], $0xffff;
	v2 =	vadd.f32 v5, v2  }
0x181: {  	v13 =	vld.idx.msk [tilespmem:v15+s10+$0x0], $0xffff  }
0x182: {  	v15 =	vor.u32 v62, v1;
	v2 =	vadd.f32 v4, v2;
	v10 =	vld.idx.msk [tilespmem:v3+s10+$0x0], $0xffff;
	v3 =	vmul.f32 v11, v6  }
0x183: {  	v12 =	vld.idx.msk [tilespmem:v16+s10+$0x0], $0xffff;
	v16 =	vor.u32 v60, v1  }
0x184: {  	v4 =	vor.u32 v62, v0;
	v2 =	vadd.f32 v3, v2;
	v3 =	vld [tilespmem:$0x1FED0]  }
0x185: {  	v17 =	vor.u32 v60, v0  }
0x186: {  	v14 =	vor.u32 v61, v1  }
0x187: {  	v5 =	vor.u32 v63, v0;
	v0 =	vmul.f32 v13, v8;
	v8 =	vld.idx.msk [tilespmem:v15+s9+$0x0], $0xffff  }
0x188: {  	v6 =	vld.idx.msk [tilespmem:v16+s9+$0x0], $0xffff;
	v16 =	vor.u32 v63, v1  }
0x189: {  	v13 =	vld.idx.msk [tilespmem:v4+s10+$0x0], $0xffff;
	v1 =	vmul.f32 v12, v7  }
0x18a: {  	v11 =	vld.idx.msk [tilespmem:v17+s10+$0x0], $0xffff  }
0x18b: {  	v7 =	vld.idx.msk [tilespmem:v14+s9+$0x0], $0xffff;
	v1 =	vadd.f32 v1, v2  }
0x18c: {  	v12 =	vld.idx.msk [tilespmem:v3+s10+$0x0], $0xffff  }
0x18d: {  	s17 =	simm.s32 $0x10;
	v15 =	vld.idx.msk [tilespmem:v16+s9+$0x0], $0xffff;
	v1 =	vadd.f32 v0, v1;
	v3 =	vmul.f32 v10, v9  }
0x18e: {  	v0 =	vld [tilespmem:s17+$0x0]  }
0x18f: {  	v4 =	vmul.f32 v11, v6;
	v6 =	vld.idx.msk [tilespmem:v5+s10+$0x0], $0xffff;
	v3 =	vadd.f32 v3, v1  }
0x190: {  	v1 =	vld [tilespmem:s17+$0x200]  }
0x191: {  	v3 =	vadd.f32 v4, v3;
	v2 =	vmul.f32 v12, v7;
	_ =	sdelay $0x1  }
0x192: {  	v5 =	vmul.f32 v13, v8;
	v2 =	vadd.f32 v2, v3;
	v3 =	vand.u32 $0xFFFFFFF8, v0  }
0x193: {  	s31 =	rddreg [dreg:$0x5];
	v4 =	vmul.f32 v6, v15;
	v0 =	vshll.u32 v0, $0x7;
	v3 =	vshll.u32 v3, $0x4  }
0x194: {  	v6 =	vand.u32 $0xFFFFFFF8, v1;
	v5 =	vadd.f32 v5, v2;
	v2 =	vadd.s32 s31, v3  }
0x195: {  	s15 =	simm.s32 $0x80;
	s16 =	rddreg [dreg:$0x6];
	v0 =	vand.u32 $0x380, v0;
	v3 =	vshll.u32 v6, $0x4;
	(v2sf) =	vpush v2, $0x0  }
.LBB2_2:
0x196: {  	v3 =	vadd.s32 s16, v3  }
0x197: {  	(v2sf) =	vpush v3, $0x0;
	_ =	sdelay $0x1  }
0x198: {  	(v2sf) =	vpush v2, $0x1;
	_ =	sdelay $0x1  }
0x199: {  	(v2sf) =	vpush v3, $0x1;
	_ =	sdelay $0x1  }
0x19a: {  	(v2sf) =	vpush v2, $0x2;
	_ =	sdelay $0x1  }
0x19b: {  	(v2sf) =	vpush v3, $0x2;
	_ =	sdelay $0x1  }
0x19c: {  	(v2sf) =	vpush v2, $0x3  }
0x19d: {  	v4 =	vadd.f32 v4, v5  }
0x19e: {  	(v2sf) =	vpush v3, $0x3  }
0x19f: {  	[tilespmem:s14+$0x8400] =	vst v4;
	s25 =	spop (v2sf)  }
0x1a0: {  	(v2sf) =	vpush v2, $0x4;
	[tilespmem:s9], [sflag:$0x1] =	stream.linear.gather [hbm4b:s25+s1], $0x400, $0x38;
	[tilespmem:$0x8600] =	vst v63  }
0x1a1: {  	s26 =	rddreg [dreg:$0x7];
	s18 =	spop (v2sf)  }
0x1a2: {  	(v2sf) =	vpush v3, $0x4;
	[tilespmem:s10], [sflag:$0x1] =	stream.linear.gather [hbm4b:s18+s1], $0x400, $0x38;
	[tilespmem:$0x8600] =	vst v63  }
0x1a3: {  	s28 =	rddreg [dreg:$0x8];
	s19 =	spop (v2sf)  }
0x1a4: {  	(v2sf) =	vpush v2, $0x5;
	[tilespmem:s26], [sflag:$0x1] =	stream.linear.gather [hbm4b:s19+s1], $0x400, $0x38;
	[tilespmem:$0x8600] =	vst v63  }
0x1a5: {  	s29 =	rddreg [dreg:$0x9];
	s30 =	spop (v2sf)  }
0x1a6: {  	(v2sf) =	vpush v3, $0x5;
	[tilespmem:s28], [sflag:$0x1] =	stream.linear.gather [hbm4b:s30+s1], $0x400, $0x38;
	[tilespmem:$0x8600] =	vst v63  }
0x1a7: {  	s31 =	rddreg [dreg:$0xa];
	s20 =	spop (v2sf)  }
0x1a8: {  	(v2sf) =	vpush v2, $0x6;
	[tilespmem:s29], [sflag:$0x1] =	stream.linear.gather [hbm4b:s20+s1], $0x400, $0x38;
	[tilespmem:$0x8600] =	vst v63  }
0x1a9: {  	s21 =	rddreg [dreg:$0xb];
	s22 =	spop (v2sf)  }
0x1aa: {  	(v2sf) =	vpush v3, $0x6;
	[tilespmem:s31], [sflag:$0x1] =	stream.linear.gather [hbm4b:s22+s1], $0x400, $0x38;
	[tilespmem:$0x8600] =	vst v63  }
0x1ab: {  	s23 =	rddreg [dreg:$0xc];
	s24 =	spop (v2sf)  }
0x1ac: {  	(v2sf) =	vpush v2, $0x7;
	[tilespmem:s21], [sflag:$0x1] =	stream.linear.gather [hbm4b:s24+s1], $0x400, $0x38;
	[tilespmem:$0x8600] =	vst v63  }
0x1ad: {  	s25 =	rddreg [dreg:$0xd];
	s26 =	spop (v2sf)  }
0x1ae: {  	(v2sf) =	vpush v3, $0x7;
	[tilespmem:s23], [sflag:$0x1] =	stream.linear.gather [hbm4b:s26+s1], $0x400, $0x38;
	[tilespmem:$0x8600] =	vst v63  }
0x1af: {  	s28 =	rddreg [dreg:$0xe];
	s29 =	spop (v2sf)  }
0x1b0: {  	(v2sf) =	vpush v2, $0x8;
	[tilespmem:s25], [sflag:$0x1] =	stream.linear.gather [hbm4b:s29+s1], $0x400, $0x38;
	[tilespmem:$0x8600] =	vst v63  }
0x1b1: {  	s30 =	rddreg [dreg:$0xf];
	s31 =	spop (v2sf)  }
0x1b2: {  	(v2sf) =	vpush v3, $0x8;
	[tilespmem:s28], [sflag:$0x1] =	stream.linear.gather [hbm4b:s31+s1], $0x400, $0x38;
	[tilespmem:$0x8600] =	vst v63  }
0x1b3: {  	s20 =	rddreg [dreg:$0x10];
	s21 =	spop (v2sf)  }
0x1b4: {  	(v2sf) =	vpush v2, $0x9;
	[tilespmem:s30], [sflag:$0x1] =	stream.linear.gather [hbm4b:s21+s1], $0x400, $0x38;
	[tilespmem:$0x8600] =	vst v63  }
0x1b5: {  	s22 =	rddreg [dreg:$0x11];
	s23 =	spop (v2sf)  }
0x1b6: {  	(v2sf) =	vpush v3, $0x9;
	[tilespmem:s20], [sflag:$0x1] =	stream.linear.gather [hbm4b:s23+s1], $0x400, $0x38;
	[tilespmem:$0x8600] =	vst v63  }
0x1b7: {  	s24 =	rddreg [dreg:$0x12];
	s25 =	spop (v2sf)  }
0x1b8: {  	(v2sf) =	vpush v2, $0xA;
	[tilespmem:s22], [sflag:$0x1] =	stream.linear.gather [hbm4b:s25+s1], $0x400, $0x38;
	[tilespmem:$0x8600] =	vst v63  }
0x1b9: {  	s26 =	rddreg [dreg:$0x13];
	s28 =	spop (v2sf)  }
0x1ba: {  	(v2sf) =	vpush v3, $0xA;
	[tilespmem:s24], [sflag:$0x1] =	stream.linear.gather [hbm4b:s28+s1], $0x400, $0x38;
	[tilespmem:$0x8600] =	vst v63  }
0x1bb: {  	s29 =	rddreg [dreg:$0x14];
	s30 =	spop (v2sf)  }
0x1bc: {  	(v2sf) =	vpush v2, $0xB;
	[tilespmem:s26], [sflag:$0x1] =	stream.linear.gather [hbm4b:s30+s1], $0x400, $0x38;
	[tilespmem:$0x8600] =	vst v63  }
0x1bd: {  	s31 =	rddreg [dreg:$0x15];
	s20 =	spop (v2sf)  }
0x1be: {  	(v2sf) =	vpush v3, $0xB;
	[tilespmem:s29], [sflag:$0x1] =	stream.linear.gather [hbm4b:s20+s1], $0x400, $0x38;
	[tilespmem:$0x8600] =	vst v63  }
0x1bf: {  	s21 =	rddreg [dreg:$0x16];
	s22 =	spop (v2sf)  }
0x1c0: {  	(v2sf) =	vpush v2, $0xC;
	[tilespmem:s31], [sflag:$0x1] =	stream.linear.gather [hbm4b:s22+s1], $0x400, $0x38;
	[tilespmem:$0x8600] =	vst v63  }
0x1c1: {  	s23 =	rddreg [dreg:$0x17];
	s24 =	spop (v2sf)  }
0x1c2: {  	(v2sf) =	vpush v3, $0xC;
	[tilespmem:s21], [sflag:$0x1] =	stream.linear.gather [hbm4b:s24+s1], $0x400, $0x38;
	[tilespmem:$0x8600] =	vst v63  }
0x1c3: {  	s25 =	rddreg [dreg:$0x18];
	s26 =	spop (v2sf)  }
0x1c4: {  	(v2sf) =	vpush v2, $0xD;
	[tilespmem:s23], [sflag:$0x1] =	stream.linear.gather [hbm4b:s26+s1], $0x400, $0x38;
	[tilespmem:$0x8600] =	vst v63  }
0x1c5: {  	s28 =	rddreg [dreg:$0x19];
	s29 =	spop (v2sf)  }
0x1c6: {  	(v2sf) =	vpush v3, $0xD;
	[tilespmem:s25], [sflag:$0x1] =	stream.linear.gather [hbm4b:s29+s1], $0x400, $0x38;
	[tilespmem:$0x8600] =	vst v63  }
0x1c7: {  	s30 =	rddreg [dreg:$0x1a];
	s31 =	spop (v2sf)  }
0x1c8: {  	(v2sf) =	vpush v2, $0xE;
	[tilespmem:s28], [sflag:$0x1] =	stream.linear.gather [hbm4b:s31+s1], $0x400, $0x38;
	[tilespmem:$0x8600] =	vst v63  }
0x1c9: {  	s20 =	rddreg [dreg:$0x1b];
	s21 =	spop (v2sf)  }
0x1ca: {  	(v2sf) =	vpush v3, $0xE;
	[tilespmem:s30], [sflag:$0x1] =	stream.linear.gather [hbm4b:s21+s1], $0x400, $0x38;
	[tilespmem:$0x8600] =	vst v63  }
0x1cb: {  	s22 =	rddreg [dreg:$0x1c];
	s23 =	spop (v2sf)  }
0x1cc: {  	(v2sf) =	vpush v2, $0xF;
	[tilespmem:s20], [sflag:$0x1] =	stream.linear.gather [hbm4b:s23+s1], $0x400, $0x38;
	[tilespmem:$0x8600] =	vst v63  }
0x1cd: {  	s24 =	rddreg [dreg:$0x1d];
	s25 =	spop (v2sf)  }
0x1ce: {  	(v2sf) =	vpush v3, $0xF;
	[tilespmem:s22], [sflag:$0x1] =	stream.linear.gather [hbm4b:s25+s1], $0x400, $0x38;
	[tilespmem:$0x8600] =	vst v63  }
0x1cf: {  	s26 =	rddreg [dreg:$0x1e];
	s28 =	spop (v2sf)  }
0x1d0: {  	[tilespmem:s24], [sflag:$0x1] =	stream.linear.gather [hbm4b:s28+s1], $0x400, $0x38;
	[tilespmem:$0x8600] =	vst v63  }
0x1d1: {  	s29 =	rddreg [dreg:$0x1f];
	s30 =	spop (v2sf)  }
0x1d2: {  	[tilespmem:s26], [sflag:$0x1] =	stream.linear.gather [hbm4b:s30+s1], $0x400, $0x38;
	[tilespmem:$0x8600] =	vst v63  }
0x1d3: {  	s31 =	sld [smem:$0x7F9];
	s20 =	spop (v2sf)  }
0x1d4: {  	[tilespmem:s29], [sflag:$0x1] =	stream.linear.gather [hbm4b:s20+s1], $0x400, $0x38;
	[tilespmem:$0x8600] =	vst v63  }
0x1d5: {  	s21 =	sld [smem:$0x7FA];
	s22 =	spop (v2sf)  }
0x1d6: {  	[tilespmem:s31], [sflag:$0x1] =	stream.linear.gather [hbm4b:s22+s1], $0x400, $0x38;
	[tilespmem:$0x8600] =	vst v63  }
0x1d7: {  	s23 =	sld [smem:$0x7FB];
	s24 =	spop (v2sf)  }
0x1d8: {  	[tilespmem:s21], [sflag:$0x1] =	stream.linear.gather [hbm4b:s24+s1], $0x400, $0x38;
	[tilespmem:$0x8600] =	vst v63  }
0x1d9: {  	s25 =	sld [smem:$0x7FC];
	s26 =	spop (v2sf)  }
0x1da: {  	[tilespmem:s23], [sflag:$0x1] =	stream.linear.gather [hbm4b:s26+s1], $0x400, $0x38;
	[tilespmem:$0x8600] =	vst v63  }
0x1db: {  	s28 =	sld [smem:$0x7FD];
	s29 =	spop (v2sf)  }
0x1dc: {  	[tilespmem:s25], [sflag:$0x1] =	stream.linear.gather [hbm4b:s29+s1], $0x400, $0x38;
	[tilespmem:$0x8600] =	vst v63  }
0x1dd: {  	s30 =	spop (v2sf)  }
0x1de: {  	[tilespmem:s28], [sflag:$0x1] =	stream.linear.gather [hbm4b:s30+s1], $0x400, $0x38;
	[tilespmem:$0x8600] =	vst v63  }
0x1df: {  	_ =	swait.ge [sflag:s11], $0x400  }
0x1e0: {  	[sflag:s11] =	ssyncset.done $0x0  }
0x1e1: {  	[sflag:s11] =	ssyncadd.s32 $0xFFFFFC00  }
0x1e2: {  	_ =	swait.ge [sflag:s11], $0x400  }
0x1e3: {  	[sflag:s11] =	ssyncset.done $0x0  }
0x1e4: {  	[sflag:s11] =	ssyncadd.s32 $0xFFFFFC00  }
0x1e5: {  	_ =	swait.ge [sflag:s11], $0x400  }
0x1e6: {  	[sflag:s11] =	ssyncset.done $0x0  }
0x1e7: {  	[sflag:s11] =	ssyncadd.s32 $0xFFFFFC00  }
0x1e8: {  	_ =	swait.ge [sflag:s11], $0x400  }
0x1e9: {  	[sflag:s11] =	ssyncset.done $0x0  }
0x1ea: {  	[sflag:s11] =	ssyncadd.s32 $0xFFFFFC00  }
0x1eb: {  	_ =	swait.ge [sflag:s11], $0x400  }
0x1ec: {  	[sflag:s11] =	ssyncset.done $0x0  }
0x1ed: {  	[sflag:s11] =	ssyncadd.s32 $0xFFFFFC00  }
0x1ee: {  	_ =	swait.ge [sflag:s11], $0x400  }
0x1ef: {  	[sflag:s11] =	ssyncset.done $0x0  }
0x1f0: {  	[sflag:s11] =	ssyncadd.s32 $0xFFFFFC00  }
0x1f1: {  	_ =	swait.ge [sflag:s11], $0x400  }
0x1f2: {  	[sflag:s11] =	ssyncset.done $0x0  }
0x1f3: {  	[sflag:s11] =	ssyncadd.s32 $0xFFFFFC00  }
0x1f4: {  	_ =	swait.ge [sflag:s11], $0x400  }
0x1f5: {  	[sflag:s11] =	ssyncset.done $0x0  }
0x1f6: {  	[sflag:s11] =	ssyncadd.s32 $0xFFFFFC00  }
0x1f7: {  	_ =	swait.ge [sflag:s11], $0x400  }
0x1f8: {  	[sflag:s11] =	ssyncset.done $0x0  }
0x1f9: {  	[sflag:s11] =	ssyncadd.s32 $0xFFFFFC00  }
0x1fa: {  	_ =	swait.ge [sflag:s11], $0x400  }
0x1fb: {  	[sflag:s11] =	ssyncset.done $0x0  }
0x1fc: {  	[sflag:s11] =	ssyncadd.s32 $0xFFFFFC00  }
0x1fd: {  	_ =	swait.ge [sflag:s11], $0x400  }
0x1fe: {  	[sflag:s11] =	ssyncset.done $0x0  }
0x1ff: {  	[sflag:s11] =	ssyncadd.s32 $0xFFFFFC00  }
0x200: {  	_ =	swait.ge [sflag:s11], $0x400  }
0x201: {  	[sflag:s11] =	ssyncset.done $0x0  }
0x202: {  	[sflag:s11] =	ssyncadd.s32 $0xFFFFFC00  }
0x203: {  	_ =	swait.ge [sflag:s11], $0x400  }
0x204: {  	[sflag:s11] =	ssyncset.done $0x0  }
0x205: {  	[sflag:s11] =	ssyncadd.s32 $0xFFFFFC00  }
0x206: {  	_ =	swait.ge [sflag:s11], $0x400  }
0x207: {  	[sflag:s11] =	ssyncset.done $0x0  }
0x208: {  	[sflag:s11] =	ssyncadd.s32 $0xFFFFFC00  }
0x209: {  	_ =	swait.ge [sflag:s11], $0x400  }
0x20a: {  	[sflag:s11] =	ssyncset.done $0x0  }
0x20b: {  	[sflag:s11] =	ssyncadd.s32 $0xFFFFFC00  }
0x20c: {  	_ =	swait.ge [sflag:s11], $0x400  }
0x20d: {  	[sflag:s11] =	ssyncset.done $0x0  }
0x20e: {  	[sflag:s11] =	ssyncadd.s32 $0xFFFFFC00  }
0x20f: {  	_ =	swait.ge [sflag:s11], $0x400  }
0x210: {  	[sflag:s11] =	ssyncset.done $0x0  }
0x211: {  	[sflag:s11] =	ssyncadd.s32 $0xFFFFFC00  }
0x212: {  	_ =	swait.ge [sflag:s11], $0x400  }
0x213: {  	[sflag:s11] =	ssyncset.done $0x0  }
0x214: {  	[sflag:s11] =	ssyncadd.s32 $0xFFFFFC00  }
0x215: {  	_ =	swait.ge [sflag:s11], $0x400  }
0x216: {  	[sflag:s11] =	ssyncset.done $0x0  }
0x217: {  	[sflag:s11] =	ssyncadd.s32 $0xFFFFFC00  }
0x218: {  	_ =	swait.ge [sflag:s11], $0x400  }
0x219: {  	[sflag:s11] =	ssyncset.done $0x0  }
0x21a: {  	[sflag:s11] =	ssyncadd.s32 $0xFFFFFC00  }
0x21b: {  	_ =	swait.ge [sflag:s11], $0x400  }
0x21c: {  	[sflag:s11] =	ssyncset.done $0x0  }
0x21d: {  	[sflag:s11] =	ssyncadd.s32 $0xFFFFFC00  }
0x21e: {  	_ =	swait.ge [sflag:s11], $0x400  }
0x21f: {  	[sflag:s11] =	ssyncset.done $0x0  }
0x220: {  	[sflag:s11] =	ssyncadd.s32 $0xFFFFFC00  }
0x221: {  	_ =	swait.ge [sflag:s11], $0x400  }
0x222: {  	[sflag:s11] =	ssyncset.done $0x0  }
0x223: {  	[sflag:s11] =	ssyncadd.s32 $0xFFFFFC00  }
0x224: {  	_ =	swait.ge [sflag:s11], $0x400  }
0x225: {  	[sflag:s11] =	ssyncset.done $0x0  }
0x226: {  	[sflag:s11] =	ssyncadd.s32 $0xFFFFFC00  }
0x227: {  	_ =	swait.ge [sflag:s11], $0x400  }
0x228: {  	[sflag:s11] =	ssyncset.done $0x0  }
0x229: {  	[sflag:s11] =	ssyncadd.s32 $0xFFFFFC00  }
0x22a: {  	_ =	swait.ge [sflag:s11], $0x400  }
0x22b: {  	[sflag:s11] =	ssyncset.done $0x0  }
0x22c: {  	[sflag:s11] =	ssyncadd.s32 $0xFFFFFC00  }
0x22d: {  	_ =	swait.ge [sflag:s11], $0x400  }
0x22e: {  	[sflag:s11] =	ssyncset.done $0x0  }
0x22f: {  	[sflag:s11] =	ssyncadd.s32 $0xFFFFFC00  }
0x230: {  	_ =	swait.ge [sflag:s11], $0x400  }
0x231: {  	[sflag:s11] =	ssyncset.done $0x0  }
0x232: {  	[sflag:s11] =	ssyncadd.s32 $0xFFFFFC00  }
0x233: {  	_ =	swait.ge [sflag:s11], $0x400  }
0x234: {  	[sflag:s11] =	ssyncset.done $0x0  }
0x235: {  	[sflag:s11] =	ssyncadd.s32 $0xFFFFFC00  }
0x236: {  	_ =	swait.ge [sflag:s11], $0x400  }
0x237: {  	[sflag:s11] =	ssyncset.done $0x0  }
0x238: {  	[sflag:s11] =	ssyncadd.s32 $0xFFFFFC00  }
0x239: {  	_ =	swait.ge [sflag:s11], $0x400  }
0x23a: {  	[sflag:s11] =	ssyncset.done $0x0  }
0x23b: {  	v3 =	vld [tilespmem:$0x1FEE0];
	[sflag:s11] =	ssyncadd.s32 $0xFFFFFC00  }
0x23c: {  	_ =	swait.ge [sflag:s11], $0x400  }
0x23d: {  	v5 =	vld [tilespmem:$0x1FFF0];
	_ =	sdelay $0x1  }
0x23e: {  	v1 =	vshll.u32 v1, $0x7;
	v7 =	vld [tilespmem:$0x1FEF0]  }
0x23f: {  	v1 =	vand.u32 $0x380, v1;
	v9 =	vld [tilespmem:$0x1FF00];
	v2 =	vor.u32 v3, v0  }
0x240: {  	v11 =	vld [tilespmem:$0x1FF10];
	v3 =	vor.u32 v3, v1  }
0x241: {  	v13 =	vld [tilespmem:$0x1FF20];
	v4 =	vor.u32 v5, v0  }
0x242: {  	[sflag:s11] =	ssyncset.done $0x0;
	v15 =	vld [tilespmem:$0x1FF30];
	v5 =	vor.u32 v5, v1  }
0x243: {  	v16 =	vld [tilespmem:$0x1FF50];
	[sflag:s11] =	ssyncadd.s32 $0xFFFFFC00;
	v6 =	vor.u32 v7, v0  }
0x244: {  	v7 =	vor.u32 v7, v1;
	v2 =	vld.idx.msk [tilespmem:v2+s9+$0x0], $0xffff  }
0x245: {  	v10 =	vor.u32 v11, v0;
	v3 =	vld.idx.msk [tilespmem:v3+s10+$0x0], $0xffff  }
0x246: {  	v4 =	vld.idx.msk [tilespmem:v4+s9+$0x0], $0xffff  }
0x247: {  	v5 =	vld.idx.msk [tilespmem:v5+s10+$0x0], $0xffff  }
0x248: {  	v8 =	vor.u32 v9, v0;
	v6 =	vld.idx.msk [tilespmem:v6+s9+$0x0], $0xffff  }
0x249: {  	v9 =	vor.u32 v9, v1;
	v7 =	vld.idx.msk [tilespmem:v7+s10+$0x0], $0xffff  }
0x24a: {  	v12 =	vor.u32 v13, v0;
	v13 =	vor.u32 v13, v1;
	v2 =	vmul.f32 v3, v2;
	v3 =	vld.idx.msk [tilespmem:v10+s9+$0x0], $0xffff  }
0x24b: {  	v11 =	vor.u32 v11, v1;
	v14 =	vor.u32 v15, v0;
	v10 =	vor.u32 v15, v1;
	v15 =	vld [tilespmem:$0x1FF40]  }
0x24c: {  	v17 =	vld [tilespmem:$0x1FF60]  }
0x24d: {  	v8 =	vld.idx.msk [tilespmem:v8+s9+$0x0], $0xffff  }
0x24e: {  	v9 =	vld.idx.msk [tilespmem:v9+s10+$0x0], $0xffff  }
0x24f: {  	v4 =	vmul.f32 v5, v4;
	v6 =	vmul.f32 v7, v6;
	v7 =	vld.idx.msk [tilespmem:v13+s10+$0x0], $0xffff;
	v13 =	vor.u32 v16, v0  }
0x250: {  	v5 =	vld.idx.msk [tilespmem:v11+s10+$0x0], $0xffff;
	v11 =	vor.u32 v15, v0;
	v15 =	vor.u32 v15, v1  }
0x251: {  	v12 =	vld.idx.msk [tilespmem:v12+s9+$0x0], $0xffff;
	v4 =	vadd.f32 $0.0e+00, v4  }
0x252: {  	v14 =	vld.idx.msk [tilespmem:v14+s9+$0x0], $0xffff  }
0x253: {  	v2 =	vadd.f32 v2, v4;
	v4 =	vmul.f32 v9, v8;
	v8 =	vld.idx.msk [tilespmem:v10+s10+$0x0], $0xffff  }
0x254: {  	v16 =	vor.u32 v16, v1;
	v13 =	vld.idx.msk [tilespmem:v13+s9+$0x0], $0xffff  }
0x255: {  	v3 =	vmul.f32 v5, v3;
	v5 =	vld.idx.msk [tilespmem:v15+s10+$0x0], $0xffff  }
0x256: {  	v2 =	vadd.f32 v6, v2;
	v15 =	vld [tilespmem:$0x1FF70]  }
0x257: {  	v9 =	vor.u32 v17, v0;
	v10 =	vld.idx.msk [tilespmem:v11+s9+$0x0], $0xffff  }
0x258: {  	v11 =	vor.u32 v17, v1;
	v17 =	vld [tilespmem:$0x1FF80];
	v2 =	vadd.f32 v4, v2  }
0x259: {  	v4 =	vld.idx.msk [tilespmem:v16+s10+$0x0], $0xffff  }
0x25a: {  	v7 =	vmul.f32 v7, v12;
	v2 =	vadd.f32 v3, v2;
	v3 =	vmul.f32 v8, v14;
	v14 =	vld [tilespmem:$0x1FF90]  }
0x25b: {  	v6 =	vor.u32 v15, v0  }
0x25c: {  	v9 =	vld.idx.msk [tilespmem:v9+s9+$0x0], $0xffff;
	v15 =	vor.u32 v15, v1;
	v2 =	vadd.f32 v7, v2  }
0x25d: {  	v16 =	vor.u32 v17, v0;
	v12 =	vor.u32 v17, v1;
	v17 =	vld [tilespmem:$0x1FFA0]  }
0x25e: {  	v8 =	vld.idx.msk [tilespmem:v11+s10+$0x0], $0xffff;
	v2 =	vadd.f32 v3, v2  }
0x25f: {  	v3 =	vmul.f32 v4, v13;
	v13 =	vld [tilespmem:$0x1FFB0];
	v11 =	vor.u32 v14, v0;
	v14 =	vor.u32 v14, v1  }
0x260: {  	v6 =	vld.idx.msk [tilespmem:v6+s9+$0x0], $0xffff  }
0x261: {  	v7 =	vld.idx.msk [tilespmem:v15+s10+$0x0], $0xffff  }
0x262: {  	v5 =	vmul.f32 v5, v10;
	v15 =	vld.idx.msk [tilespmem:v16+s9+$0x0], $0xffff;
	v16 =	vor.u32 v17, v1  }
0x263: {  	v4 =	vld.idx.msk [tilespmem:v12+s10+$0x0], $0xffff  }
0x264: {  	v2 =	vadd.f32 v5, v2;
	v5 =	vmul.f32 v8, v9;
	v8 =	vld.idx.msk [tilespmem:v14+s10+$0x0], $0xffff  }
0x265: {  	v14 =	vld [tilespmem:$0x1FFC0]  }
0x266: {  	v11 =	vld.idx.msk [tilespmem:v11+s9+$0x0], $0xffff  }
0x267: {  	v10 =	vor.u32 v17, v0;
	v2 =	vadd.f32 v3, v2;
	v3 =	vmul.f32 v7, v6;
	v6 =	vld.idx.msk [tilespmem:v16+s10+$0x0], $0xffff  }
0x268: {  	v12 =	vor.u32 v13, v0;
	v16 =	vld [tilespmem:$0x1FFD0]  }
0x269: {  	v13 =	vor.u32 v13, v1  }
0x26a: {  	v2 =	vadd.f32 v5, v2;
	v4 =	vmul.f32 v4, v15;
	v15 =	vld [tilespmem:$0x1FFE0];
	v9 =	vor.u32 v14, v0  }
0x26b: {  	v14 =	vor.u32 v14, v1  }
0x26c: {  	v10 =	vld.idx.msk [tilespmem:v10+s9+$0x0], $0xffff;
	v2 =	vadd.f32 v3, v2;
	v3 =	vmul.f32 v8, v11;
	v11 =	vor.u32 v18, v0  }
0x26d: {  	v12 =	vld.idx.msk [tilespmem:v12+s9+$0x0], $0xffff;
	v7 =	vor.u32 v16, v0  }
0x26e: {  	v5 =	vld.idx.msk [tilespmem:v13+s10+$0x0], $0xffff;
	v16 =	vor.u32 v16, v1  }
0x26f: {  	v13 =	vor.u32 v15, v0;
	v9 =	vld.idx.msk [tilespmem:v9+s9+$0x0], $0xffff  }
0x270: {  	v15 =	vor.u32 v15, v1;
	v8 =	vld.idx.msk [tilespmem:v14+s10+$0x0], $0xffff  }
0x271: {  	v2 =	vadd.f32 v4, v2;
	v4 =	vmul.f32 v6, v10;
	v10 =	vor.u32 v19, v0;
	v11 =	vld.idx.msk [tilespmem:v11+s9+$0x0], $0xffff  }
0x272: {  	v14 =	vor.u32 v18, v1;
	v7 =	vld.idx.msk [tilespmem:v7+s9+$0x0], $0xffff  }
0x273: {  	v2 =	vadd.f32 v3, v2;
	v3 =	vmul.f32 v5, v12;
	v12 =	vor.u32 v20, v0;
	v6 =	vld.idx.msk [tilespmem:v16+s10+$0x0], $0xffff  }
0x274: {  	v13 =	vld.idx.msk [tilespmem:v13+s9+$0x0], $0xffff;
	v16 =	vor.u32 v19, v1  }
0x275: {  	v5 =	vld.idx.msk [tilespmem:v15+s10+$0x0], $0xffff;
	v15 =	vor.u32 v20, v1  }
0x276: {  	v2 =	vadd.f32 v4, v2;
	v10 =	vld.idx.msk [tilespmem:v10+s9+$0x0], $0xffff;
	v4 =	vmul.f32 v8, v9;
	v9 =	vor.u32 v21, v0  }
0x277: {  	v8 =	vld.idx.msk [tilespmem:v14+s10+$0x0], $0xffff;
	v14 =	vor.u32 v21, v1  }
0x278: {  	v2 =	vadd.f32 v3, v2;
	v12 =	vld.idx.msk [tilespmem:v12+s9+$0x0], $0xffff;
	v3 =	vmul.f32 v6, v7;
	v7 =	vor.u32 v22, v0  }
0x279: {  	v6 =	vld.idx.msk [tilespmem:v16+s10+$0x0], $0xffff;
	v16 =	vor.u32 v22, v1  }
0x27a: {  	v2 =	vadd.f32 v4, v2;
	v4 =	vmul.f32 v5, v13;
	v5 =	vld.idx.msk [tilespmem:v15+s10+$0x0], $0xffff;
	v13 =	vor.u32 v23, v0  }
0x27b: {  	v15 =	vor.u32 v23, v1;
	v9 =	vld.idx.msk [tilespmem:v9+s9+$0x0], $0xffff  }
0x27c: {  	v2 =	vadd.f32 v3, v2;
	v3 =	vmul.f32 v8, v11;
	v8 =	vld.idx.msk [tilespmem:v14+s10+$0x0], $0xffff;
	v11 =	vor.u32 v24, v0  }
0x27d: {  	v14 =	vor.u32 v24, v1;
	v7 =	vld.idx.msk [tilespmem:v7+s9+$0x0], $0xffff  }
0x27e: {  	v2 =	vadd.f32 v4, v2;
	v4 =	vmul.f32 v6, v10;
	v6 =	vld.idx.msk [tilespmem:v16+s10+$0x0], $0xffff;
	v10 =	vor.u32 v25, v0  }
0x27f: {  	v13 =	vld.idx.msk [tilespmem:v13+s9+$0x0], $0xffff;
	v16 =	vor.u32 v25, v1  }
0x280: {  	v2 =	vadd.f32 v3, v2;
	v3 =	vmul.f32 v5, v12;
	v5 =	vld.idx.msk [tilespmem:v15+s10+$0x0], $0xffff;
	v12 =	vor.u32 v26, v0  }
0x281: {  	v15 =	vor.u32 v26, v1;
	v11 =	vld.idx.msk [tilespmem:v11+s9+$0x0], $0xffff  }
0x282: {  	v2 =	vadd.f32 v4, v2;
	v4 =	vld.idx.msk [tilespmem:v14+s10+$0x0], $0xffff;
	v14 =	vor.u32 v27, v0  }
0x283: {  	v8 =	vmul.f32 v8, v9;
	v9 =	vld.idx.msk [tilespmem:v10+s9+$0x0], $0xffff;
	v10 =	vor.u32 v27, v1  }
0x284: {  	v2 =	vadd.f32 v3, v2;
	v3 =	vmul.f32 v6, v7;
	v6 =	vld.idx.msk [tilespmem:v16+s10+$0x0], $0xffff;
	v7 =	vor.u32 v28, v0  }
0x285: {  	v16 =	vor.u32 v28, v1;
	v12 =	vld.idx.msk [tilespmem:v12+s9+$0x0], $0xffff  }
0x286: {  	v5 =	vmul.f32 v5, v13;
	v13 =	vor.u32 v29, v0;
	v2 =	vadd.f32 v8, v2;
	v8 =	vld.idx.msk [tilespmem:v15+s10+$0x0], $0xffff  }
0x287: {  	v15 =	vor.u32 v29, v1;
	v14 =	vld.idx.msk [tilespmem:v14+s9+$0x0], $0xffff  }
0x288: {  	v2 =	vadd.f32 v3, v2;
	v3 =	vmul.f32 v4, v11;
	v4 =	vld.idx.msk [tilespmem:v10+s10+$0x0], $0xffff;
	v10 =	vor.u32 v30, v0  }
0x289: {  	v11 =	vor.u32 v30, v1;
	v7 =	vld.idx.msk [tilespmem:v7+s9+$0x0], $0xffff  }
0x28a: {  	v2 =	vadd.f32 v5, v2;
	v5 =	vmul.f32 v6, v9;
	v6 =	vld.idx.msk [tilespmem:v16+s10+$0x0], $0xffff;
	v9 =	vor.u32 v31, v0  }
0x28b: {  	v13 =	vld.idx.msk [tilespmem:v13+s9+$0x0], $0xffff;
	v16 =	vor.u32 v31, v1  }
0x28c: {  	v2 =	vadd.f32 v3, v2;
	v3 =	vld.idx.msk [tilespmem:v15+s10+$0x0], $0xffff;
	v15 =	vor.u32 v32, v0  }
0x28d: {  	v8 =	vmul.f32 v8, v12;
	v12 =	vor.u32 v32, v1;
	v10 =	vld.idx.msk [tilespmem:v10+s9+$0x0], $0xffff  }
0x28e: {  	v2 =	vadd.f32 v5, v2;
	v5 =	vld.idx.msk [tilespmem:v11+s10+$0x0], $0xffff;
	v11 =	vor.u32 v33, v0  }
0x28f: {  	v4 =	vmul.f32 v4, v14;
	v14 =	vor.u32 v33, v1;
	v9 =	vld.idx.msk [tilespmem:v9+s9+$0x0], $0xffff  }
0x290: {  	v6 =	vmul.f32 v6, v7;
	v7 =	vld.idx.msk [tilespmem:v16+s10+$0x0], $0xffff;
	v2 =	vadd.f32 v8, v2;
	v8 =	vor.u32 v34, v0  }
0x291: {  	v16 =	vor.u32 v34, v1;
	v15 =	vld.idx.msk [tilespmem:v15+s9+$0x0], $0xffff  }
0x292: {  	v2 =	vadd.f32 v4, v2;
	v4 =	vld.idx.msk [tilespmem:v12+s10+$0x0], $0xffff;
	v12 =	vor.u32 v35, v0  }
0x293: {  	v3 =	vmul.f32 v3, v13;
	v13 =	vor.u32 v35, v1;
	v11 =	vld.idx.msk [tilespmem:v11+s9+$0x0], $0xffff  }
0x294: {  	v5 =	vmul.f32 v5, v10;
	v10 =	vor.u32 v36, v0;
	v2 =	vadd.f32 v6, v2;
	v6 =	vld.idx.msk [tilespmem:v14+s10+$0x0], $0xffff  }
0x295: {  	v14 =	vor.u32 v36, v1;
	v8 =	vld.idx.msk [tilespmem:v8+s9+$0x0], $0xffff  }
0x296: {  	v2 =	vadd.f32 v3, v2;
	v3 =	vmul.f32 v7, v9;
	v7 =	vld.idx.msk [tilespmem:v16+s10+$0x0], $0xffff;
	v9 =	vor.u32 v37, v0  }
0x297: {  	v16 =	vor.u32 v37, v1;
	v12 =	vld.idx.msk [tilespmem:v12+s9+$0x0], $0xffff  }
0x298: {  	v2 =	vadd.f32 v5, v2;
	v5 =	vld.idx.msk [tilespmem:v13+s10+$0x0], $0xffff;
	v13 =	vor.u32 v38, v0  }
0x299: {  	v4 =	vmul.f32 v4, v15;
	v15 =	vor.u32 v38, v1;
	v10 =	vld.idx.msk [tilespmem:v10+s9+$0x0], $0xffff  }
0x29a: {  	v2 =	vadd.f32 v3, v2;
	v3 =	vmul.f32 v6, v11;
	v6 =	vld.idx.msk [tilespmem:v14+s10+$0x0], $0xffff;
	v11 =	vor.u32 v39, v0  }
0x29b: {  	v14 =	vor.u32 v39, v1;
	v9 =	vld.idx.msk [tilespmem:v9+s9+$0x0], $0xffff  }
0x29c: {  	v2 =	vadd.f32 v4, v2;
	v4 =	vmul.f32 v7, v8;
	v7 =	vld.idx.msk [tilespmem:v16+s10+$0x0], $0xffff;
	v8 =	vor.u32 v40, v0  }
0x29d: {  	v16 =	vor.u32 v40, v1;
	v13 =	vld.idx.msk [tilespmem:v13+s9+$0x0], $0xffff  }
0x29e: {  	v2 =	vadd.f32 v3, v2;
	v3 =	vmul.f32 v5, v12;
	v5 =	vld.idx.msk [tilespmem:v15+s10+$0x0], $0xffff;
	v12 =	vor.u32 v41, v0  }
0x29f: {  	v15 =	vor.u32 v41, v1;
	v11 =	vld.idx.msk [tilespmem:v11+s9+$0x0], $0xffff  }
0x2a0: {  	v2 =	vadd.f32 v4, v2;
	v4 =	vmul.f32 v6, v10;
	v6 =	vld.idx.msk [tilespmem:v14+s10+$0x0], $0xffff;
	v10 =	vor.u32 v42, v0  }
0x2a1: {  	v14 =	vor.u32 v42, v1;
	v8 =	vld.idx.msk [tilespmem:v8+s9+$0x0], $0xffff  }
0x2a2: {  	v2 =	vadd.f32 v3, v2;
	v3 =	vmul.f32 v7, v9;
	v7 =	vld.idx.msk [tilespmem:v16+s10+$0x0], $0xffff;
	v9 =	vor.u32 v43, v0  }
0x2a3: {  	v16 =	vor.u32 v43, v1;
	v12 =	vld.idx.msk [tilespmem:v12+s9+$0x0], $0xffff  }
0x2a4: {  	v2 =	vadd.f32 v4, v2;
	v4 =	vmul.f32 v5, v13;
	v5 =	vld.idx.msk [tilespmem:v15+s10+$0x0], $0xffff;
	v13 =	vor.u32 v44, v0  }
0x2a5: {  	v15 =	vor.u32 v44, v1;
	v10 =	vld.idx.msk [tilespmem:v10+s9+$0x0], $0xffff  }
0x2a6: {  	v2 =	vadd.f32 v3, v2;
	v3 =	vmul.f32 v6, v11;
	v6 =	vld.idx.msk [tilespmem:v14+s10+$0x0], $0xffff;
	v11 =	vor.u32 v45, v0  }
0x2a7: {  	v14 =	vor.u32 v45, v1;
	v9 =	vld.idx.msk [tilespmem:v9+s9+$0x0], $0xffff  }
0x2a8: {  	v2 =	vadd.f32 v4, v2;
	v4 =	vmul.f32 v7, v8;
	v7 =	vld.idx.msk [tilespmem:v16+s10+$0x0], $0xffff;
	v8 =	vor.u32 v46, v0  }
0x2a9: {  	v16 =	vor.u32 v46, v1;
	v13 =	vld.idx.msk [tilespmem:v13+s9+$0x0], $0xffff  }
0x2aa: {  	v2 =	vadd.f32 v3, v2;
	v3 =	vmul.f32 v5, v12;
	v5 =	vld.idx.msk [tilespmem:v15+s10+$0x0], $0xffff;
	v12 =	vor.u32 v47, v0  }
0x2ab: {  	v15 =	vor.u32 v47, v1;
	v11 =	vld.idx.msk [tilespmem:v11+s9+$0x0], $0xffff  }
0x2ac: {  	v2 =	vadd.f32 v4, v2;
	v4 =	vmul.f32 v6, v10;
	v6 =	vld.idx.msk [tilespmem:v14+s10+$0x0], $0xffff;
	v10 =	vor.u32 v48, v0  }
0x2ad: {  	v14 =	vor.u32 v48, v1;
	v8 =	vld.idx.msk [tilespmem:v8+s9+$0x0], $0xffff  }
0x2ae: {  	v2 =	vadd.f32 v3, v2;
	v3 =	vmul.f32 v7, v9;
	v7 =	vld.idx.msk [tilespmem:v16+s10+$0x0], $0xffff;
	v9 =	vor.u32 v49, v0  }
0x2af: {  	v16 =	vor.u32 v49, v1;
	v12 =	vld.idx.msk [tilespmem:v12+s9+$0x0], $0xffff  }
0x2b0: {  	v2 =	vadd.f32 v4, v2;
	v4 =	vmul.f32 v5, v13;
	v5 =	vld.idx.msk [tilespmem:v15+s10+$0x0], $0xffff;
	v13 =	vor.u32 v50, v0  }
0x2b1: {  	v15 =	vor.u32 v50, v1;
	v10 =	vld.idx.msk [tilespmem:v10+s9+$0x0], $0xffff  }
0x2b2: {  	v2 =	vadd.f32 v3, v2;
	v3 =	vmul.f32 v6, v11;
	v6 =	vld.idx.msk [tilespmem:v14+s10+$0x0], $0xffff;
	v11 =	vor.u32 v51, v0  }
0x2b3: {  	v14 =	vor.u32 v51, v1;
	v9 =	vld.idx.msk [tilespmem:v9+s9+$0x0], $0xffff  }
0x2b4: {  	v2 =	vadd.f32 v4, v2;
	v4 =	vmul.f32 v7, v8;
	v7 =	vld.idx.msk [tilespmem:v16+s10+$0x0], $0xffff;
	v8 =	vor.u32 v52, v0  }
0x2b5: {  	v16 =	vor.u32 v52, v1;
	v13 =	vld.idx.msk [tilespmem:v13+s9+$0x0], $0xffff  }
0x2b6: {  	v2 =	vadd.f32 v3, v2;
	v3 =	vmul.f32 v5, v12;
	v5 =	vld.idx.msk [tilespmem:v15+s10+$0x0], $0xffff;
	v12 =	vor.u32 v53, v0  }
0x2b7: {  	v15 =	vor.u32 v53, v1;
	v11 =	vld.idx.msk [tilespmem:v11+s9+$0x0], $0xffff  }
0x2b8: {  	v2 =	vadd.f32 v4, v2;
	v4 =	vld.idx.msk [tilespmem:v14+s10+$0x0], $0xffff;
	v14 =	vor.u32 v54, v0  }
0x2b9: {  	v6 =	vmul.f32 v6, v10;
	v10 =	vor.u32 v54, v1;
	v8 =	vld.idx.msk [tilespmem:v8+s9+$0x0], $0xffff  }
0x2ba: {  	v2 =	vadd.f32 v3, v2;
	v3 =	vmul.f32 v7, v9;
	v7 =	vld.idx.msk [tilespmem:v16+s10+$0x0], $0xffff;
	v9 =	vor.u32 v55, v0  }
0x2bb: {  	v16 =	vor.u32 v55, v1;
	v12 =	vld.idx.msk [tilespmem:v12+s9+$0x0], $0xffff  }
0x2bc: {  	v5 =	vmul.f32 v5, v13;
	v13 =	vor.u32 v56, v0;
	v2 =	vadd.f32 v6, v2;
	v6 =	vld.idx.msk [tilespmem:v15+s10+$0x0], $0xffff  }
0x2bd: {  	v15 =	vor.u32 v56, v1;
	v14 =	vld.idx.msk [tilespmem:v14+s9+$0x0], $0xffff  }
0x2be: {  	v2 =	vadd.f32 v3, v2;
	v3 =	vmul.f32 v4, v11;
	v4 =	vld.idx.msk [tilespmem:v10+s10+$0x0], $0xffff;
	v10 =	vor.u32 v57, v0  }
0x2bf: {  	v11 =	vor.u32 v57, v1;
	v9 =	vld.idx.msk [tilespmem:v9+s9+$0x0], $0xffff  }
0x2c0: {  	v2 =	vadd.f32 v5, v2;
	v5 =	vmul.f32 v7, v8;
	v7 =	vld.idx.msk [tilespmem:v16+s10+$0x0], $0xffff;
	v8 =	vor.u32 v58, v0  }
0x2c1: {  	v13 =	vld.idx.msk [tilespmem:v13+s9+$0x0], $0xffff;
	v16 =	vor.u32 v58, v1  }
0x2c2: {  	v2 =	vadd.f32 v3, v2;
	v3 =	vld.idx.msk [tilespmem:v15+s10+$0x0], $0xffff;
	v15 =	vor.u32 v59, v0  }
0x2c3: {  	v6 =	vmul.f32 v6, v12;
	v12 =	vor.u32 v59, v1;
	v10 =	vld.idx.msk [tilespmem:v10+s9+$0x0], $0xffff  }
0x2c4: {  	v2 =	vadd.f32 v5, v2;
	v5 =	vld.idx.msk [tilespmem:v11+s10+$0x0], $0xffff;
	v11 =	vor.u32 v60, v0  }
0x2c5: {  	v4 =	vmul.f32 v4, v14;
	v14 =	vor.u32 v60, v1;
	v8 =	vld.idx.msk [tilespmem:v8+s9+$0x0], $0xffff  }
0x2c6: {  	v2 =	vadd.f32 v6, v2;
	v6 =	vmul.f32 v7, v9;
	v7 =	vld.idx.msk [tilespmem:v16+s10+$0x0], $0xffff;
	v9 =	vor.u32 v61, v0  }
0x2c7: {  	v16 =	vor.u32 v61, v1;
	v15 =	vld.idx.msk [tilespmem:v15+s9+$0x0], $0xffff  }
0x2c8: {  	v2 =	vadd.f32 v4, v2;
	v4 =	vld.idx.msk [tilespmem:v12+s10+$0x0], $0xffff;
	v12 =	vor.u32 v62, v0  }
0x2c9: {  	v0 =	vor.u32 v63, v0;
	v11 =	vld.idx.msk [tilespmem:v11+s9+$0x0], $0xffff  }
0x2ca: {  	v3 =	vmul.f32 v3, v13;
	v2 =	vadd.f32 v6, v2;
	v6 =	vld.idx.msk [tilespmem:v14+s10+$0x0], $0xffff  }
0x2cb: {  	v13 =	vor.u32 v62, v1;
	v9 =	vld.idx.msk [tilespmem:v9+s9+$0x0], $0xffff  }
0x2cc: {  	v1 =	vor.u32 v63, v1;
	v5 =	vmul.f32 v5, v10;
	v2 =	vadd.f32 v3, v2;
	v3 =	vld.idx.msk [tilespmem:v16+s10+$0x0], $0xffff  }
0x2cd: {  	s16 =	smov.u32 s15;
	v14 =	vld.idx.msk [tilespmem:v12+s9+$0x0], $0xffff  }
0x2ce: {  	s14 =	smov.u32 s17;
	s17 =	sshra.s32 s16, $0x2;
	v7 =	vmul.f32 v7, v8;
	v4 =	vmul.f32 v4, v15;
	v15 =	vld.idx.msk [tilespmem:v0+s9+$0x0], $0xffff;
	v2 =	vadd.f32 v5, v2  }
0x2cf: {  	v0 =	vld [tilespmem:s17+$0x0]  }
0x2d0: {  	v5 =	vld.idx.msk [tilespmem:v13+s10+$0x0], $0xffff;
	v2 =	vadd.f32 v7, v2  }
0x2d1: {  	v7 =	vld.idx.msk [tilespmem:v1+s10+$0x0], $0xffff  }
0x2d2: {  	v6 =	vmul.f32 v6, v11;
	v1 =	vld [tilespmem:s17+$0x200];
	v2 =	vadd.f32 v4, v2  }
0x2d3: {  	p0 =	sne.s32 s15, $0x7C0  }
.Ltmp0:
0x2d4: {  	v3 =	vmul.f32 v3, v9;
	v2 =	vadd.f32 v6, v2;
	(pc) =	sbr.rel @p0 .LBB2_2-.Ltmp0, $4  }
0x2d5: {  	v4 =	vand.u32 $0xFFFFFFF8, v0;
	v0 =	vshll.u32 v0, $0x7;
	v5 =	vmul.f32 v5, v14  }
0x2d6: {  	s31 =	rddreg [dreg:$0x5];
	v4 =	vshll.u32 v4, $0x4;
	v0 =	vand.u32 $0x380, v0;
	v6 =	vadd.f32 v3, v2  }
0x2d7: {  	v3 =	vand.u32 $0xFFFFFFF8, v1;
	v2 =	vadd.s32 s31, v4;
	v4 =	vmul.f32 v7, v15  }
0x2d8: {  	s15 =	sadd.s32 $0x40, s15;
	s16 =	rddreg [dreg:$0x6];
	v3 =	vshll.u32 v3, $0x4;
	(v2sf) =	vpush v2, $0x0;
	v5 =	vadd.f32 v5, v6  }
0x2d9: {  	v3 =	vadd.s32 s16, v3  }
0x2da: {  	(v2sf) =	vpush v3, $0x0;
	_ =	sdelay $0x1  }
0x2db: {  	(v2sf) =	vpush v2, $0x1;
	_ =	sdelay $0x1  }
0x2dc: {  	(v2sf) =	vpush v3, $0x1;
	_ =	sdelay $0x1  }
0x2dd: {  	(v2sf) =	vpush v2, $0x2;
	_ =	sdelay $0x1  }
0x2de: {  	(v2sf) =	vpush v3, $0x2;
	_ =	sdelay $0x1  }
0x2df: {  	(v2sf) =	vpush v2, $0x3  }
0x2e0: {  	v4 =	vadd.f32 v4, v5  }
0x2e1: {  	(v2sf) =	vpush v3, $0x3  }
0x2e2: {  	[tilespmem:s14+$0x8400] =	vst v4;
	s22 =	spop (v2sf)  }
0x2e3: {  	(v2sf) =	vpush v2, $0x4;
	[tilespmem:s9], [sflag:$0x1] =	stream.linear.gather [hbm4b:s22+s1], $0x400, $0x38;
	[tilespmem:$0x8600] =	vst v63  }
0x2e4: {  	s23 =	rddreg [dreg:$0x7];
	s15 =	spop (v2sf)  }
0x2e5: {  	(v2sf) =	vpush v3, $0x4;
	[tilespmem:s10], [sflag:$0x1] =	stream.linear.gather [hbm4b:s15+s1], $0x400, $0x38;
	[tilespmem:$0x8600] =	vst v63  }
0x2e6: {  	s24 =	rddreg [dreg:$0x8];
	s25 =	spop (v2sf)  }
0x2e7: {  	(v2sf) =	vpush v2, $0x5;
	[tilespmem:s23], [sflag:$0x1] =	stream.linear.gather [hbm4b:s25+s1], $0x400, $0x38;
	[tilespmem:$0x8600] =	vst v63  }
0x2e8: {  	s26 =	rddreg [dreg:$0x9];
	s28 =	spop (v2sf)  }
0x2e9: {  	(v2sf) =	vpush v3, $0x5;
	[tilespmem:s24], [sflag:$0x1] =	stream.linear.gather [hbm4b:s28+s1], $0x400, $0x38;
	[tilespmem:$0x8600] =	vst v63  }
0x2ea: {  	s29 =	rddreg [dreg:$0xa];
	s30 =	spop (v2sf)  }
0x2eb: {  	(v2sf) =	vpush v2, $0x6;
	[tilespmem:s26], [sflag:$0x1] =	stream.linear.gather [hbm4b:s30+s1], $0x400, $0x38;
	[tilespmem:$0x8600] =	vst v63  }
0x2ec: {  	s31 =	rddreg [dreg:$0xb];
	s18 =	spop (v2sf)  }
0x2ed: {  	(v2sf) =	vpush v3, $0x6;
	[tilespmem:s29], [sflag:$0x1] =	stream.linear.gather [hbm4b:s18+s1], $0x400, $0x38;
	[tilespmem:$0x8600] =	vst v63  }
0x2ee: {  	s19 =	rddreg [dreg:$0xc];
	s20 =	spop (v2sf)  }
0x2ef: {  	(v2sf) =	vpush v2, $0x7;
	[tilespmem:s31], [sflag:$0x1] =	stream.linear.gather [hbm4b:s20+s1], $0x400, $0x38;
	[tilespmem:$0x8600] =	vst v63  }
0x2f0: {  	s21 =	rddreg [dreg:$0xd];
	s22 =	spop (v2sf)  }
0x2f1: {  	(v2sf) =	vpush v3, $0x7;
	[tilespmem:s19], [sflag:$0x1] =	stream.linear.gather [hbm4b:s22+s1], $0x400, $0x38;
	[tilespmem:$0x8600] =	vst v63  }
0x2f2: {  	s23 =	rddreg [dreg:$0xe];
	s24 =	spop (v2sf)  }
0x2f3: {  	(v2sf) =	vpush v2, $0x8;
	[tilespmem:s21], [sflag:$0x1] =	stream.linear.gather [hbm4b:s24+s1], $0x400, $0x38;
	[tilespmem:$0x8600] =	vst v63  }
0x2f4: {  	s25 =	rddreg [dreg:$0xf];
	s26 =	spop (v2sf)  }
0x2f5: {  	(v2sf) =	vpush v3, $0x8;
	[tilespmem:s23], [sflag:$0x1] =	stream.linear.gather [hbm4b:s26+s1], $0x400, $0x38;
	[tilespmem:$0x8600] =	vst v63  }
0x2f6: {  	s28 =	rddreg [dreg:$0x10];
	s29 =	spop (v2sf)  }
0x2f7: {  	(v2sf) =	vpush v2, $0x9;
	[tilespmem:s25], [sflag:$0x1] =	stream.linear.gather [hbm4b:s29+s1], $0x400, $0x38;
	[tilespmem:$0x8600] =	vst v63  }
0x2f8: {  	s30 =	rddreg [dreg:$0x11];
	s31 =	spop (v2sf)  }
0x2f9: {  	(v2sf) =	vpush v3, $0x9;
	[tilespmem:s28], [sflag:$0x1] =	stream.linear.gather [hbm4b:s31+s1], $0x400, $0x38;
	[tilespmem:$0x8600] =	vst v63  }
0x2fa: {  	s18 =	rddreg [dreg:$0x12];
	s19 =	spop (v2sf)  }
0x2fb: {  	(v2sf) =	vpush v2, $0xA;
	[tilespmem:s30], [sflag:$0x1] =	stream.linear.gather [hbm4b:s19+s1], $0x400, $0x38;
	[tilespmem:$0x8600] =	vst v63  }
0x2fc: {  	s20 =	rddreg [dreg:$0x13];
	s21 =	spop (v2sf)  }
0x2fd: {  	(v2sf) =	vpush v3, $0xA;
	[tilespmem:s18], [sflag:$0x1] =	stream.linear.gather [hbm4b:s21+s1], $0x400, $0x38;
	[tilespmem:$0x8600] =	vst v63  }
0x2fe: {  	s22 =	rddreg [dreg:$0x14];
	s23 =	spop (v2sf)  }
0x2ff: {  	(v2sf) =	vpush v2, $0xB;
	[tilespmem:s20], [sflag:$0x1] =	stream.linear.gather [hbm4b:s23+s1], $0x400, $0x38;
	[tilespmem:$0x8600] =	vst v63  }
0x300: {  	s24 =	rddreg [dreg:$0x15];
	s25 =	spop (v2sf)  }
0x301: {  	(v2sf) =	vpush v3, $0xB;
	[tilespmem:s22], [sflag:$0x1] =	stream.linear.gather [hbm4b:s25+s1], $0x400, $0x38;
	[tilespmem:$0x8600] =	vst v63  }
0x302: {  	s26 =	rddreg [dreg:$0x16];
	s28 =	spop (v2sf)  }
0x303: {  	(v2sf) =	vpush v2, $0xC;
	[tilespmem:s24], [sflag:$0x1] =	stream.linear.gather [hbm4b:s28+s1], $0x400, $0x38;
	[tilespmem:$0x8600] =	vst v63  }
0x304: {  	s29 =	rddreg [dreg:$0x17];
	s30 =	spop (v2sf)  }
0x305: {  	(v2sf) =	vpush v3, $0xC;
	[tilespmem:s26], [sflag:$0x1] =	stream.linear.gather [hbm4b:s30+s1], $0x400, $0x38;
	[tilespmem:$0x8600] =	vst v63  }
0x306: {  	s31 =	rddreg [dreg:$0x18];
	s18 =	spop (v2sf)  }
0x307: {  	(v2sf) =	vpush v2, $0xD;
	[tilespmem:s29], [sflag:$0x1] =	stream.linear.gather [hbm4b:s18+s1], $0x400, $0x38;
	[tilespmem:$0x8600] =	vst v63  }
0x308: {  	s19 =	rddreg [dreg:$0x19];
	s20 =	spop (v2sf)  }
0x309: {  	(v2sf) =	vpush v3, $0xD;
	[tilespmem:s31], [sflag:$0x1] =	stream.linear.gather [hbm4b:s20+s1], $0x400, $0x38;
	[tilespmem:$0x8600] =	vst v63  }
0x30a: {  	s21 =	rddreg [dreg:$0x1a];
	s22 =	spop (v2sf)  }
0x30b: {  	(v2sf) =	vpush v2, $0xE;
	[tilespmem:s19], [sflag:$0x1] =	stream.linear.gather [hbm4b:s22+s1], $0x400, $0x38;
	[tilespmem:$0x8600] =	vst v63  }
0x30c: {  	s23 =	rddreg [dreg:$0x1b];
	s24 =	spop (v2sf)  }
0x30d: {  	(v2sf) =	vpush v3, $0xE;
	[tilespmem:s21], [sflag:$0x1] =	stream.linear.gather [hbm4b:s24+s1], $0x400, $0x38;
	[tilespmem:$0x8600] =	vst v63  }
0x30e: {  	s25 =	rddreg [dreg:$0x1c];
	s26 =	spop (v2sf)  }
0x30f: {  	(v2sf) =	vpush v2, $0xF;
	[tilespmem:s23], [sflag:$0x1] =	stream.linear.gather [hbm4b:s26+s1], $0x400, $0x38;
	[tilespmem:$0x8600] =	vst v63  }
0x310: {  	s28 =	rddreg [dreg:$0x1d];
	s29 =	spop (v2sf)  }
0x311: {  	(v2sf) =	vpush v3, $0xF;
	[tilespmem:s25], [sflag:$0x1] =	stream.linear.gather [hbm4b:s29+s1], $0x400, $0x38;
	[tilespmem:$0x8600] =	vst v63  }
0x312: {  	s30 =	rddreg [dreg:$0x1e];
	s31 =	spop (v2sf)  }
0x313: {  	[tilespmem:s28], [sflag:$0x1] =	stream.linear.gather [hbm4b:s31+s1], $0x400, $0x38;
	[tilespmem:$0x8600] =	vst v63  }
0x314: {  	s18 =	rddreg [dreg:$0x1f];
	s19 =	spop (v2sf)  }
0x315: {  	[tilespmem:s30], [sflag:$0x1] =	stream.linear.gather [hbm4b:s19+s1], $0x400, $0x38;
	[tilespmem:$0x8600] =	vst v63  }
0x316: {  	s20 =	sld [smem:$0x7F9];
	s21 =	spop (v2sf)  }
0x317: {  	[tilespmem:s18], [sflag:$0x1] =	stream.linear.gather [hbm4b:s21+s1], $0x400, $0x38;
	[tilespmem:$0x8600] =	vst v63  }
0x318: {  	s22 =	sld [smem:$0x7FA];
	s23 =	spop (v2sf)  }
0x319: {  	[tilespmem:s20], [sflag:$0x1] =	stream.linear.gather [hbm4b:s23+s1], $0x400, $0x38;
	[tilespmem:$0x8600] =	vst v63  }
0x31a: {  	s24 =	sld [smem:$0x7FB];
	s25 =	spop (v2sf)  }
0x31b: {  	[tilespmem:s22], [sflag:$0x1] =	stream.linear.gather [hbm4b:s25+s1], $0x400, $0x38;
	[tilespmem:$0x8600] =	vst v63  }
0x31c: {  	s26 =	sld [smem:$0x7FC];
	s28 =	spop (v2sf)  }
0x31d: {  	[tilespmem:s24], [sflag:$0x1] =	stream.linear.gather [hbm4b:s28+s1], $0x400, $0x38;
	[tilespmem:$0x8600] =	vst v63  }
0x31e: {  	s29 =	sld [smem:$0x7FD];
	s30 =	spop (v2sf)  }
0x31f: {  	[tilespmem:s26], [sflag:$0x1] =	stream.linear.gather [hbm4b:s30+s1], $0x400, $0x38;
	[tilespmem:$0x8600] =	vst v63  }
0x320: {  	s31 =	spop (v2sf)  }
0x321: {  	[tilespmem:s29], [sflag:$0x1] =	stream.linear.gather [hbm4b:s31+s1], $0x400, $0x38;
	[tilespmem:$0x8600] =	vst v63  }
0x322: {  	_ =	swait.ge [sflag:s11], $0x400  }
0x323: {  	[sflag:s11] =	ssyncset.done $0x0  }
0x324: {  	[sflag:s11] =	ssyncadd.s32 $0xFFFFFC00  }
0x325: {  	_ =	swait.ge [sflag:s11], $0x400  }
0x326: {  	[sflag:s11] =	ssyncset.done $0x0  }
0x327: {  	[sflag:s11] =	ssyncadd.s32 $0xFFFFFC00  }
0x328: {  	_ =	swait.ge [sflag:s11], $0x400  }
0x329: {  	[sflag:s11] =	ssyncset.done $0x0  }
0x32a: {  	[sflag:s11] =	ssyncadd.s32 $0xFFFFFC00  }
0x32b: {  	_ =	swait.ge [sflag:s11], $0x400  }
0x32c: {  	[sflag:s11] =	ssyncset.done $0x0  }
0x32d: {  	[sflag:s11] =	ssyncadd.s32 $0xFFFFFC00  }
0x32e: {  	_ =	swait.ge [sflag:s11], $0x400  }
0x32f: {  	[sflag:s11] =	ssyncset.done $0x0  }
0x330: {  	[sflag:s11] =	ssyncadd.s32 $0xFFFFFC00  }
0x331: {  	_ =	swait.ge [sflag:s11], $0x400  }
0x332: {  	[sflag:s11] =	ssyncset.done $0x0  }
0x333: {  	[sflag:s11] =	ssyncadd.s32 $0xFFFFFC00  }
0x334: {  	_ =	swait.ge [sflag:s11], $0x400  }
0x335: {  	[sflag:s11] =	ssyncset.done $0x0  }
0x336: {  	[sflag:s11] =	ssyncadd.s32 $0xFFFFFC00  }
0x337: {  	_ =	swait.ge [sflag:s11], $0x400  }
0x338: {  	[sflag:s11] =	ssyncset.done $0x0  }
0x339: {  	[sflag:s11] =	ssyncadd.s32 $0xFFFFFC00  }
0x33a: {  	_ =	swait.ge [sflag:s11], $0x400  }
0x33b: {  	[sflag:s11] =	ssyncset.done $0x0  }
0x33c: {  	[sflag:s11] =	ssyncadd.s32 $0xFFFFFC00  }
0x33d: {  	_ =	swait.ge [sflag:s11], $0x400  }
0x33e: {  	[sflag:s11] =	ssyncset.done $0x0  }
0x33f: {  	[sflag:s11] =	ssyncadd.s32 $0xFFFFFC00  }
0x340: {  	_ =	swait.ge [sflag:s11], $0x400  }
0x341: {  	[sflag:s11] =	ssyncset.done $0x0  }
0x342: {  	[sflag:s11] =	ssyncadd.s32 $0xFFFFFC00  }
0x343: {  	_ =	swait.ge [sflag:s11], $0x400  }
0x344: {  	[sflag:s11] =	ssyncset.done $0x0  }
0x345: {  	[sflag:s11] =	ssyncadd.s32 $0xFFFFFC00  }
0x346: {  	_ =	swait.ge [sflag:s11], $0x400  }
0x347: {  	[sflag:s11] =	ssyncset.done $0x0  }
0x348: {  	[sflag:s11] =	ssyncadd.s32 $0xFFFFFC00  }
0x349: {  	_ =	swait.ge [sflag:s11], $0x400  }
0x34a: {  	[sflag:s11] =	ssyncset.done $0x0  }
0x34b: {  	[sflag:s11] =	ssyncadd.s32 $0xFFFFFC00  }
0x34c: {  	_ =	swait.ge [sflag:s11], $0x400  }
0x34d: {  	[sflag:s11] =	ssyncset.done $0x0  }
0x34e: {  	[sflag:s11] =	ssyncadd.s32 $0xFFFFFC00  }
0x34f: {  	_ =	swait.ge [sflag:s11], $0x400  }
0x350: {  	[sflag:s11] =	ssyncset.done $0x0  }
0x351: {  	[sflag:s11] =	ssyncadd.s32 $0xFFFFFC00  }
0x352: {  	_ =	swait.ge [sflag:s11], $0x400  }
0x353: {  	[sflag:s11] =	ssyncset.done $0x0  }
0x354: {  	[sflag:s11] =	ssyncadd.s32 $0xFFFFFC00  }
0x355: {  	_ =	swait.ge [sflag:s11], $0x400  }
0x356: {  	[sflag:s11] =	ssyncset.done $0x0  }
0x357: {  	[sflag:s11] =	ssyncadd.s32 $0xFFFFFC00  }
0x358: {  	_ =	swait.ge [sflag:s11], $0x400  }
0x359: {  	[sflag:s11] =	ssyncset.done $0x0  }
0x35a: {  	[sflag:s11] =	ssyncadd.s32 $0xFFFFFC00  }
0x35b: {  	_ =	swait.ge [sflag:s11], $0x400  }
0x35c: {  	[sflag:s11] =	ssyncset.done $0x0  }
0x35d: {  	[sflag:s11] =	ssyncadd.s32 $0xFFFFFC00  }
0x35e: {  	_ =	swait.ge [sflag:s11], $0x400  }
0x35f: {  	[sflag:s11] =	ssyncset.done $0x0  }
0x360: {  	[sflag:s11] =	ssyncadd.s32 $0xFFFFFC00  }
0x361: {  	_ =	swait.ge [sflag:s11], $0x400  }
0x362: {  	[sflag:s11] =	ssyncset.done $0x0  }
0x363: {  	[sflag:s11] =	ssyncadd.s32 $0xFFFFFC00  }
0x364: {  	_ =	swait.ge [sflag:s11], $0x400  }
0x365: {  	[sflag:s11] =	ssyncset.done $0x0  }
0x366: {  	[sflag:s11] =	ssyncadd.s32 $0xFFFFFC00  }
0x367: {  	_ =	swait.ge [sflag:s11], $0x400  }
0x368: {  	[sflag:s11] =	ssyncset.done $0x0  }
0x369: {  	[sflag:s11] =	ssyncadd.s32 $0xFFFFFC00  }
0x36a: {  	_ =	swait.ge [sflag:s11], $0x400  }
0x36b: {  	[sflag:s11] =	ssyncset.done $0x0  }
0x36c: {  	[sflag:s11] =	ssyncadd.s32 $0xFFFFFC00  }
0x36d: {  	_ =	swait.ge [sflag:s11], $0x400  }
0x36e: {  	[sflag:s11] =	ssyncset.done $0x0  }
0x36f: {  	[sflag:s11] =	ssyncadd.s32 $0xFFFFFC00  }
0x370: {  	_ =	swait.ge [sflag:s11], $0x400  }
0x371: {  	[sflag:s11] =	ssyncset.done $0x0  }
0x372: {  	[sflag:s11] =	ssyncadd.s32 $0xFFFFFC00  }
0x373: {  	_ =	swait.ge [sflag:s11], $0x400  }
0x374: {  	[sflag:s11] =	ssyncset.done $0x0  }
0x375: {  	[sflag:s11] =	ssyncadd.s32 $0xFFFFFC00  }
0x376: {  	_ =	swait.ge [sflag:s11], $0x400  }
0x377: {  	[sflag:s11] =	ssyncset.done $0x0  }
0x378: {  	[sflag:s11] =	ssyncadd.s32 $0xFFFFFC00  }
0x379: {  	_ =	swait.ge [sflag:s11], $0x400  }
0x37a: {  	[sflag:s11] =	ssyncset.done $0x0  }
0x37b: {  	[sflag:s11] =	ssyncadd.s32 $0xFFFFFC00  }
0x37c: {  	_ =	swait.ge [sflag:s11], $0x400  }
0x37d: {  	v11 =	vld [tilespmem:$0x1FFF0];
	_ =	sdelay $0x1  }
0x37e: {  	[sflag:s11] =	ssyncset.done $0x0;
	v13 =	vld [tilespmem:$0x1FEE0]  }
0x37f: {  	[sflag:s11] =	ssyncadd.s32 $0xFFFFFC00  }
0x380: {  	v1 =	vshll.u32 v1, $0x7;
	_ =	swait.ge [sflag:s11], $0x400  }
0x381: {  	v1 =	vand.u32 $0x380, v1;
	v7 =	vld [tilespmem:$0x1FEF0];
	v12 =	vor.u32 v11, v0  }
0x382: {  	v9 =	vld [tilespmem:$0x1FF00];
	v3 =	vor.u32 v11, v1  }
0x383: {  	v15 =	vld [tilespmem:$0x1FF40];
	v14 =	vor.u32 v13, v0  }
0x384: {  	[sflag:s11] =	ssyncset.done $0x0;
	v5 =	vor.u32 v13, v1;
	v11 =	vld [tilespmem:$0x1FF10]  }
0x385: {  	[sflag:s11] =	ssyncadd.s32 $0xFFFFFC00;
	v13 =	vld [tilespmem:$0x1FF20]  }
0x386: {  	v6 =	vor.u32 v7, v0;
	v2 =	vld.idx.msk [tilespmem:v12+s9+$0x0], $0xffff  }
0x387: {  	v7 =	vor.u32 v7, v1;
	v3 =	vld.idx.msk [tilespmem:v3+s10+$0x0], $0xffff  }
0x388: {  	v4 =	vld.idx.msk [tilespmem:v14+s9+$0x0], $0xffff  }
0x389: {  	v8 =	vor.u32 v9, v0;
	v5 =	vld.idx.msk [tilespmem:v5+s10+$0x0], $0xffff  }
0x38a: {  	v9 =	vor.u32 v9, v1;
	v14 =	vld [tilespmem:$0x1FF30]  }
0x38b: {  	v10 =	vor.u32 v11, v0;
	v6 =	vld.idx.msk [tilespmem:v6+s9+$0x0], $0xffff  }
0x38c: {  	v7 =	vld.idx.msk [tilespmem:v7+s10+$0x0], $0xffff;
	_ =	sdelay $0x1  }
0x38d: {  	v11 =	vor.u32 v11, v1;
	v8 =	vld.idx.msk [tilespmem:v8+s9+$0x0], $0xffff  }
0x38e: {  	v12 =	vor.u32 v13, v0;
	v13 =	vor.u32 v13, v1;
	v2 =	vmul.f32 v3, v2;
	v3 =	vld.idx.msk [tilespmem:v9+s10+$0x0], $0xffff  }
0x38f: {  	v9 =	vor.u32 v14, v0;
	v4 =	vmul.f32 v5, v4;
	v5 =	vld.idx.msk [tilespmem:v10+s9+$0x0], $0xffff;
	v10 =	vor.u32 v14, v1  }
0x390: {  	v14 =	vor.u32 v15, v0;
	v6 =	vmul.f32 v7, v6;
	v7 =	vor.u32 v15, v1;
	v15 =	vld [tilespmem:$0x1FF50];
	_ =	sdelay $0x1  }
0x391: {  	v2 =	vadd.f32 $0.0e+00, v2  }
0x392: {  	v11 =	vld.idx.msk [tilespmem:v11+s10+$0x0], $0xffff  }
0x393: {  	v2 =	vadd.f32 v4, v2;
	v4 =	vld.idx.msk [tilespmem:v13+s10+$0x0], $0xffff  }
0x394: {  	v3 =	vmul.f32 v3, v8;
	v13 =	vor.u32 v15, v0;
	v8 =	vor.u32 v15, v1;
	v15 =	vld [tilespmem:$0x1FF60];
	_ =	sdelay $0x2  }
0x395: {  	v12 =	vld.idx.msk [tilespmem:v12+s9+$0x0], $0xffff  }
0x396: {  	v2 =	vadd.f32 v6, v2;
	v6 =	vld.idx.msk [tilespmem:v10+s10+$0x0], $0xffff  }
0x397: {  	v5 =	vmul.f32 v11, v5;
	v10 =	vor.u32 v15, v0;
	v11 =	vor.u32 v15, v1;
	v15 =	vld [tilespmem:$0x1FF70];
	_ =	sdelay $0x2  }
0x398: {  	v9 =	vld.idx.msk [tilespmem:v9+s9+$0x0], $0xffff  }
0x399: {  	v2 =	vadd.f32 v3, v2;
	v3 =	vld.idx.msk [tilespmem:v7+s10+$0x0], $0xffff  }
0x39a: {  	v4 =	vmul.f32 v4, v12;
	v7 =	vor.u32 v15, v0;
	v12 =	vor.u32 v15, v1;
	v15 =	vld [tilespmem:$0x1FF80];
	_ =	sdelay $0x2  }
0x39b: {  	v14 =	vld.idx.msk [tilespmem:v14+s9+$0x0], $0xffff  }
0x39c: {  	v2 =	vadd.f32 v5, v2;
	v5 =	vld.idx.msk [tilespmem:v8+s10+$0x0], $0xffff  }
0x39d: {  	v6 =	vmul.f32 v6, v9;
	v8 =	vor.u32 v15, v0;
	v9 =	vor.u32 v15, v1;
	v15 =	vld [tilespmem:$0x1FF90];
	_ =	sdelay $0x2  }
0x39e: {  	v13 =	vld.idx.msk [tilespmem:v13+s9+$0x0], $0xffff  }
0x39f: {  	v2 =	vadd.f32 v4, v2;
	v4 =	vld.idx.msk [tilespmem:v11+s10+$0x0], $0xffff  }
0x3a0: {  	v3 =	vmul.f32 v3, v14;
	v11 =	vor.u32 v15, v0;
	v14 =	vor.u32 v15, v1;
	v15 =	vld [tilespmem:$0x1FFA0];
	_ =	sdelay $0x2  }
0x3a1: {  	v10 =	vld.idx.msk [tilespmem:v10+s9+$0x0], $0xffff  }
0x3a2: {  	v2 =	vadd.f32 v6, v2;
	v6 =	vld.idx.msk [tilespmem:v12+s10+$0x0], $0xffff  }
0x3a3: {  	v5 =	vmul.f32 v5, v13;
	v12 =	vor.u32 v15, v0;
	v13 =	vor.u32 v15, v1;
	v15 =	vld [tilespmem:$0x1FFB0];
	_ =	sdelay $0x2  }
0x3a4: {  	v7 =	vld.idx.msk [tilespmem:v7+s9+$0x0], $0xffff  }
0x3a5: {  	v2 =	vadd.f32 v3, v2;
	v3 =	vld.idx.msk [tilespmem:v9+s10+$0x0], $0xffff  }
0x3a6: {  	v4 =	vmul.f32 v4, v10;
	v9 =	vor.u32 v15, v0;
	v10 =	vor.u32 v15, v1;
	v15 =	vld [tilespmem:$0x1FFC0];
	_ =	sdelay $0x2  }
0x3a7: {  	v8 =	vld.idx.msk [tilespmem:v8+s9+$0x0], $0xffff  }
0x3a8: {  	v2 =	vadd.f32 v5, v2;
	v5 =	vld.idx.msk [tilespmem:v14+s10+$0x0], $0xffff  }
0x3a9: {  	v6 =	vmul.f32 v6, v7;
	v14 =	vor.u32 v15, v0;
	v7 =	vor.u32 v15, v1;
	v15 =	vld [tilespmem:$0x1FFD0];
	_ =	sdelay $0x3  }
0x3aa: {  	v2 =	vadd.f32 v4, v2;
	v4 =	vld.idx.msk [tilespmem:v13+s10+$0x0], $0xffff  }
0x3ab: {  	v3 =	vmul.f32 v3, v8;
	v13 =	vor.u32 v15, v0;
	v8 =	vor.u32 v15, v1;
	v15 =	vld [tilespmem:$0x1FFE0]  }
0x3ac: {  	v11 =	vld.idx.msk [tilespmem:v11+s9+$0x0], $0xffff  }
0x3ad: {  	v12 =	vld.idx.msk [tilespmem:v12+s9+$0x0], $0xffff  }
0x3ae: {  	v9 =	vld.idx.msk [tilespmem:v9+s9+$0x0], $0xffff  }
0x3af: {  	v2 =	vadd.f32 v6, v2;
	v6 =	vld.idx.msk [tilespmem:v10+s10+$0x0], $0xffff  }
0x3b0: {  	v14 =	vld.idx.msk [tilespmem:v14+s9+$0x0], $0xffff;
	v10 =	vor.u32 v15, v0  }
0x3b1: {  	v2 =	vadd.f32 v3, v2;
	v5 =	vmul.f32 v5, v11;
	v3 =	vld.idx.msk [tilespmem:v7+s10+$0x0], $0xffff;
	v11 =	vor.u32 v15, v1  }
0x3b2: {  	v4 =	vmul.f32 v4, v12;
	v12 =	vor.u32 v18, v1  }
0x3b3: {  	v2 =	vadd.f32 v5, v2;
	v7 =	vor.u32 v18, v0;
	v13 =	vld.idx.msk [tilespmem:v13+s9+$0x0], $0xffff  }
0x3b4: {  	v6 =	vmul.f32 v6, v9;
	v9 =	vor.u32 v19, v1;
	v5 =	vld.idx.msk [tilespmem:v8+s10+$0x0], $0xffff  }
0x3b5: {  	v2 =	vadd.f32 v4, v2;
	v8 =	vor.u32 v19, v0;
	v10 =	vld.idx.msk [tilespmem:v10+s9+$0x0], $0xffff  }
0x3b6: {  	v3 =	vmul.f32 v3, v14;
	v14 =	vor.u32 v20, v1;
	v4 =	vld.idx.msk [tilespmem:v11+s10+$0x0], $0xffff  }
0x3b7: {  	v2 =	vadd.f32 v6, v2;
	v6 =	vld.idx.msk [tilespmem:v12+s10+$0x0], $0xffff;
	v11 =	vor.u32 v20, v0  }
0x3b8: {  	v12 =	vor.u32 v21, v0;
	v7 =	vld.idx.msk [tilespmem:v7+s9+$0x0], $0xffff  }
0x3b9: {  	v2 =	vadd.f32 v3, v2;
	v3 =	vld.idx.msk [tilespmem:v9+s10+$0x0], $0xffff;
	v5 =	vmul.f32 v5, v13;
	v13 =	vor.u32 v21, v1  }
0x3ba: {  	v9 =	vor.u32 v22, v0;
	v8 =	vld.idx.msk [tilespmem:v8+s9+$0x0], $0xffff  }
0x3bb: {  	v2 =	vadd.f32 v5, v2;
	v5 =	vld.idx.msk [tilespmem:v14+s10+$0x0], $0xffff;
	v4 =	vmul.f32 v4, v10;
	v10 =	vor.u32 v22, v1  }
0x3bc: {  	v14 =	vor.u32 v23, v0;
	v11 =	vld.idx.msk [tilespmem:v11+s9+$0x0], $0xffff  }
0x3bd: {  	v12 =	vld.idx.msk [tilespmem:v12+s9+$0x0], $0xffff;
	v6 =	vmul.f32 v6, v7;
	v7 =	vor.u32 v23, v1;
	v2 =	vadd.f32 v4, v2  }
0x3be: {  	v4 =	vld.idx.msk [tilespmem:v13+s10+$0x0], $0xffff;
	v13 =	vor.u32 v24, v0  }
0x3bf: {  	v9 =	vld.idx.msk [tilespmem:v9+s9+$0x0], $0xffff;
	v3 =	vmul.f32 v3, v8;
	v8 =	vor.u32 v24, v1;
	v2 =	vadd.f32 v6, v2  }
0x3c0: {  	v6 =	vld.idx.msk [tilespmem:v10+s10+$0x0], $0xffff;
	v10 =	vor.u32 v25, v0  }
0x3c1: {  	v14 =	vld.idx.msk [tilespmem:v14+s9+$0x0], $0xffff;
	v5 =	vmul.f32 v5, v11;
	v11 =	vor.u32 v25, v1;
	v2 =	vadd.f32 v3, v2  }
0x3c2: {  	v3 =	vld.idx.msk [tilespmem:v7+s10+$0x0], $0xffff;
	v7 =	vor.u32 v26, v0  }
0x3c3: {  	v13 =	vld.idx.msk [tilespmem:v13+s9+$0x0], $0xffff;
	v4 =	vmul.f32 v4, v12;
	v12 =	vor.u32 v26, v1;
	v2 =	vadd.f32 v5, v2  }
0x3c4: {  	v5 =	vld.idx.msk [tilespmem:v8+s10+$0x0], $0xffff;
	v8 =	vor.u32 v27, v0  }
0x3c5: {  	v10 =	vld.idx.msk [tilespmem:v10+s9+$0x0], $0xffff;
	v6 =	vmul.f32 v6, v9;
	v9 =	vor.u32 v27, v1;
	v2 =	vadd.f32 v4, v2  }
0x3c6: {  	v4 =	vld.idx.msk [tilespmem:v11+s10+$0x0], $0xffff;
	v11 =	vor.u32 v28, v0  }
0x3c7: {  	v7 =	vld.idx.msk [tilespmem:v7+s9+$0x0], $0xffff;
	v3 =	vmul.f32 v3, v14;
	v14 =	vor.u32 v28, v1;
	v2 =	vadd.f32 v6, v2  }
0x3c8: {  	v6 =	vld.idx.msk [tilespmem:v12+s10+$0x0], $0xffff;
	v12 =	vor.u32 v29, v0  }
0x3c9: {  	v8 =	vld.idx.msk [tilespmem:v8+s9+$0x0], $0xffff;
	v5 =	vmul.f32 v5, v13;
	v13 =	vor.u32 v29, v1;
	v2 =	vadd.f32 v3, v2  }
0x3ca: {  	v3 =	vld.idx.msk [tilespmem:v9+s10+$0x0], $0xffff;
	v9 =	vor.u32 v30, v0  }
0x3cb: {  	v11 =	vld.idx.msk [tilespmem:v11+s9+$0x0], $0xffff;
	v4 =	vmul.f32 v4, v10;
	v10 =	vor.u32 v30, v1;
	v2 =	vadd.f32 v5, v2  }
0x3cc: {  	v5 =	vld.idx.msk [tilespmem:v14+s10+$0x0], $0xffff;
	v14 =	vor.u32 v31, v0  }
0x3cd: {  	v12 =	vld.idx.msk [tilespmem:v12+s9+$0x0], $0xffff;
	v6 =	vmul.f32 v6, v7;
	v7 =	vor.u32 v31, v1;
	v2 =	vadd.f32 v4, v2  }
0x3ce: {  	v4 =	vld.idx.msk [tilespmem:v13+s10+$0x0], $0xffff;
	v13 =	vor.u32 v32, v0  }
0x3cf: {  	v9 =	vld.idx.msk [tilespmem:v9+s9+$0x0], $0xffff;
	v3 =	vmul.f32 v3, v8;
	v8 =	vor.u32 v32, v1;
	v2 =	vadd.f32 v6, v2  }
0x3d0: {  	v6 =	vld.idx.msk [tilespmem:v10+s10+$0x0], $0xffff;
	v10 =	vor.u32 v33, v0  }
0x3d1: {  	v14 =	vld.idx.msk [tilespmem:v14+s9+$0x0], $0xffff;
	v5 =	vmul.f32 v5, v11;
	v11 =	vor.u32 v33, v1;
	v2 =	vadd.f32 v3, v2  }
0x3d2: {  	v3 =	vld.idx.msk [tilespmem:v7+s10+$0x0], $0xffff;
	v7 =	vor.u32 v34, v0  }
0x3d3: {  	v13 =	vld.idx.msk [tilespmem:v13+s9+$0x0], $0xffff;
	v4 =	vmul.f32 v4, v12;
	v12 =	vor.u32 v34, v1;
	v2 =	vadd.f32 v5, v2  }
0x3d4: {  	v5 =	vld.idx.msk [tilespmem:v8+s10+$0x0], $0xffff;
	v8 =	vor.u32 v35, v0  }
0x3d5: {  	v10 =	vld.idx.msk [tilespmem:v10+s9+$0x0], $0xffff;
	v6 =	vmul.f32 v6, v9;
	v9 =	vor.u32 v35, v1;
	v2 =	vadd.f32 v4, v2  }
0x3d6: {  	v4 =	vld.idx.msk [tilespmem:v11+s10+$0x0], $0xffff;
	v11 =	vor.u32 v36, v0  }
0x3d7: {  	v7 =	vld.idx.msk [tilespmem:v7+s9+$0x0], $0xffff;
	v3 =	vmul.f32 v3, v14;
	v14 =	vor.u32 v36, v1;
	v2 =	vadd.f32 v6, v2  }
0x3d8: {  	v6 =	vld.idx.msk [tilespmem:v12+s10+$0x0], $0xffff;
	v12 =	vor.u32 v37, v0  }
0x3d9: {  	v8 =	vld.idx.msk [tilespmem:v8+s9+$0x0], $0xffff;
	v5 =	vmul.f32 v5, v13;
	v13 =	vor.u32 v37, v1;
	v2 =	vadd.f32 v3, v2  }
0x3da: {  	v3 =	vld.idx.msk [tilespmem:v9+s10+$0x0], $0xffff;
	v9 =	vor.u32 v38, v0  }
0x3db: {  	v11 =	vld.idx.msk [tilespmem:v11+s9+$0x0], $0xffff;
	v4 =	vmul.f32 v4, v10;
	v10 =	vor.u32 v38, v1;
	v2 =	vadd.f32 v5, v2  }
0x3dc: {  	v5 =	vld.idx.msk [tilespmem:v14+s10+$0x0], $0xffff;
	v14 =	vor.u32 v39, v0  }
0x3dd: {  	v12 =	vld.idx.msk [tilespmem:v12+s9+$0x0], $0xffff;
	v6 =	vmul.f32 v6, v7;
	v7 =	vor.u32 v39, v1;
	v2 =	vadd.f32 v4, v2  }
0x3de: {  	v4 =	vld.idx.msk [tilespmem:v13+s10+$0x0], $0xffff;
	v13 =	vor.u32 v40, v0  }
0x3df: {  	v9 =	vld.idx.msk [tilespmem:v9+s9+$0x0], $0xffff;
	v3 =	vmul.f32 v3, v8;
	v8 =	vor.u32 v40, v1;
	v2 =	vadd.f32 v6, v2  }
0x3e0: {  	v6 =	vld.idx.msk [tilespmem:v10+s10+$0x0], $0xffff;
	v10 =	vor.u32 v41, v0  }
0x3e1: {  	v14 =	vld.idx.msk [tilespmem:v14+s9+$0x0], $0xffff;
	v5 =	vmul.f32 v5, v11;
	v11 =	vor.u32 v41, v1;
	v2 =	vadd.f32 v3, v2  }
0x3e2: {  	v3 =	vld.idx.msk [tilespmem:v7+s10+$0x0], $0xffff;
	v7 =	vor.u32 v42, v0  }
0x3e3: {  	v13 =	vld.idx.msk [tilespmem:v13+s9+$0x0], $0xffff;
	v4 =	vmul.f32 v4, v12;
	v12 =	vor.u32 v42, v1;
	v2 =	vadd.f32 v5, v2  }
0x3e4: {  	v5 =	vld.idx.msk [tilespmem:v8+s10+$0x0], $0xffff;
	v8 =	vor.u32 v43, v0  }
0x3e5: {  	v10 =	vld.idx.msk [tilespmem:v10+s9+$0x0], $0xffff;
	v6 =	vmul.f32 v6, v9;
	v9 =	vor.u32 v43, v1;
	v2 =	vadd.f32 v4, v2  }
0x3e6: {  	v4 =	vld.idx.msk [tilespmem:v11+s10+$0x0], $0xffff;
	v11 =	vor.u32 v44, v0  }
0x3e7: {  	v7 =	vld.idx.msk [tilespmem:v7+s9+$0x0], $0xffff;
	v3 =	vmul.f32 v3, v14;
	v14 =	vor.u32 v44, v1;
	v2 =	vadd.f32 v6, v2  }
0x3e8: {  	v6 =	vld.idx.msk [tilespmem:v12+s10+$0x0], $0xffff;
	v12 =	vor.u32 v45, v0  }
0x3e9: {  	v8 =	vld.idx.msk [tilespmem:v8+s9+$0x0], $0xffff;
	v5 =	vmul.f32 v5, v13;
	v13 =	vor.u32 v45, v1;
	v2 =	vadd.f32 v3, v2  }
0x3ea: {  	v3 =	vld.idx.msk [tilespmem:v9+s10+$0x0], $0xffff;
	v9 =	vor.u32 v46, v0  }
0x3eb: {  	v11 =	vld.idx.msk [tilespmem:v11+s9+$0x0], $0xffff;
	v4 =	vmul.f32 v4, v10;
	v10 =	vor.u32 v46, v1;
	v2 =	vadd.f32 v5, v2  }
0x3ec: {  	v5 =	vld.idx.msk [tilespmem:v14+s10+$0x0], $0xffff;
	v14 =	vor.u32 v47, v0  }
0x3ed: {  	v12 =	vld.idx.msk [tilespmem:v12+s9+$0x0], $0xffff;
	v6 =	vmul.f32 v6, v7;
	v7 =	vor.u32 v47, v1;
	v2 =	vadd.f32 v4, v2  }
0x3ee: {  	v4 =	vld.idx.msk [tilespmem:v13+s10+$0x0], $0xffff;
	v13 =	vor.u32 v48, v0  }
0x3ef: {  	v9 =	vld.idx.msk [tilespmem:v9+s9+$0x0], $0xffff;
	v3 =	vmul.f32 v3, v8;
	v8 =	vor.u32 v48, v1;
	v2 =	vadd.f32 v6, v2  }
0x3f0: {  	v6 =	vld.idx.msk [tilespmem:v10+s10+$0x0], $0xffff;
	v10 =	vor.u32 v49, v0  }
0x3f1: {  	v14 =	vld.idx.msk [tilespmem:v14+s9+$0x0], $0xffff;
	v5 =	vmul.f32 v5, v11;
	v11 =	vor.u32 v49, v1;
	v2 =	vadd.f32 v3, v2  }
0x3f2: {  	v3 =	vld.idx.msk [tilespmem:v7+s10+$0x0], $0xffff;
	v7 =	vor.u32 v50, v0  }
0x3f3: {  	v13 =	vld.idx.msk [tilespmem:v13+s9+$0x0], $0xffff;
	v4 =	vmul.f32 v4, v12;
	v12 =	vor.u32 v50, v1;
	v2 =	vadd.f32 v5, v2  }
0x3f4: {  	v5 =	vld.idx.msk [tilespmem:v8+s10+$0x0], $0xffff;
	v8 =	vor.u32 v51, v0  }
0x3f5: {  	v10 =	vld.idx.msk [tilespmem:v10+s9+$0x0], $0xffff;
	v6 =	vmul.f32 v6, v9;
	v9 =	vor.u32 v51, v1;
	v2 =	vadd.f32 v4, v2  }
0x3f6: {  	v4 =	vld.idx.msk [tilespmem:v11+s10+$0x0], $0xffff;
	v11 =	vor.u32 v52, v0  }
0x3f7: {  	v7 =	vld.idx.msk [tilespmem:v7+s9+$0x0], $0xffff;
	v3 =	vmul.f32 v3, v14;
	v14 =	vor.u32 v52, v1;
	v2 =	vadd.f32 v6, v2  }
0x3f8: {  	v6 =	vld.idx.msk [tilespmem:v12+s10+$0x0], $0xffff;
	v12 =	vor.u32 v53, v0  }
0x3f9: {  	v8 =	vld.idx.msk [tilespmem:v8+s9+$0x0], $0xffff;
	v5 =	vmul.f32 v5, v13;
	v13 =	vor.u32 v53, v1;
	v2 =	vadd.f32 v3, v2  }
0x3fa: {  	v3 =	vld.idx.msk [tilespmem:v9+s10+$0x0], $0xffff;
	v9 =	vor.u32 v54, v0  }
0x3fb: {  	v11 =	vld.idx.msk [tilespmem:v11+s9+$0x0], $0xffff;
	v4 =	vmul.f32 v4, v10;
	v10 =	vor.u32 v54, v1;
	v2 =	vadd.f32 v5, v2  }
0x3fc: {  	v5 =	vld.idx.msk [tilespmem:v14+s10+$0x0], $0xffff;
	v14 =	vor.u32 v55, v0  }
0x3fd: {  	v12 =	vld.idx.msk [tilespmem:v12+s9+$0x0], $0xffff;
	v6 =	vmul.f32 v6, v7;
	v7 =	vor.u32 v55, v1;
	v2 =	vadd.f32 v4, v2  }
0x3fe: {  	v4 =	vld.idx.msk [tilespmem:v13+s10+$0x0], $0xffff;
	v13 =	vor.u32 v56, v0  }
0x3ff: {  	v9 =	vld.idx.msk [tilespmem:v9+s9+$0x0], $0xffff;
	v3 =	vmul.f32 v3, v8;
	v8 =	vor.u32 v56, v1;
	v2 =	vadd.f32 v6, v2  }
0x400: {  	v6 =	vld.idx.msk [tilespmem:v10+s10+$0x0], $0xffff;
	v10 =	vor.u32 v57, v0  }
0x401: {  	v14 =	vld.idx.msk [tilespmem:v14+s9+$0x0], $0xffff;
	v5 =	vmul.f32 v5, v11;
	v11 =	vor.u32 v57, v1;
	v2 =	vadd.f32 v3, v2  }
0x402: {  	v3 =	vld.idx.msk [tilespmem:v7+s10+$0x0], $0xffff;
	v7 =	vor.u32 v58, v0  }
0x403: {  	v13 =	vld.idx.msk [tilespmem:v13+s9+$0x0], $0xffff;
	v4 =	vmul.f32 v4, v12;
	v12 =	vor.u32 v58, v1;
	v2 =	vadd.f32 v5, v2  }
0x404: {  	v5 =	vld.idx.msk [tilespmem:v8+s10+$0x0], $0xffff;
	v8 =	vor.u32 v59, v0  }
0x405: {  	v10 =	vld.idx.msk [tilespmem:v10+s9+$0x0], $0xffff;
	v6 =	vmul.f32 v6, v9;
	v9 =	vor.u32 v59, v1;
	v2 =	vadd.f32 v4, v2  }
0x406: {  	v4 =	vld.idx.msk [tilespmem:v11+s10+$0x0], $0xffff;
	v11 =	vor.u32 v60, v0  }
0x407: {  	v7 =	vld.idx.msk [tilespmem:v7+s9+$0x0], $0xffff;
	v3 =	vmul.f32 v3, v14;
	v14 =	vor.u32 v60, v1;
	v2 =	vadd.f32 v6, v2  }
0x408: {  	v6 =	vld.idx.msk [tilespmem:v12+s10+$0x0], $0xffff;
	v12 =	vor.u32 v61, v0  }
0x409: {  	v8 =	vld.idx.msk [tilespmem:v8+s9+$0x0], $0xffff;
	v5 =	vmul.f32 v5, v13;
	v13 =	vor.u32 v61, v1;
	v2 =	vadd.f32 v3, v2  }
0x40a: {  	v15 =	vor.u32 v62, v0;
	v3 =	vld.idx.msk [tilespmem:v9+s10+$0x0], $0xffff  }
0x40b: {  	v4 =	vmul.f32 v4, v10;
	v10 =	vld.idx.msk [tilespmem:v11+s9+$0x0], $0xffff;
	v2 =	vadd.f32 v5, v2;
	v5 =	vor.u32 v62, v1  }
0x40c: {  	v0 =	vor.u32 v63, v0;
	v11 =	vld.idx.msk [tilespmem:v14+s10+$0x0], $0xffff  }
0x40d: {  	v1 =	vor.u32 v63, v1;
	v6 =	vmul.f32 v6, v7;
	v2 =	vadd.f32 v4, v2;
	v4 =	vld.idx.msk [tilespmem:v12+s9+$0x0], $0xffff  }
0x40e: {  	v14 =	vld.idx.msk [tilespmem:v13+s10+$0x0], $0xffff  }
0x40f: {  	v15 =	vld.idx.msk [tilespmem:v15+s9+$0x0], $0xffff;
	v3 =	vmul.f32 v3, v8;
	v2 =	vadd.f32 v6, v2  }
0x410: {  	v5 =	vld.idx.msk [tilespmem:v5+s10+$0x0], $0xffff  }
0x411: {  	v0 =	vld.idx.msk [tilespmem:v0+s9+$0x0], $0xffff;
	v12 =	vmul.f32 v11, v10;
	v2 =	vadd.f32 v3, v2  }
0x412: {  	v1 =	vld.idx.msk [tilespmem:v1+s10+$0x0], $0xffff  }
0x413: {  	v13 =	vmul.f32 v14, v4;
	v2 =	vadd.f32 v12, v2;
	_ =	sdelay $0x1  }
0x414: {  	v14 =	vmul.f32 v5, v15;
	v2 =	vadd.f32 v13, v2;
	_ =	sdelay $0x1  }
0x415: {  	v0 =	vmul.f32 v1, v0;
	v15 =	vadd.f32 v14, v2;
	_ =	sdelay $0x1  }
0x416: {  	s13 =	sadd.s32 $0x1, s13;
	v0 =	vadd.f32 v0, v15  }
0x417: {  	p0 =	sne.s32 s13, s6  }
.Ltmp1:
0x418: {  	[tilespmem:s17+$0x8400] =	vst v0;
	(pc) =	sbr.rel @p0 .LBB2_1-.Ltmp1, $4  }
0x419: {  	[hbm4b:s5+s1] =	stream.linear.scatter [tilespmem:s12], [sflag:$0x2], $0x200, $0x38;
	[tilespmem:$0x8600] =	vst v63  }
0x41a: {  	_ =	swait.ge [sflag:s7], $0x200  }
0x41b: {  	[sflag:s7] =	ssyncset.done $0x0  }
0x41c: {  	[sflag:s7] =	ssyncadd.s32 $0xFFFFFE00  }
0x41d: {  	_ =	sfence.sel $0x180000  }
0x41e: {  	[bflag:$0x0] =	sbarrier.arrive $0xFFFF  }
0x41f: {  	p0 =	sne.s32 s2, $0x0;
	_ =	strace $0x90000047  }
0x420: {  	s0 =	sadd.s32 @!p0 $0x100000, s0;
	[bflag:$0x2] =	sbarrier.arrive $0xFFFF  }
0x421: {  	[sflag:s0] =	ssyncadd.tile.s32 @!p0 $0x1;
	_ =	shalt  }
.Lfunc_end2:
_tile_overlayer_lowered:
.L_overlay_start_2:
0x422: {  	(tag) =	ssettag $0x2  }
0x423: {  	s0 =	rddreg [dreg:$0x0];
	s2 =	stileid.u32  }
0x424: {  	s1 =	rddreg [dreg:$0x1];
	p0 =	sne.s32 s2, $0x0  }
0x425: {  	s3 =	rddreg [dreg:$0x2];
	[bflag:$0x3] =	sbarrier.arrive $0xFFFF;
	s2 =	simm.s32 @!p0 $0x1C02  }
0x426: {  	[timem:s3], [sflag:s2] =	dma.local @!p0 [hbm:s0], s1  }
0x427: {  	s0 =	simm.s32 @!p0 $0x2  }
0x428: {  	_ =	swait.ge @!p0 [sflag:s0], s1  }
0x429: {  	s1 =	ssub.s32 @!p0 $0x0, s1;
	[sflag:s0] =	ssyncset.done @!p0 $0x0  }
0x42a: {  	[sflag:s0] =	ssyncadd.s32 @!p0 s1  }
0x42b: {  	[bflag:$0x3] =	sbarrier.arrive $0xFFFF  }
0x42c: {  	_ =	shalt  }

</sc_bundles>
